<compile_context>
chip_gen: v7x
topology: tpu7x:2x2x1
jax: 0.10.2.dev20260603
libtpu: 0.0.44.dev20260713+nightly
codegen_flags: <defaults>
</compile_context>

<pallas_src>
import functools

import jax
import jax.numpy as jnp
from jax import lax
from jax.experimental import pallas as pl
from jax.experimental.pallas import tpu as pltpu
from jax.experimental.pallas import tpu_sc as plsc

N = 10000
D_IN = 128
D_G = 128
D_H = 256
D_L = 64
E_TOT = 320000

_NC = 2
_NS = 16
_NW = _NC * _NS
_DH2 = D_G // _NC
_CH = 80
_RPT = E_TOT // _NS // _CH
_NSEC = 5
_SEC = _RPT // _NSEC
_EPS = 1e-5


def _mm_bias_body(x_ref, w_ref, b_ref, o_ref):
    u = (
        jnp.dot(x_ref[...].astype(jnp.bfloat16),
                w_ref[...].astype(jnp.bfloat16),
                preferred_element_type=jnp.float32)
        + b_ref[...]
    )
    o_ref[0] = u[:, :_DH2]
    o_ref[1] = u[:, _DH2:]


def _mm_bias_split(x, w, b):
    n, k = x.shape
    m = w.shape[1]
    nb = 10
    blk = n // nb
    return pl.pallas_call(
        _mm_bias_body,
        out_shape=jax.ShapeDtypeStruct((_NC, n, _DH2), jnp.float32),
        grid=(nb,),
        in_specs=[
            pl.BlockSpec((blk, k), lambda i: (i, 0)),
            pl.BlockSpec((k, m), lambda i: (0, 0)),
            pl.BlockSpec((1, m), lambda i: (0, 0)),
        ],
        out_specs=pl.BlockSpec((_NC, blk, _DH2), lambda i: (0, i, 0)),
    )(x, w, b.reshape(1, m))


def _sc_agg(hs, ei5, w4, zeros_nd):
    mesh = plsc.VectorSubcoreMesh(core_axis_name="c", subcore_axis_name="s")

    @functools.partial(
        pl.kernel,
        out_type=jax.ShapeDtypeStruct((_NC, N, _DH2), jnp.float32),
        mesh=mesh,
        scratch_types=[
            pltpu.VMEM((_SEC, _CH), jnp.int32),
            pltpu.VMEM((_SEC, _CH), jnp.int32),
            pltpu.VMEM((_SEC, _CH), jnp.float32),
            pltpu.VMEM((_CH, _DH2), jnp.float32),
            pltpu.VMEM((_CH, _DH2), jnp.float32),
            pltpu.VMEM((_CH, _DH2), jnp.float32),
            pltpu.VMEM((_CH, _DH2), jnp.float32),
            pltpu.VMEM_SHARED((N, _DH2), jnp.float32),
            pltpu.SemaphoreType.DMA,
            pltpu.SemaphoreType.DMA,
            pltpu.SemaphoreType.DMA,
            pltpu.SemaphoreType.DMA,
        ],
        compiler_params=pltpu.CompilerParams(use_tc_tiling_on_sc=False),
    )
    def k(hs_hbm, ei_hbm, w_hbm, z_hbm, out_hbm,
          src_v, dst_v, w_v, gbuf0, gbuf1, sbuf0, sbuf1, acc,
          gsem0, gsem1, ssem0, ssem1):
        c = lax.axis_index("c")
        s = lax.axis_index("s")

        zb = s * 624
        pltpu.sync_copy(z_hbm.at[pl.ds(zb, 624)], acc.at[pl.ds(zb, 624)])

        @pl.when(s == _NS - 1)
        def _():
            pltpu.sync_copy(z_hbm.at[pl.ds(9984, 16)],
                            acc.at[pl.ds(9984, 16)])

        plsc.subcore_barrier()

        hhalf = hs_hbm.at[c]

        def start_gather(g, buf, sem):
            pltpu.async_copy(hhalf.at[src_v.at[g]], buf, sem)

        def wait_gather(buf, sem):
            pltpu.make_async_copy(hhalf.at[src_v.at[0]], buf, sem).wait()

        def multiply(g, gbuf, sbuf):
            def egroup(g16, _):
                w16 = w_v[g, pl.ds(g16 * 16, 16)]
                for l in range(16):
                    wv = jnp.full((16,), w16[l], dtype=jnp.float32)
                    r = g16 * 16 + l
                    for jj in range(_DH2 // 16):
                        sl = pl.ds(jj * 16, 16)
                        sbuf[r, sl] = gbuf[r, sl] * wv
                return 0
            lax.fori_loop(0, _CH // 16, egroup, 0)

        def start_scatter(g, buf, sem):
            pltpu.async_copy(buf, acc.at[dst_v.at[g]], sem, add=True)

        def wait_scatter(buf, sem):
            pltpu.make_async_copy(buf, acc.at[dst_v.at[0]], sem).wait()

        def section(sec, _):
            pltpu.sync_copy(ei_hbm.at[1, s, sec], src_v)
            pltpu.sync_copy(ei_hbm.at[0, s, sec], dst_v)
            pltpu.sync_copy(w_hbm.at[s, sec], w_v)

            start_gather(0, gbuf0, gsem0)
            start_gather(1, gbuf1, gsem1)

            def pair(k2, _):
                g0 = 2 * k2

                wait_gather(gbuf0, gsem0)

                @pl.when(k2 > 0)
                def _():
                    wait_scatter(sbuf0, ssem0)

                multiply(g0, gbuf0, sbuf0)

                @pl.when(g0 + 2 < _SEC)
                def _():
                    start_gather(g0 + 2, gbuf0, gsem0)

                start_scatter(g0, sbuf0, ssem0)

                wait_gather(gbuf1, gsem1)

                @pl.when(k2 > 0)
                def _():
                    wait_scatter(sbuf1, ssem1)

                multiply(g0 + 1, gbuf1, sbuf1)

                @pl.when(g0 + 3 < _SEC)
                def _():
                    start_gather(g0 + 3, gbuf1, gsem1)

                start_scatter(g0 + 1, sbuf1, ssem1)
                return 0

            lax.fori_loop(0, _SEC // 2, pair, 0)
            wait_scatter(sbuf0, ssem0)
            wait_scatter(sbuf1, ssem1)
            return 0

        lax.fori_loop(0, _NSEC, section, 0)

        plsc.subcore_barrier()
        pltpu.sync_copy(acc.at[pl.ds(zb, 624)],
                        out_hbm.at[c].at[pl.ds(zb, 624)])

        @pl.when(s == _NS - 1)
        def _():
            pltpu.sync_copy(acc.at[pl.ds(9984, 16)],
                            out_hbm.at[c].at[pl.ds(9984, 16)])

    return k(hs, ei5, w4, zeros_nd)


_HNB = 10
_HBLK = N // _HNB


def _head_body(p_ref, g0_ref, b0_ref, w1_ref, b1_ref, g1_ref, b1n_ref,
               w21_ref, b21_ref, w22_ref, b22_ref, mu_ref, lv_ref,
               agg_buf, u_buf, acc0, acc1):
    p = pl.program_id(0)
    i = pl.program_id(1)
    rows = pl.ds(i * _HBLK, _HBLK)

    @pl.when(p == 0)
    def _():
        a = jnp.concatenate([p_ref[0], p_ref[1]], axis=1)
        agg_buf[rows, :] = a
        st = jnp.concatenate(
            [jnp.sum(a, axis=0, keepdims=True),
             jnp.sum(a * a, axis=0, keepdims=True)], axis=0)

        @pl.when(i == 0)
        def _():
            acc0[...] = st

        @pl.when(i != 0)
        def _():
            acc0[...] = acc0[...] + st

    @pl.when(p == 1)
    def _():
        st = acc0[...]
        mean = st[0:1] * (1.0 / N)
        var = st[1:2] * (1.0 / N) - mean * mean
        inv = lax.rsqrt(var + _EPS)
        h0 = jax.nn.softplus(
            (agg_buf[rows, :] - mean) * inv * g0_ref[...] + b0_ref[...])
        u = (jnp.dot(h0.astype(jnp.bfloat16),
                     w1_ref[...].astype(jnp.bfloat16),
                     preferred_element_type=jnp.float32)
             + b1_ref[...])
        u_buf[rows, :] = u
        st1 = jnp.concatenate(
            [jnp.sum(u, axis=0, keepdims=True),
             jnp.sum(u * u, axis=0, keepdims=True)], axis=0)

        @pl.when(i == 0)
        def _():
            acc1[...] = st1

        @pl.when(i != 0)
        def _():
            acc1[...] = acc1[...] + st1

    @pl.when(p == 2)
    def _():
        st1 = acc1[...]
        mean = st1[0:1] * (1.0 / N)
        var = st1[1:2] * (1.0 / N) - mean * mean
        inv = lax.rsqrt(var + _EPS)
        h1 = jax.nn.softplus(
            (u_buf[rows, :] - mean) * inv * g1_ref[...] + b1n_ref[...])
        h1b = h1.astype(jnp.bfloat16)
        mu_ref[...] = (
            jnp.dot(h1b, w21_ref[...].astype(jnp.bfloat16),
                    preferred_element_type=jnp.float32)
            + b21_ref[...])
        lv_ref[...] = (
            jnp.dot(h1b, w22_ref[...].astype(jnp.bfloat16),
                    preferred_element_type=jnp.float32)
            + b22_ref[...])


def _head(parts, gamma0, beta0, W1, b1, gamma1, beta1, W21, b21, W22, b22):
    cst = lambda p, i: (0, 0)
    return pl.pallas_call(
        _head_body,
        out_shape=[
            jax.ShapeDtypeStruct((N, D_L), jnp.float32),
            jax.ShapeDtypeStruct((N, D_L), jnp.float32),
        ],
        grid=(3, _HNB),
        in_specs=[
            pl.BlockSpec((_NC, _HBLK, _DH2),
                         lambda p, i: (0, jnp.where(p == 0, i, 0), 0)),
            pl.BlockSpec((1, D_G), cst),
            pl.BlockSpec((1, D_G), cst),
            pl.BlockSpec((D_G, D_H), cst),
            pl.BlockSpec((1, D_H), cst),
            pl.BlockSpec((1, D_H), cst),
            pl.BlockSpec((1, D_H), cst),
            pl.BlockSpec((D_H, D_L), cst),
            pl.BlockSpec((1, D_L), cst),
            pl.BlockSpec((D_H, D_L), cst),
            pl.BlockSpec((1, D_L), cst),
        ],
        out_specs=[
            pl.BlockSpec((_HBLK, D_L), lambda p, i: (i, 0)),
            pl.BlockSpec((_HBLK, D_L), lambda p, i: (i, 0)),
        ],
        scratch_shapes=[
            pltpu.VMEM((N, D_G), jnp.float32),
            pltpu.VMEM((N, D_H), jnp.float32),
            pltpu.VMEM((2, D_G), jnp.float32),
            pltpu.VMEM((2, D_H), jnp.float32),
        ],
    )(parts, gamma0.reshape(1, -1), beta0.reshape(1, -1), W1,
      b1.reshape(1, -1), gamma1.reshape(1, -1), beta1.reshape(1, -1),
      W21, b21.reshape(1, -1), W22, b22.reshape(1, -1))


def kernel(x, edge_index, edge_weight, Wg, bg, gamma0, beta0, W1, b1,
           gamma1, beta1, W21, b21, W22, b22):
    hs = _mm_bias_split(x, Wg, bg)
    ei5 = edge_index.reshape(2, _NS, _NSEC, _SEC, _CH)
    w4 = edge_weight.reshape(_NS, _NSEC, _SEC, _CH)
    zeros_nd = jnp.zeros((N, _DH2), jnp.float32)
    parts = _sc_agg(hs, ei5, w4, zeros_nd)
    mu, logvar = _head(parts, gamma0, beta0, W1, b1,
                       gamma1, beta1, W21, b21, W22, b22)
    return (mu, logvar)

# --- scband reference (transcript-rebuilt; emitter-appended) ---
"""Pipeline reference for scband-graph-encoder-42666205119185 (READ-ONLY COPY).

The authoritative reference and input builder live on the scoring server;
editing this copy changes nothing except your own understanding.
"""

import jax, jax.numpy as jnp
import numpy as np

N = 10000
E = 320000
D_IN = 128
D_G = 128
D_H = 256
D_L = 64


def setup_inputs(seed: int = 0) -> dict:
    key = jax.random.key(seed)
    ks = jax.random.split(key, 16)

    def xavier(k, fan_in, fan_out):
        limit = float(np.sqrt(6.0 / (fan_in + fan_out)))
        return jax.random.uniform(k, (fan_in, fan_out), dtype=jnp.float32, minval=-limit, maxval=limit)

    inp = {
        "x": jax.random.normal(ks[0], (N, D_IN), dtype=jnp.float32),
        "edge_index": jax.random.randint(ks[1], (2, E), 0, N, dtype=jnp.int64) if jax.config.jax_enable_x64 else jax.random.randint(ks[1], (2, E), 0, N, dtype=jnp.int32),
        "edge_weight": jax.random.uniform(ks[2], (E,), dtype=jnp.float32),
        # GCNLayer params (xavier-init weight, zero bias, matching torch init)
        "Wg": xavier(ks[3], D_IN, D_G),
        "bg": jnp.zeros((D_G,), dtype=jnp.float32),
        # BatchNorm1d(graph_dim)
        "gamma0": jnp.ones((D_G,), dtype=jnp.float32),
        "beta0": jnp.zeros((D_G,), dtype=jnp.float32),
        # fc1: Linear(graph_dim, hidden_dim)
        "W1": xavier(ks[4], D_G, D_H),
        "b1": jnp.zeros((D_H,), dtype=jnp.float32),
        # BatchNorm1d(hidden_dim)
        "gamma1": jnp.ones((D_H,), dtype=jnp.float32),
        "beta1": jnp.zeros((D_H,), dtype=jnp.float32),
        # fc21 / fc22: Linear(hidden_dim, latent_dim)
        "W21": xavier(ks[5], D_H, D_L),
        "b21": jnp.zeros((D_L,), dtype=jnp.float32),
        "W22": xavier(ks[6], D_H, D_L),
        "b22": jnp.zeros((D_L,), dtype=jnp.float32),
    }
    return inp


def _batchnorm(h, gamma, beta, eps=1e-5):
    # training-mode BatchNorm1d: biased batch statistics
    mean = jnp.mean(h, axis=0)
    var = jnp.var(h, axis=0)
    return (h - mean) / jnp.sqrt(var + eps) * gamma + beta


def reference(x, edge_index, edge_weight, Wg, bg, gamma0, beta0, W1, b1, gamma1, beta1, W21, b21, W22, b22):
    # GCNLayer: (x @ W + b) then sparse adj @ h  (COO: row=dst, col=src)
    h = x @ Wg + bg
    dst = edge_index[0]
    src = edge_index[1]
    msgs = edge_weight[:, None] * jnp.take(h, src, axis=0)
    agg = jax.ops.segment_sum(msgs, dst, num_segments=x.shape[0])
    # h0 = softplus(BN(gcn_out))
    h0 = jax.nn.softplus(_batchnorm(agg, gamma0, beta0))
    # h1 = softplus(BN1(fc1(h0)))  (idx is None path)
    h1 = jax.nn.softplus(_batchnorm(h0 @ W1 + b1, gamma1, beta1))
    mu = h1 @ W21 + b21
    logvar = h1 @ W22 + b22
    return (mu, logvar)

if __name__ == "__main__":
    import jax
    _d = setup_inputs()
    print(jax.jit(kernel)(*tuple(_d.values())))

</pallas_src>

<mosaic_0001>
#map = affine_map<(d0, d1) -> (0, 0, 0)>
#map1 = affine_map<(d0, d1) -> (0, 0, 0, 0, 0)>
#map2 = affine_map<(d0, d1) -> (0, 0, 0, 0)>
#map3 = affine_map<(d0, d1) -> (0, 0)>
module attributes {stable_mosaic.version = 14 : i64} {
  func.func @k(%arg0: i32, %arg1: i32, %arg2: memref<2x10000x64xf32, #tpu.memory_space<hbm>>, %arg3: memref<2x16x5x50x80xi32, #tpu.memory_space<hbm>>, %arg4: memref<16x5x50x80xf32, #tpu.memory_space<hbm>>, %arg5: memref<10000x64xf32, #tpu.memory_space<hbm>>, %arg6: memref<2x10000x64xf32, #tpu.memory_space<hbm>>, %arg7: memref<50x80xi32, #tpu.memory_space<vmem>>, %arg8: memref<50x80xi32, #tpu.memory_space<vmem>>, %arg9: memref<50x80xf32, #tpu.memory_space<vmem>>, %arg10: memref<80x64xf32, #tpu.memory_space<vmem>>, %arg11: memref<80x64xf32, #tpu.memory_space<vmem>>, %arg12: memref<80x64xf32, #tpu.memory_space<vmem>>, %arg13: memref<80x64xf32, #tpu.memory_space<vmem>>, %arg14: memref<10000x64xf32, #tpu.memory_space<vmem_shared>>, %arg15: memref<!tpu.dma_semaphore, #tpu.memory_space<semaphore_mem>>, %arg16: memref<!tpu.dma_semaphore, #tpu.memory_space<semaphore_mem>>, %arg17: memref<!tpu.dma_semaphore, #tpu.memory_space<semaphore_mem>>, %arg18: memref<!tpu.dma_semaphore, #tpu.memory_space<semaphore_mem>>) attributes {dimension_semantics = [#tpu.dimension_semantics<core_parallel>, #tpu.dimension_semantics<subcore_parallel>], iteration_bounds = array<i64: 2, 16>, scalar_prefetch = 0 : i64, scratch_operands = 12 : i64, tpu.core_type = #tpu.core_type<sc_vector_subcore>, window_params = [{transform_indices = #map}, {transform_indices = #map1}, {transform_indices = #map2}, {transform_indices = #map3}, {transform_indices = #map}]} {
    %mul3A = arith.constant 624 : i32
    %mul3A_0 = arith.muli %arg1, %mul3A : i32
    "tpu.region"() ({
      %run_scoped3A = tpu.sem_alloc : memref<!tpu.dma_semaphore, #tpu.memory_space<semaphore_mem>>
      %dma_start3A = arith.constant 0 : i32
      %dma_start3A_15 = tpu.memref_slice %arg14[%mul3A_0, %dma_start3A] : memref<10000x64xf32, #tpu.memory_space<vmem_shared>> -> memref<624x64xf32, #tpu.memory_space<vmem_shared>>
      %dma_start3A_16 = arith.constant 0 : i32
      %dma_start3A_17 = tpu.memref_slice %arg5[%mul3A_0, %dma_start3A_16] : memref<10000x64xf32, #tpu.memory_space<hbm>> -> memref<624x64xf32, #tpu.memory_space<hbm>>
      tpu.enqueue_dma source(%dma_start3A_17 : memref<624x64xf32, #tpu.memory_space<hbm>>) target(%dma_start3A_15 : memref<624x64xf32, #tpu.memory_space<vmem_shared>>) target_semaphore(%run_scoped3A : memref<!tpu.dma_semaphore, #tpu.memory_space<semaphore_mem>>)
      %dma_wait3A = arith.constant 0 : i32
      %dma_wait3A_18 = tpu.memref_slice %arg14[%mul3A_0, %dma_wait3A] : memref<10000x64xf32, #tpu.memory_space<vmem_shared>> -> memref<624x64xf32, #tpu.memory_space<vmem_shared>>
      %dma_wait3A_19 = arith.constant 0 : i32
      %dma_wait3A_20 = tpu.memref_slice %arg5[%mul3A_0, %dma_wait3A_19] : memref<10000x64xf32, #tpu.memory_space<hbm>> -> memref<624x64xf32, #tpu.memory_space<hbm>>
      tpu.wait_dma2 semaphore(%run_scoped3A : memref<!tpu.dma_semaphore, #tpu.memory_space<semaphore_mem>>) src(%dma_wait3A_20 : memref<624x64xf32, #tpu.memory_space<hbm>>) dst(%dma_wait3A_18 : memref<624x64xf32, #tpu.memory_space<vmem_shared>>)
      tpu.yield
    }) : () -> ()
    %eq3A = arith.constant 15 : i32
    %eq3A_1 = arith.cmpi eq, %arg1, %eq3A : i32
    %convert_element_type3A = arith.extui %eq3A_1 : i1 to i32
    %cond3A = arith.constant 0 : i32
    %cond3A_2 = arith.cmpi ne, %convert_element_type3A, %cond3A : i32
    scf.if %cond3A_2 {
      "tpu.region"() ({
        %run_scoped3A = tpu.sem_alloc : memref<!tpu.dma_semaphore, #tpu.memory_space<semaphore_mem>>
        %dma_start3A = arith.constant 9984 : i32
        %dma_start3A_15 = arith.constant 0 : i32
        %dma_start3A_16 = tpu.memref_slice %arg14[%dma_start3A, %dma_start3A_15] : memref<10000x64xf32, #tpu.memory_space<vmem_shared>> -> memref<16x64xf32, #tpu.memory_space<vmem_shared>>
        %dma_start3A_17 = arith.constant 9984 : i32
        %dma_start3A_18 = arith.constant 0 : i32
        %dma_start3A_19 = tpu.memref_slice %arg5[%dma_start3A_17, %dma_start3A_18] : memref<10000x64xf32, #tpu.memory_space<hbm>> -> memref<16x64xf32, #tpu.memory_space<hbm>>
        tpu.enqueue_dma source(%dma_start3A_19 : memref<16x64xf32, #tpu.memory_space<hbm>>) target(%dma_start3A_16 : memref<16x64xf32, #tpu.memory_space<vmem_shared>>) target_semaphore(%run_scoped3A : memref<!tpu.dma_semaphore, #tpu.memory_space<semaphore_mem>>)
        %dma_wait3A = arith.constant 9984 : i32
        %dma_wait3A_20 = arith.constant 0 : i32
        %dma_wait3A_21 = tpu.memref_slice %arg14[%dma_wait3A, %dma_wait3A_20] : memref<10000x64xf32, #tpu.memory_space<vmem_shared>> -> memref<16x64xf32, #tpu.memory_space<vmem_shared>>
        %dma_wait3A_22 = arith.constant 9984 : i32
        %dma_wait3A_23 = arith.constant 0 : i32
        %dma_wait3A_24 = tpu.memref_slice %arg5[%dma_wait3A_22, %dma_wait3A_23] : memref<10000x64xf32, #tpu.memory_space<hbm>> -> memref<16x64xf32, #tpu.memory_space<hbm>>
        tpu.wait_dma2 semaphore(%run_scoped3A : memref<!tpu.dma_semaphore, #tpu.memory_space<semaphore_mem>>) src(%dma_wait3A_24 : memref<16x64xf32, #tpu.memory_space<hbm>>) dst(%dma_wait3A_21 : memref<16x64xf32, #tpu.memory_space<vmem_shared>>)
        tpu.yield
      }) : () -> ()
    } else {
    }
    %barrier3A = arith.constant 0 : index
    tpu.barrier barrier_id(%barrier3A)
    %scan3A = arith.constant 0 : i32
    %scan3A_3 = arith.constant 0 : i32
    %scan3A_4 = arith.constant 5 : i32
    %scan3A_5 = arith.addi %scan3A_3, %scan3A_4 : i32
    %scan3A_6 = arith.constant 1 : i32
    %scan3A_7 = scf.for %scan3A_15 = %scan3A_3 to %scan3A_5 step %scan3A_6 iter_args(%scan3A_16 = %scan3A) -> (i32)  : i32 {
      %run_scoped3A = arith.constant 1 : i32
      "tpu.region"() ({
        %run_scoped3A_60 = tpu.sem_alloc : memref<!tpu.dma_semaphore, #tpu.memory_space<semaphore_mem>>
        %dma_start3A_61 = arith.constant 0 : i32
        %dma_start3A_62 = arith.constant 0 : i32
        %dma_start3A_63 = tpu.memref_slice %arg3[%run_scoped3A, %arg1, %scan3A_15, %dma_start3A_61, %dma_start3A_62] : memref<2x16x5x50x80xi32, #tpu.memory_space<hbm>> -> memref<1x1x1x50x80xi32, #tpu.memory_space<hbm>>
        %dma_start3A_64 = tpu.memref_squeeze %dma_start3A_63 : memref<1x1x1x50x80xi32, #tpu.memory_space<hbm>> -> memref<50x80xi32, #tpu.memory_space<hbm>>
        %dma_start3A_65 = arith.constant 0 : i32
        %dma_start3A_66 = arith.constant 0 : i32
        %dma_start3A_67 = tpu.memref_slice %arg3[%run_scoped3A, %arg1, %scan3A_15, %dma_start3A_65, %dma_start3A_66] : memref<2x16x5x50x80xi32, #tpu.memory_space<hbm>> -> memref<1x1x1x50x80xi32, #tpu.memory_space<hbm>>
        %dma_start3A_68 = tpu.memref_squeeze %dma_start3A_67 : memref<1x1x1x50x80xi32, #tpu.memory_space<hbm>> -> memref<50x80xi32, #tpu.memory_space<hbm>>
        tpu.enqueue_dma source(%dma_start3A_68 : memref<50x80xi32, #tpu.memory_space<hbm>>) target(%arg7 : memref<50x80xi32, #tpu.memory_space<vmem>>) target_semaphore(%run_scoped3A_60 : memref<!tpu.dma_semaphore, #tpu.memory_space<semaphore_mem>>)
        %dma_wait3A_69 = arith.constant 0 : i32
        %dma_wait3A_70 = arith.constant 0 : i32
        %dma_wait3A_71 = tpu.memref_slice %arg3[%run_scoped3A, %arg1, %scan3A_15, %dma_wait3A_69, %dma_wait3A_70] : memref<2x16x5x50x80xi32, #tpu.memory_space<hbm>> -> memref<1x1x1x50x80xi32, #tpu.memory_space<hbm>>
        %dma_wait3A_72 = tpu.memref_squeeze %dma_wait3A_71 : memref<1x1x1x50x80xi32, #tpu.memory_space<hbm>> -> memref<50x80xi32, #tpu.memory_space<hbm>>
        %dma_wait3A_73 = arith.constant 0 : i32
        %dma_wait3A_74 = arith.constant 0 : i32
        %dma_wait3A_75 = tpu.memref_slice %arg3[%run_scoped3A, %arg1, %scan3A_15, %dma_wait3A_73, %dma_wait3A_74] : memref<2x16x5x50x80xi32, #tpu.memory_space<hbm>> -> memref<1x1x1x50x80xi32, #tpu.memory_space<hbm>>
        %dma_wait3A_76 = tpu.memref_squeeze %dma_wait3A_75 : memref<1x1x1x50x80xi32, #tpu.memory_space<hbm>> -> memref<50x80xi32, #tpu.memory_space<hbm>>
        tpu.wait_dma2 semaphore(%run_scoped3A_60 : memref<!tpu.dma_semaphore, #tpu.memory_space<semaphore_mem>>) src(%dma_wait3A_76 : memref<50x80xi32, #tpu.memory_space<hbm>>) dst(%arg7 : memref<50x80xi32, #tpu.memory_space<vmem>>)
        tpu.yield
      }) : () -> ()
      %run_scoped3A_17 = arith.constant 0 : i32
      "tpu.region"() ({
        %run_scoped3A_60 = tpu.sem_alloc : memref<!tpu.dma_semaphore, #tpu.memory_space<semaphore_mem>>
        %dma_start3A_61 = arith.constant 0 : i32
        %dma_start3A_62 = arith.constant 0 : i32
        %dma_start3A_63 = tpu.memref_slice %arg3[%run_scoped3A_17, %arg1, %scan3A_15, %dma_start3A_61, %dma_start3A_62] : memref<2x16x5x50x80xi32, #tpu.memory_space<hbm>> -> memref<1x1x1x50x80xi32, #tpu.memory_space<hbm>>
        %dma_start3A_64 = tpu.memref_squeeze %dma_start3A_63 : memref<1x1x1x50x80xi32, #tpu.memory_space<hbm>> -> memref<50x80xi32, #tpu.memory_space<hbm>>
        %dma_start3A_65 = arith.constant 0 : i32
        %dma_start3A_66 = arith.constant 0 : i32
        %dma_start3A_67 = tpu.memref_slice %arg3[%run_scoped3A_17, %arg1, %scan3A_15, %dma_start3A_65, %dma_start3A_66] : memref<2x16x5x50x80xi32, #tpu.memory_space<hbm>> -> memref<1x1x1x50x80xi32, #tpu.memory_space<hbm>>
        %dma_start3A_68 = tpu.memref_squeeze %dma_start3A_67 : memref<1x1x1x50x80xi32, #tpu.memory_space<hbm>> -> memref<50x80xi32, #tpu.memory_space<hbm>>
        tpu.enqueue_dma source(%dma_start3A_68 : memref<50x80xi32, #tpu.memory_space<hbm>>) target(%arg8 : memref<50x80xi32, #tpu.memory_space<vmem>>) target_semaphore(%run_scoped3A_60 : memref<!tpu.dma_semaphore, #tpu.memory_space<semaphore_mem>>)
        %dma_wait3A_69 = arith.constant 0 : i32
        %dma_wait3A_70 = arith.constant 0 : i32
        %dma_wait3A_71 = tpu.memref_slice %arg3[%run_scoped3A_17, %arg1, %scan3A_15, %dma_wait3A_69, %dma_wait3A_70] : memref<2x16x5x50x80xi32, #tpu.memory_space<hbm>> -> memref<1x1x1x50x80xi32, #tpu.memory_space<hbm>>
        %dma_wait3A_72 = tpu.memref_squeeze %dma_wait3A_71 : memref<1x1x1x50x80xi32, #tpu.memory_space<hbm>> -> memref<50x80xi32, #tpu.memory_space<hbm>>
        %dma_wait3A_73 = arith.constant 0 : i32
        %dma_wait3A_74 = arith.constant 0 : i32
        %dma_wait3A_75 = tpu.memref_slice %arg3[%run_scoped3A_17, %arg1, %scan3A_15, %dma_wait3A_73, %dma_wait3A_74] : memref<2x16x5x50x80xi32, #tpu.memory_space<hbm>> -> memref<1x1x1x50x80xi32, #tpu.memory_space<hbm>>
        %dma_wait3A_76 = tpu.memref_squeeze %dma_wait3A_75 : memref<1x1x1x50x80xi32, #tpu.memory_space<hbm>> -> memref<50x80xi32, #tpu.memory_space<hbm>>
        tpu.wait_dma2 semaphore(%run_scoped3A_60 : memref<!tpu.dma_semaphore, #tpu.memory_space<semaphore_mem>>) src(%dma_wait3A_76 : memref<50x80xi32, #tpu.memory_space<hbm>>) dst(%arg8 : memref<50x80xi32, #tpu.memory_space<vmem>>)
        tpu.yield
      }) : () -> ()
      "tpu.region"() ({
        %run_scoped3A_60 = tpu.sem_alloc : memref<!tpu.dma_semaphore, #tpu.memory_space<semaphore_mem>>
        %dma_start3A_61 = arith.constant 0 : i32
        %dma_start3A_62 = arith.constant 0 : i32
        %dma_start3A_63 = tpu.memref_slice %arg4[%arg1, %scan3A_15, %dma_start3A_61, %dma_start3A_62] : memref<16x5x50x80xf32, #tpu.memory_space<hbm>> -> memref<1x1x50x80xf32, #tpu.memory_space<hbm>>
        %dma_start3A_64 = tpu.memref_squeeze %dma_start3A_63 : memref<1x1x50x80xf32, #tpu.memory_space<hbm>> -> memref<50x80xf32, #tpu.memory_space<hbm>>
        %dma_start3A_65 = arith.constant 0 : i32
        %dma_start3A_66 = arith.constant 0 : i32
        %dma_start3A_67 = tpu.memref_slice %arg4[%arg1, %scan3A_15, %dma_start3A_65, %dma_start3A_66] : memref<16x5x50x80xf32, #tpu.memory_space<hbm>> -> memref<1x1x50x80xf32, #tpu.memory_space<hbm>>
        %dma_start3A_68 = tpu.memref_squeeze %dma_start3A_67 : memref<1x1x50x80xf32, #tpu.memory_space<hbm>> -> memref<50x80xf32, #tpu.memory_space<hbm>>
        tpu.enqueue_dma source(%dma_start3A_68 : memref<50x80xf32, #tpu.memory_space<hbm>>) target(%arg9 : memref<50x80xf32, #tpu.memory_space<vmem>>) target_semaphore(%run_scoped3A_60 : memref<!tpu.dma_semaphore, #tpu.memory_space<semaphore_mem>>)
        %dma_wait3A_69 = arith.constant 0 : i32
        %dma_wait3A_70 = arith.constant 0 : i32
        %dma_wait3A_71 = tpu.memref_slice %arg4[%arg1, %scan3A_15, %dma_wait3A_69, %dma_wait3A_70] : memref<16x5x50x80xf32, #tpu.memory_space<hbm>> -> memref<1x1x50x80xf32, #tpu.memory_space<hbm>>
        %dma_wait3A_72 = tpu.memref_squeeze %dma_wait3A_71 : memref<1x1x50x80xf32, #tpu.memory_space<hbm>> -> memref<50x80xf32, #tpu.memory_space<hbm>>
        %dma_wait3A_73 = arith.constant 0 : i32
        %dma_wait3A_74 = arith.constant 0 : i32
        %dma_wait3A_75 = tpu.memref_slice %arg4[%arg1, %scan3A_15, %dma_wait3A_73, %dma_wait3A_74] : memref<16x5x50x80xf32, #tpu.memory_space<hbm>> -> memref<1x1x50x80xf32, #tpu.memory_space<hbm>>
        %dma_wait3A_76 = tpu.memref_squeeze %dma_wait3A_75 : memref<1x1x50x80xf32, #tpu.memory_space<hbm>> -> memref<50x80xf32, #tpu.memory_space<hbm>>
        tpu.wait_dma2 semaphore(%run_scoped3A_60 : memref<!tpu.dma_semaphore, #tpu.memory_space<semaphore_mem>>) src(%dma_wait3A_76 : memref<50x80xf32, #tpu.memory_space<hbm>>) dst(%arg9 : memref<50x80xf32, #tpu.memory_space<vmem>>)
        tpu.yield
      }) : () -> ()
      %dma_start3A = arith.constant 0 : i32
      %dma_start3A_18 = arith.constant 0 : i32
      %dma_start3A_19 = tpu.memref_slice %arg7[%dma_start3A, %dma_start3A_18] : memref<50x80xi32, #tpu.memory_space<vmem>> -> memref<1x80xi32, #tpu.memory_space<vmem>>
      %dma_start3A_20 = tpu.memref_squeeze %dma_start3A_19 : memref<1x80xi32, #tpu.memory_space<vmem>> -> memref<80xi32, #tpu.memory_space<vmem>>
      %dma_start3A_21 = arith.constant 0 : i32
      %dma_start3A_22 = arith.constant 0 : i32
      %dma_start3A_23 = tpu.memref_slice %arg2[%arg0, %dma_start3A_21, %dma_start3A_22] : memref<2x10000x64xf32, #tpu.memory_space<hbm>> -> memref<1x10000x64xf32, #tpu.memory_space<hbm>>
      %dma_start3A_24 = tpu.memref_squeeze %dma_start3A_23 : memref<1x10000x64xf32, #tpu.memory_space<hbm>> -> memref<10000x64xf32, #tpu.memory_space<hbm>>
      %dma_start3A_25 = arith.constant 0 : i32
      %dma_start3A_26 = arith.constant 0 : i32
      %dma_start3A_27 = tpu.memref_slice %dma_start3A_24[%dma_start3A_25, %dma_start3A_26] : memref<10000x64xf32, #tpu.memory_space<hbm>> -> memref<10000x64xf32, #tpu.memory_space<hbm>>
      tpu.enqueue_indirect_dma source(%dma_start3A_27 : memref<10000x64xf32, #tpu.memory_space<hbm>>) target(%arg10 : memref<80x64xf32, #tpu.memory_space<vmem>>) offsets(%dma_start3A_20 : memref<80xi32, #tpu.memory_space<vmem>>) semaphore(%arg15 : memref<!tpu.dma_semaphore, #tpu.memory_space<semaphore_mem>>)
      %dma_start3A_28 = arith.constant 1 : i32
      %dma_start3A_29 = arith.constant 0 : i32
      %dma_start3A_30 = tpu.memref_slice %arg7[%dma_start3A_28, %dma_start3A_29] : memref<50x80xi32, #tpu.memory_space<vmem>> -> memref<1x80xi32, #tpu.memory_space<vmem>>
      %dma_start3A_31 = tpu.memref_squeeze %dma_start3A_30 : memref<1x80xi32, #tpu.memory_space<vmem>> -> memref<80xi32, #tpu.memory_space<vmem>>
      %dma_start3A_32 = arith.constant 0 : i32
      %dma_start3A_33 = arith.constant 0 : i32
      %dma_start3A_34 = tpu.memref_slice %arg2[%arg0, %dma_start3A_32, %dma_start3A_33] : memref<2x10000x64xf32, #tpu.memory_space<hbm>> -> memref<1x10000x64xf32, #tpu.memory_space<hbm>>
      %dma_start3A_35 = tpu.memref_squeeze %dma_start3A_34 : memref<1x10000x64xf32, #tpu.memory_space<hbm>> -> memref<10000x64xf32, #tpu.memory_space<hbm>>
      %dma_start3A_36 = arith.constant 0 : i32
      %dma_start3A_37 = arith.constant 0 : i32
      %dma_start3A_38 = tpu.memref_slice %dma_start3A_35[%dma_start3A_36, %dma_start3A_37] : memref<10000x64xf32, #tpu.memory_space<hbm>> -> memref<10000x64xf32, #tpu.memory_space<hbm>>
      tpu.enqueue_indirect_dma source(%dma_start3A_38 : memref<10000x64xf32, #tpu.memory_space<hbm>>) target(%arg11 : memref<80x64xf32, #tpu.memory_space<vmem>>) offsets(%dma_start3A_31 : memref<80xi32, #tpu.memory_space<vmem>>) semaphore(%arg16 : memref<!tpu.dma_semaphore, #tpu.memory_space<semaphore_mem>>)
      %scan3A_39 = arith.constant 0 : i32
      %scan3A_40 = arith.constant 0 : i32
      %scan3A_41 = arith.constant 25 : i32
      %scan3A_42 = arith.addi %scan3A_40, %scan3A_41 : i32
      %scan3A_43 = arith.constant 1 : i32
      %scan3A_44 = scf.for %scan3A_60 = %scan3A_40 to %scan3A_42 step %scan3A_43 iter_args(%scan3A_61 = %scan3A_39) -> (i32)  : i32 {
        %mul3A_62 = arith.constant 2 : i32
        %mul3A_63 = arith.muli %mul3A_62, %scan3A_60 : i32
        %dma_wait3A_64 = arith.constant 0 : i32
        %dma_wait3A_65 = arith.constant 0 : i32
        %dma_wait3A_66 = tpu.memref_slice %arg7[%dma_wait3A_64, %dma_wait3A_65] : memref<50x80xi32, #tpu.memory_space<vmem>> -> memref<1x80xi32, #tpu.memory_space<vmem>>
        %dma_wait3A_67 = tpu.memref_squeeze %dma_wait3A_66 : memref<1x80xi32, #tpu.memory_space<vmem>> -> memref<80xi32, #tpu.memory_space<vmem>>
        %dma_wait3A_68 = arith.constant 0 : i32
        %dma_wait3A_69 = arith.constant 0 : i32
        %dma_wait3A_70 = tpu.memref_slice %arg2[%arg0, %dma_wait3A_68, %dma_wait3A_69] : memref<2x10000x64xf32, #tpu.memory_space<hbm>> -> memref<1x10000x64xf32, #tpu.memory_space<hbm>>
        %dma_wait3A_71 = tpu.memref_squeeze %dma_wait3A_70 : memref<1x10000x64xf32, #tpu.memory_space<hbm>> -> memref<10000x64xf32, #tpu.memory_space<hbm>>
        %dma_wait3A_72 = arith.constant 0 : i32
        %dma_wait3A_73 = arith.constant 0 : i32
        %dma_wait3A_74 = tpu.memref_slice %dma_wait3A_71[%dma_wait3A_72, %dma_wait3A_73] : memref<10000x64xf32, #tpu.memory_space<hbm>> -> memref<10000x64xf32, #tpu.memory_space<hbm>>
        tpu.wait_indirect_dma semaphore(%arg15 : memref<!tpu.dma_semaphore, #tpu.memory_space<semaphore_mem>>) src(%dma_wait3A_74 : memref<10000x64xf32, #tpu.memory_space<hbm>>) dst(%arg10 : memref<80x64xf32, #tpu.memory_space<vmem>>)
        %gt3A = arith.constant 0 : i32
        %gt3A_75 = arith.cmpi sgt, %scan3A_60, %gt3A : i32
        %convert_element_type3A_76 = arith.extui %gt3A_75 : i1 to i32
        %cond3A_77 = arith.constant 0 : i32
        %cond3A_78 = arith.cmpi ne, %convert_element_type3A_76, %cond3A_77 : i32
        scf.if %cond3A_78 {
          %dma_wait3A_138 = arith.constant 0 : i32
          %dma_wait3A_139 = arith.constant 0 : i32
          %dma_wait3A_140 = tpu.memref_slice %arg8[%dma_wait3A_138, %dma_wait3A_139] : memref<50x80xi32, #tpu.memory_space<vmem>> -> memref<1x80xi32, #tpu.memory_space<vmem>>
          %dma_wait3A_141 = tpu.memref_squeeze %dma_wait3A_140 : memref<1x80xi32, #tpu.memory_space<vmem>> -> memref<80xi32, #tpu.memory_space<vmem>>
          %dma_wait3A_142 = arith.constant 0 : i32
          %dma_wait3A_143 = arith.constant 0 : i32
          %dma_wait3A_144 = tpu.memref_slice %arg14[%dma_wait3A_142, %dma_wait3A_143] : memref<10000x64xf32, #tpu.memory_space<vmem_shared>> -> memref<10000x64xf32, #tpu.memory_space<vmem_shared>>
          tpu.wait_indirect_dma semaphore(%arg17 : memref<!tpu.dma_semaphore, #tpu.memory_space<semaphore_mem>>) src(%arg12 : memref<80x64xf32, #tpu.memory_space<vmem>>) dst(%dma_wait3A_144 : memref<10000x64xf32, #tpu.memory_space<vmem_shared>>)
        } else {
        }
        %scan3A_79 = arith.constant 0 : i32
        %scan3A_80 = arith.constant 0 : i32
        %scan3A_81 = arith.constant 5 : i32
        %scan3A_82 = arith.addi %scan3A_80, %scan3A_81 : i32
        %scan3A_83 = arith.constant 1 : i32
        %scan3A_84 = scf.for %scan3A_138 = %scan3A_80 to %scan3A_82 step %scan3A_83 iter_args(%scan3A_139 = %scan3A_79) -> (i32)  : i32 {
          %mul3A_140 = arith.constant 16 : i32
          %mul3A_141 = arith.muli %scan3A_138, %mul3A_140 : i32
          %get3A = arith.index_cast %mul3A_63 : i32 to index
          %get3A_142 = arith.index_cast %mul3A_141 : i32 to index
          %get3A_143 = tpu.vector_load %arg9[%get3A, %get3A_142] {strides = array<i32>} : memref<50x80xf32, #tpu.memory_space<vmem>>, vector<1x16xf32>,
          %get3A_144 = vector.shape_cast %get3A_143 : vector<1x16xf32> to vector<16xf32>
          %slice3A = vector.extract_strided_slice %get3A_144 {offsets = [0], sizes = [1], strides = [1]} : vector<16xf32> to vector<1xf32>
          %squeeze3A = vector.extract %slice3A[0] : f32 from vector<1xf32>
          %broadcast_in_dim3A = vector.broadcast %squeeze3A : f32 to vector<16xf32>
          %mul3A_145 = arith.constant 16 : i32
          %mul3A_146 = arith.muli %scan3A_138, %mul3A_145 : i32
          %add3A_147 = arith.constant 0 : i32
          %add3A_148 = arith.addi %mul3A_146, %add3A_147 : i32
          %get3A_149 = arith.index_cast %add3A_148 : i32 to index
          %get3A_150 = arith.constant 0 : index
          %get3A_151 = tpu.vector_load %arg10[%get3A_149, %get3A_150] {strides = array<i32>} : memref<80x64xf32, #tpu.memory_space<vmem>>, vector<1x16xf32>,
          %get3A_152 = vector.shape_cast %get3A_151 : vector<1x16xf32> to vector<16xf32>
          %mul3A_153 = arith.mulf %get3A_152, %broadcast_in_dim3A : vector<16xf32>
          %swap3A = arith.index_cast %add3A_148 : i32 to index
          %swap3A_154 = arith.constant 0 : index
          %swap3A_155 = tpu.vector_load %arg12[%swap3A, %swap3A_154] {strides = array<i32>} : memref<80x64xf32, #tpu.memory_space<vmem>>, vector<1x16xf32>,
          %swap3A_156 = vector.shape_cast %swap3A_155 : vector<1x16xf32> to vector<16xf32>
          %swap3A_157 = vector.shape_cast %mul3A_153 : vector<16xf32> to vector<1x16xf32>
          tpu.vector_store %arg12[%swap3A, %swap3A_154], %swap3A_157 {strides = array<i32>} : memref<80x64xf32, #tpu.memory_space<vmem>>, vector<1x16xf32>,
          %get3A_158 = arith.index_cast %add3A_148 : i32 to index
          %get3A_159 = arith.constant 16 : index
          %get3A_160 = tpu.vector_load %arg10[%get3A_158, %get3A_159] {strides = array<i32>} : memref<80x64xf32, #tpu.memory_space<vmem>>, vector<1x16xf32>,
          %get3A_161 = vector.shape_cast %get3A_160 : vector<1x16xf32> to vector<16xf32>
          %mul3A_162 = arith.mulf %get3A_161, %broadcast_in_dim3A : vector<16xf32>
          %swap3A_163 = arith.index_cast %add3A_148 : i32 to index
          %swap3A_164 = arith.constant 16 : index
          %swap3A_165 = tpu.vector_load %arg12[%swap3A_163, %swap3A_164] {strides = array<i32>} : memref<80x64xf32, #tpu.memory_space<vmem>>, vector<1x16xf32>,
          %swap3A_166 = vector.shape_cast %swap3A_165 : vector<1x16xf32> to vector<16xf32>
          %swap3A_167 = vector.shape_cast %mul3A_162 : vector<16xf32> to vector<1x16xf32>
          tpu.vector_store %arg12[%swap3A_163, %swap3A_164], %swap3A_167 {strides = array<i32>} : memref<80x64xf32, #tpu.memory_space<vmem>>, vector<1x16xf32>,
          %get3A_168 = arith.index_cast %add3A_148 : i32 to index
          %get3A_169 = arith.constant 32 : index
          %get3A_170 = tpu.vector_load %arg10[%get3A_168, %get3A_169] {strides = array<i32>} : memref<80x64xf32, #tpu.memory_space<vmem>>, vector<1x16xf32>,
          %get3A_171 = vector.shape_cast %get3A_170 : vector<1x16xf32> to vector<16xf32>
          %mul3A_172 = arith.mulf %get3A_171, %broadcast_in_dim3A : vector<16xf32>
          %swap3A_173 = arith.index_cast %add3A_148 : i32 to index
          %swap3A_174 = arith.constant 32 : index
          %swap3A_175 = tpu.vector_load %arg12[%swap3A_173, %swap3A_174] {strides = array<i32>} : memref<80x64xf32, #tpu.memory_space<vmem>>, vector<1x16xf32>,
          %swap3A_176 = vector.shape_cast %swap3A_175 : vector<1x16xf32> to vector<16xf32>
          %swap3A_177 = vector.shape_cast %mul3A_172 : vector<16xf32> to vector<1x16xf32>
          tpu.vector_store %arg12[%swap3A_173, %swap3A_174], %swap3A_177 {strides = array<i32>} : memref<80x64xf32, #tpu.memory_space<vmem>>, vector<1x16xf32>,
          %get3A_178 = arith.index_cast %add3A_148 : i32 to index
          %get3A_179 = arith.constant 48 : index
          %get3A_180 = tpu.vector_load %arg10[%get3A_178, %get3A_179] {strides = array<i32>} : memref<80x64xf32, #tpu.memory_space<vmem>>, vector<1x16xf32>,
          %get3A_181 = vector.shape_cast %get3A_180 : vector<1x16xf32> to vector<16xf32>
          %mul3A_182 = arith.mulf %get3A_181, %broadcast_in_dim3A : vector<16xf32>
          %swap3A_183 = arith.index_cast %add3A_148 : i32 to index
          %swap3A_184 = arith.constant 48 : index
          %swap3A_185 = tpu.vector_load %arg12[%swap3A_183, %swap3A_184] {strides = array<i32>} : memref<80x64xf32, #tpu.memory_space<vmem>>, vector<1x16xf32>,
          %swap3A_186 = vector.shape_cast %swap3A_185 : vector<1x16xf32> to vector<16xf32>
          %swap3A_187 = vector.shape_cast %mul3A_182 : vector<16xf32> to vector<1x16xf32>
          tpu.vector_store %arg12[%swap3A_183, %swap3A_184], %swap3A_187 {strides = array<i32>} : memref<80x64xf32, #tpu.memory_space<vmem>>, vector<1x16xf32>,
          %slice3A_188 = vector.extract_strided_slice %get3A_144 {offsets = [1], sizes = [1], strides = [1]} : vector<16xf32> to vector<1xf32>
          %squeeze3A_189 = vector.extract %slice3A_188[0] : f32 from vector<1xf32>
          %broadcast_in_dim3A_190 = vector.broadcast %squeeze3A_189 : f32 to vector<16xf32>
          %mul3A_191 = arith.constant 16 : i32
          %mul3A_192 = arith.muli %scan3A_138, %mul3A_191 : i32
          %add3A_193 = arith.constant 1 : i32
          %add3A_194 = arith.addi %mul3A_192, %add3A_193 : i32
          %get3A_195 = arith.index_cast %add3A_194 : i32 to index
          %get3A_196 = arith.constant 0 : index
          %get3A_197 = tpu.vector_load %arg10[%get3A_195, %get3A_196] {strides = array<i32>} : memref<80x64xf32, #tpu.memory_space<vmem>>, vector<1x16xf32>,
          %get3A_198 = vector.shape_cast %get3A_197 : vector<1x16xf32> to vector<16xf32>
          %mul3A_199 = arith.mulf %get3A_198, %broadcast_in_dim3A_190 : vector<16xf32>
          %swap3A_200 = arith.index_cast %add3A_194 : i32 to index
          %swap3A_201 = arith.constant 0 : index
          %swap3A_202 = tpu.vector_load %arg12[%swap3A_200, %swap3A_201] {strides = array<i32>} : memref<80x64xf32, #tpu.memory_space<vmem>>, vector<1x16xf32>,
          %swap3A_203 = vector.shape_cast %swap3A_202 : vector<1x16xf32> to vector<16xf32>
          %swap3A_204 = vector.shape_cast %mul3A_199 : vector<16xf32> to vector<1x16xf32>
          tpu.vector_store %arg12[%swap3A_200, %swap3A_201], %swap3A_204 {strides = array<i32>} : memref<80x64xf32, #tpu.memory_space<vmem>>, vector<1x16xf32>,
          %get3A_205 = arith.index_cast %add3A_194 : i32 to index
          %get3A_206 = arith.constant 16 : index
          %get3A_207 = tpu.vector_load %arg10[%get3A_205, %get3A_206] {strides = array<i32>} : memref<80x64xf32, #tpu.memory_space<vmem>>, vector<1x16xf32>,
          %get3A_208 = vector.shape_cast %get3A_207 : vector<1x16xf32> to vector<16xf32>
          %mul3A_209 = arith.mulf %get3A_208, %broadcast_in_dim3A_190 : vector<16xf32>
          %swap3A_210 = arith.index_cast %add3A_194 : i32 to index
          %swap3A_211 = arith.constant 16 : index
          %swap3A_212 = tpu.vector_load %arg12[%swap3A_210, %swap3A_211] {strides = array<i32>} : memref<80x64xf32, #tpu.memory_space<vmem>>, vector<1x16xf32>,
          %swap3A_213 = vector.shape_cast %swap3A_212 : vector<1x16xf32> to vector<16xf32>
          %swap3A_214 = vector.shape_cast %mul3A_209 : vector<16xf32> to vector<1x16xf32>
          tpu.vector_store %arg12[%swap3A_210, %swap3A_211], %swap3A_214 {strides = array<i32>} : memref<80x64xf32, #tpu.memory_space<vmem>>, vector<1x16xf32>,
          %get3A_215 = arith.index_cast %add3A_194 : i32 to index
          %get3A_216 = arith.constant 32 : index
          %get3A_217 = tpu.vector_load %arg10[%get3A_215, %get3A_216] {strides = array<i32>} : memref<80x64xf32, #tpu.memory_space<vmem>>, vector<1x16xf32>,
          %get3A_218 = vector.shape_cast %get3A_217 : vector<1x16xf32> to vector<16xf32>
          %mul3A_219 = arith.mulf %get3A_218, %broadcast_in_dim3A_190 : vector<16xf32>
          %swap3A_220 = arith.index_cast %add3A_194 : i32 to index
          %swap3A_221 = arith.constant 32 : index
          %swap3A_222 = tpu.vector_load %arg12[%swap3A_220, %swap3A_221] {strides = array<i32>} : memref<80x64xf32, #tpu.memory_space<vmem>>, vector<1x16xf32>,
          %swap3A_223 = vector.shape_cast %swap3A_222 : vector<1x16xf32> to vector<16xf32>
          %swap3A_224 = vector.shape_cast %mul3A_219 : vector<16xf32> to vector<1x16xf32>
          tpu.vector_store %arg12[%swap3A_220, %swap3A_221], %swap3A_224 {strides = array<i32>} : memref<80x64xf32, #tpu.memory_space<vmem>>, vector<1x16xf32>,
          %get3A_225 = arith.index_cast %add3A_194 : i32 to index
          %get3A_226 = arith.constant 48 : index
          %get3A_227 = tpu.vector_load %arg10[%get3A_225, %get3A_226] {strides = array<i32>} : memref<80x64xf32, #tpu.memory_space<vmem>>, vector<1x16xf32>,
          %get3A_228 = vector.shape_cast %get3A_227 : vector<1x16xf32> to vector<16xf32>
          %mul3A_229 = arith.mulf %get3A_228, %broadcast_in_dim3A_190 : vector<16xf32>
          %swap3A_230 = arith.index_cast %add3A_194 : i32 to index
          %swap3A_231 = arith.constant 48 : index
          %swap3A_232 = tpu.vector_load %arg12[%swap3A_230, %swap3A_231] {strides = array<i32>} : memref<80x64xf32, #tpu.memory_space<vmem>>, vector<1x16xf32>,
          %swap3A_233 = vector.shape_cast %swap3A_232 : vector<1x16xf32> to vector<16xf32>
          %swap3A_234 = vector.shape_cast %mul3A_229 : vector<16xf32> to vector<1x16xf32>
          tpu.vector_store %arg12[%swap3A_230, %swap3A_231], %swap3A_234 {strides = array<i32>} : memref<80x64xf32, #tpu.memory_space<vmem>>, vector<1x16xf32>,
          %slice3A_235 = vector.extract_strided_slice %get3A_144 {offsets = [2], sizes = [1], strides = [1]} : vector<16xf32> to vector<1xf32>
          %squeeze3A_236 = vector.extract %slice3A_235[0] : f32 from vector<1xf32>
          %broadcast_in_dim3A_237 = vector.broadcast %squeeze3A_236 : f32 to vector<16xf32>
          %mul3A_238 = arith.constant 16 : i32
          %mul3A_239 = arith.muli %scan3A_138, %mul3A_238 : i32
          %add3A_240 = arith.constant 2 : i32
          %add3A_241 = arith.addi %mul3A_239, %add3A_240 : i32
          %get3A_242 = arith.index_cast %add3A_241 : i32 to index
          %get3A_243 = arith.constant 0 : index
          %get3A_244 = tpu.vector_load %arg10[%get3A_242, %get3A_243] {strides = array<i32>} : memref<80x64xf32, #tpu.memory_space<vmem>>, vector<1x16xf32>,
          %get3A_245 = vector.shape_cast %get3A_244 : vector<1x16xf32> to vector<16xf32>
          %mul3A_246 = arith.mulf %get3A_245, %broadcast_in_dim3A_237 : vector<16xf32>
          %swap3A_247 = arith.index_cast %add3A_241 : i32 to index
          %swap3A_248 = arith.constant 0 : index
          %swap3A_249 = tpu.vector_load %arg12[%swap3A_247, %swap3A_248] {strides = array<i32>} : memref<80x64xf32, #tpu.memory_space<vmem>>, vector<1x16xf32>,
          %swap3A_250 = vector.shape_cast %swap3A_249 : vector<1x16xf32> to vector<16xf32>
          %swap3A_251 = vector.shape_cast %mul3A_246 : vector<16xf32> to vector<1x16xf32>
          tpu.vector_store %arg12[%swap3A_247, %swap3A_248], %swap3A_251 {strides = array<i32>} : memref<80x64xf32, #tpu.memory_space<vmem>>, vector<1x16xf32>,
          %get3A_252 = arith.index_cast %add3A_241 : i32 to index
          %get3A_253 = arith.constant 16 : index
          %get3A_254 = tpu.vector_load %arg10[%get3A_252, %get3A_253] {strides = array<i32>} : memref<80x64xf32, #tpu.memory_space<vmem>>, vector<1x16xf32>,
          %get3A_255 = vector.shape_cast %get3A_254 : vector<1x16xf32> to vector<16xf32>
          %mul3A_256 = arith.mulf %get3A_255, %broadcast_in_dim3A_237 : vector<16xf32>
          %swap3A_257 = arith.index_cast %add3A_241 : i32 to index
          %swap3A_258 = arith.constant 16 : index
          %swap3A_259 = tpu.vector_load %arg12[%swap3A_257, %swap3A_258] {strides = array<i32>} : memref<80x64xf32, #tpu.memory_space<vmem>>, vector<1x16xf32>,
          %swap3A_260 = vector.shape_cast %swap3A_259 : vector<1x16xf32> to vector<16xf32>
          %swap3A_261 = vector.shape_cast %mul3A_256 : vector<16xf32> to vector<1x16xf32>
          tpu.vector_store %arg12[%swap3A_257, %swap3A_258], %swap3A_261 {strides = array<i32>} : memref<80x64xf32, #tpu.memory_space<vmem>>, vector<1x16xf32>,
          %get3A_262 = arith.index_cast %add3A_241 : i32 to index
          %get3A_263 = arith.constant 32 : index
          %get3A_264 = tpu.vector_load %arg10[%get3A_262, %get3A_263] {strides = array<i32>} : memref<80x64xf32, #tpu.memory_space<vmem>>, vector<1x16xf32>,
          %get3A_265 = vector.shape_cast %get3A_264 : vector<1x16xf32> to vector<16xf32>
          %mul3A_266 = arith.mulf %get3A_265, %broadcast_in_dim3A_237 : vector<16xf32>
          %swap3A_267 = arith.index_cast %add3A_241 : i32 to index
          %swap3A_268 = arith.constant 32 : index
          %swap3A_269 = tpu.vector_load %arg12[%swap3A_267, %swap3A_268] {strides = array<i32>} : memref<80x64xf32, #tpu.memory_space<vmem>>, vector<1x16xf32>,
          %swap3A_270 = vector.shape_cast %swap3A_269 : vector<1x16xf32> to vector<16xf32>
          %swap3A_271 = vector.shape_cast %mul3A_266 : vector<16xf32> to vector<1x16xf32>
          tpu.vector_store %arg12[%swap3A_267, %swap3A_268], %swap3A_271 {strides = array<i32>} : memref<80x64xf32, #tpu.memory_space<vmem>>, vector<1x16xf32>,
          %get3A_272 = arith.index_cast %add3A_241 : i32 to index
          %get3A_273 = arith.constant 48 : index
          %get3A_274 = tpu.vector_load %arg10[%get3A_272, %get3A_273] {strides = array<i32>} : memref<80x64xf32, #tpu.memory_space<vmem>>, vector<1x16xf32>,
          %get3A_275 = vector.shape_cast %get3A_274 : vector<1x16xf32> to vector<16xf32>
          %mul3A_276 = arith.mulf %get3A_275, %broadcast_in_dim3A_237 : vector<16xf32>
          %swap3A_277 = arith.index_cast %add3A_241 : i32 to index
          %swap3A_278 = arith.constant 48 : index
          %swap3A_279 = tpu.vector_load %arg12[%swap3A_277, %swap3A_278] {strides = array<i32>} : memref<80x64xf32, #tpu.memory_space<vmem>>, vector<1x16xf32>,
          %swap3A_280 = vector.shape_cast %swap3A_279 : vector<1x16xf32> to vector<16xf32>
          %swap3A_281 = vector.shape_cast %mul3A_276 : vector<16xf32> to vector<1x16xf32>
          tpu.vector_store %arg12[%swap3A_277, %swap3A_278], %swap3A_281 {strides = array<i32>} : memref<80x64xf32, #tpu.memory_space<vmem>>, vector<1x16xf32>,
          %slice3A_282 = vector.extract_strided_slice %get3A_144 {offsets = [3], sizes = [1], strides = [1]} : vector<16xf32> to vector<1xf32>
          %squeeze3A_283 = vector.extract %slice3A_282[0] : f32 from vector<1xf32>
          %broadcast_in_dim3A_284 = vector.broadcast %squeeze3A_283 : f32 to vector<16xf32>
          %mul3A_285 = arith.constant 16 : i32
          %mul3A_286 = arith.muli %scan3A_138, %mul3A_285 : i32
          %add3A_287 = arith.constant 3 : i32
          %add3A_288 = arith.addi %mul3A_286, %add3A_287 : i32
          %get3A_289 = arith.index_cast %add3A_288 : i32 to index
          %get3A_290 = arith.constant 0 : index
          %get3A_291 = tpu.vector_load %arg10[%get3A_289, %get3A_290] {strides = array<i32>} : memref<80x64xf32, #tpu.memory_space<vmem>>, vector<1x16xf32>,
          %get3A_292 = vector.shape_cast %get3A_291 : vector<1x16xf32> to vector<16xf32>
          %mul3A_293 = arith.mulf %get3A_292, %broadcast_in_dim3A_284 : vector<16xf32>
          %swap3A_294 = arith.index_cast %add3A_288 : i32 to index
          %swap3A_295 = arith.constant 0 : index
          %swap3A_296 = tpu.vector_load %arg12[%swap3A_294, %swap3A_295] {strides = array<i32>} : memref<80x64xf32, #tpu.memory_space<vmem>>, vector<1x16xf32>,
          %swap3A_297 = vector.shape_cast %swap3A_296 : vector<1x16xf32> to vector<16xf32>
          %swap3A_298 = vector.shape_cast %mul3A_293 : vector<16xf32> to vector<1x16xf32>
          tpu.vector_store %arg12[%swap3A_294, %swap3A_295], %swap3A_298 {strides = array<i32>} : memref<80x64xf32, #tpu.memory_space<vmem>>, vector<1x16xf32>,
          %get3A_299 = arith.index_cast %add3A_288 : i32 to index
          %get3A_300 = arith.constant 16 : index
          %get3A_301 = tpu.vector_load %arg10[%get3A_299, %get3A_300] {strides = array<i32>} : memref<80x64xf32, #tpu.memory_space<vmem>>, vector<1x16xf32>,
          %get3A_302 = vector.shape_cast %get3A_301 : vector<1x16xf32> to vector<16xf32>
          %mul3A_303 = arith.mulf %get3A_302, %broadcast_in_dim3A_284 : vector<16xf32>
          %swap3A_304 = arith.index_cast %add3A_288 : i32 to index
          %swap3A_305 = arith.constant 16 : index
          %swap3A_306 = tpu.vector_load %arg12[%swap3A_304, %swap3A_305] {strides = array<i32>} : memref<80x64xf32, #tpu.memory_space<vmem>>, vector<1x16xf32>,
          %swap3A_307 = vector.shape_cast %swap3A_306 : vector<1x16xf32> to vector<16xf32>
          %swap3A_308 = vector.shape_cast %mul3A_303 : vector<16xf32> to vector<1x16xf32>
          tpu.vector_store %arg12[%swap3A_304, %swap3A_305], %swap3A_308 {strides = array<i32>} : memref<80x64xf32, #tpu.memory_space<vmem>>, vector<1x16xf32>,
          %get3A_309 = arith.index_cast %add3A_288 : i32 to index
          %get3A_310 = arith.constant 32 : index
          %get3A_311 = tpu.vector_load %arg10[%get3A_309, %get3A_310] {strides = array<i32>} : memref<80x64xf32, #tpu.memory_space<vmem>>, vector<1x16xf32>,
          %get3A_312 = vector.shape_cast %get3A_311 : vector<1x16xf32> to vector<16xf32>
          %mul3A_313 = arith.mulf %get3A_312, %broadcast_in_dim3A_284 : vector<16xf32>
          %swap3A_314 = arith.index_cast %add3A_288 : i32 to index
          %swap3A_315 = arith.constant 32 : index
          %swap3A_316 = tpu.vector_load %arg12[%swap3A_314, %swap3A_315] {strides = array<i32>} : memref<80x64xf32, #tpu.memory_space<vmem>>, vector<1x16xf32>,
          %swap3A_317 = vector.shape_cast %swap3A_316 : vector<1x16xf32> to vector<16xf32>
          %swap3A_318 = vector.shape_cast %mul3A_313 : vector<16xf32> to vector<1x16xf32>
          tpu.vector_store %arg12[%swap3A_314, %swap3A_315], %swap3A_318 {strides = array<i32>} : memref<80x64xf32, #tpu.memory_space<vmem>>, vector<1x16xf32>,
          %get3A_319 = arith.index_cast %add3A_288 : i32 to index
          %get3A_320 = arith.constant 48 : index
          %get3A_321 = tpu.vector_load %arg10[%get3A_319, %get3A_320] {strides = array<i32>} : memref<80x64xf32, #tpu.memory_space<vmem>>, vector<1x16xf32>,
          %get3A_322 = vector.shape_cast %get3A_321 : vector<1x16xf32> to vector<16xf32>
          %mul3A_323 = arith.mulf %get3A_322, %broadcast_in_dim3A_284 : vector<16xf32>
          %swap3A_324 = arith.index_cast %add3A_288 : i32 to index
          %swap3A_325 = arith.constant 48 : index
          %swap3A_326 = tpu.vector_load %arg12[%swap3A_324, %swap3A_325] {strides = array<i32>} : memref<80x64xf32, #tpu.memory_space<vmem>>, vector<1x16xf32>,
          %swap3A_327 = vector.shape_cast %swap3A_326 : vector<1x16xf32> to vector<16xf32>
          %swap3A_328 = vector.shape_cast %mul3A_323 : vector<16xf32> to vector<1x16xf32>
          tpu.vector_store %arg12[%swap3A_324, %swap3A_325], %swap3A_328 {strides = array<i32>} : memref<80x64xf32, #tpu.memory_space<vmem>>, vector<1x16xf32>,
          %slice3A_329 = vector.extract_strided_slice %get3A_144 {offsets = [4], sizes = [1], strides = [1]} : vector<16xf32> to vector<1xf32>
          %squeeze3A_330 = vector.extract %slice3A_329[0] : f32 from vector<1xf32>
          %broadcast_in_dim3A_331 = vector.broadcast %squeeze3A_330 : f32 to vector<16xf32>
          %mul3A_332 = arith.constant 16 : i32
          %mul3A_333 = arith.muli %scan3A_138, %mul3A_332 : i32
          %add3A_334 = arith.constant 4 : i32
          %add3A_335 = arith.addi %mul3A_333, %add3A_334 : i32
          %get3A_336 = arith.index_cast %add3A_335 : i32 to index
          %get3A_337 = arith.constant 0 : index
          %get3A_338 = tpu.vector_load %arg10[%get3A_336, %get3A_337] {strides = array<i32>} : memref<80x64xf32, #tpu.memory_space<vmem>>, vector<1x16xf32>,
          %get3A_339 = vector.shape_cast %get3A_338 : vector<1x16xf32> to vector<16xf32>
          %mul3A_340 = arith.mulf %get3A_339, %broadcast_in_dim3A_331 : vector<16xf32>
          %swap3A_341 = arith.index_cast %add3A_335 : i32 to index
          %swap3A_342 = arith.constant 0 : index
          %swap3A_343 = tpu.vector_load %arg12[%swap3A_341, %swap3A_342] {strides = array<i32>} : memref<80x64xf32, #tpu.memory_space<vmem>>, vector<1x16xf32>,
          %swap3A_344 = vector.shape_cast %swap3A_343 : vector<1x16xf32> to vector<16xf32>
          %swap3A_345 = vector.shape_cast %mul3A_340 : vector<16xf32> to vector<1x16xf32>
          tpu.vector_store %arg12[%swap3A_341, %swap3A_342], %swap3A_345 {strides = array<i32>} : memref<80x64xf32, #tpu.memory_space<vmem>>, vector<1x16xf32>,
          %get3A_346 = arith.index_cast %add3A_335 : i32 to index
          %get3A_347 = arith.constant 16 : index
          %get3A_348 = tpu.vector_load %arg10[%get3A_346, %get3A_347] {strides = array<i32>} : memref<80x64xf32, #tpu.memory_space<vmem>>, vector<1x16xf32>,
          %get3A_349 = vector.shape_cast %get3A_348 : vector<1x16xf32> to vector<16xf32>
          %mul3A_350 = arith.mulf %get3A_349, %broadcast_in_dim3A_331 : vector<16xf32>
          %swap3A_351 = arith.index_cast %add3A_335 : i32 to index
          %swap3A_352 = arith.constant 16 : index
          %swap3A_353 = tpu.vector_load %arg12[%swap3A_351, %swap3A_352] {strides = array<i32>} : memref<80x64xf32, #tpu.memory_space<vmem>>, vector<1x16xf32>,
          %swap3A_354 = vector.shape_cast %swap3A_353 : vector<1x16xf32> to vector<16xf32>
          %swap3A_355 = vector.shape_cast %mul3A_350 : vector<16xf32> to vector<1x16xf32>
          tpu.vector_store %arg12[%swap3A_351, %swap3A_352], %swap3A_355 {strides = array<i32>} : memref<80x64xf32, #tpu.memory_space<vmem>>, vector<1x16xf32>,
          %get3A_356 = arith.index_cast %add3A_335 : i32 to index
          %get3A_357 = arith.constant 32 : index
          %get3A_358 = tpu.vector_load %arg10[%get3A_356, %get3A_357] {strides = array<i32>} : memref<80x64xf32, #tpu.memory_space<vmem>>, vector<1x16xf32>,
          %get3A_359 = vector.shape_cast %get3A_358 : vector<1x16xf32> to vector<16xf32>
          %mul3A_360 = arith.mulf %get3A_359, %broadcast_in_dim3A_331 : vector<16xf32>
          %swap3A_361 = arith.index_cast %add3A_335 : i32 to index
          %swap3A_362 = arith.constant 32 : index
          %swap3A_363 = tpu.vector_load %arg12[%swap3A_361, %swap3A_362] {strides = array<i32>} : memref<80x64xf32, #tpu.memory_space<vmem>>, vector<1x16xf32>,
          %swap3A_364 = vector.shape_cast %swap3A_363 : vector<1x16xf32> to vector<16xf32>
          %swap3A_365 = vector.shape_cast %mul3A_360 : vector<16xf32> to vector<1x16xf32>
          tpu.vector_store %arg12[%swap3A_361, %swap3A_362], %swap3A_365 {strides = array<i32>} : memref<80x64xf32, #tpu.memory_space<vmem>>, vector<1x16xf32>,
          %get3A_366 = arith.index_cast %add3A_335 : i32 to index
          %get3A_367 = arith.constant 48 : index
          %get3A_368 = tpu.vector_load %arg10[%get3A_366, %get3A_367] {strides = array<i32>} : memref<80x64xf32, #tpu.memory_space<vmem>>, vector<1x16xf32>,
          %get3A_369 = vector.shape_cast %get3A_368 : vector<1x16xf32> to vector<16xf32>
          %mul3A_370 = arith.mulf %get3A_369, %broadcast_in_dim3A_331 : vector<16xf32>
          %swap3A_371 = arith.index_cast %add3A_335 : i32 to index
          %swap3A_372 = arith.constant 48 : index
          %swap3A_373 = tpu.vector_load %arg12[%swap3A_371, %swap3A_372] {strides = array<i32>} : memref<80x64xf32, #tpu.memory_space<vmem>>, vector<1x16xf32>,
          %swap3A_374 = vector.shape_cast %swap3A_373 : vector<1x16xf32> to vector<16xf32>
          %swap3A_375 = vector.shape_cast %mul3A_370 : vector<16xf32> to vector<1x16xf32>
          tpu.vector_store %arg12[%swap3A_371, %swap3A_372], %swap3A_375 {strides = array<i32>} : memref<80x64xf32, #tpu.memory_space<vmem>>, vector<1x16xf32>,
          %slice3A_376 = vector.extract_strided_slice %get3A_144 {offsets = [5], sizes = [1], strides = [1]} : vector<16xf32> to vector<1xf32>
          %squeeze3A_377 = vector.extract %slice3A_376[0] : f32 from vector<1xf32>
          %broadcast_in_dim3A_378 = vector.broadcast %squeeze3A_377 : f32 to vector<16xf32>
          %mul3A_379 = arith.constant 16 : i32
          %mul3A_380 = arith.muli %scan3A_138, %mul3A_379 : i32
          %add3A_381 = arith.constant 5 : i32
          %add3A_382 = arith.addi %mul3A_380, %add3A_381 : i32
          %get3A_383 = arith.index_cast %add3A_382 : i32 to index
          %get3A_384 = arith.constant 0 : index
          %get3A_385 = tpu.vector_load %arg10[%get3A_383, %get3A_384] {strides = array<i32>} : memref<80x64xf32, #tpu.memory_space<vmem>>, vector<1x16xf32>,
          %get3A_386 = vector.shape_cast %get3A_385 : vector<1x16xf32> to vector<16xf32>
          %mul3A_387 = arith.mulf %get3A_386, %broadcast_in_dim3A_378 : vector<16xf32>
          %swap3A_388 = arith.index_cast %add3A_382 : i32 to index
          %swap3A_389 = arith.constant 0 : index
          %swap3A_390 = tpu.vector_load %arg12[%swap3A_388, %swap3A_389] {strides = array<i32>} : memref<80x64xf32, #tpu.memory_space<vmem>>, vector<1x16xf32>,
          %swap3A_391 = vector.shape_cast %swap3A_390 : vector<1x16xf32> to vector<16xf32>
          %swap3A_392 = vector.shape_cast %mul3A_387 : vector<16xf32> to vector<1x16xf32>
          tpu.vector_store %arg12[%swap3A_388, %swap3A_389], %swap3A_392 {strides = array<i32>} : memref<80x64xf32, #tpu.memory_space<vmem>>, vector<1x16xf32>,
          %get3A_393 = arith.index_cast %add3A_382 : i32 to index
          %get3A_394 = arith.constant 16 : index
          %get3A_395 = tpu.vector_load %arg10[%get3A_393, %get3A_394] {strides = array<i32>} : memref<80x64xf32, #tpu.memory_space<vmem>>, vector<1x16xf32>,
          %get3A_396 = vector.shape_cast %get3A_395 : vector<1x16xf32> to vector<16xf32>
          %mul3A_397 = arith.mulf %get3A_396, %broadcast_in_dim3A_378 : vector<16xf32>
          %swap3A_398 = arith.index_cast %add3A_382 : i32 to index
          %swap3A_399 = arith.constant 16 : index
          %swap3A_400 = tpu.vector_load %arg12[%swap3A_398, %swap3A_399] {strides = array<i32>} : memref<80x64xf32, #tpu.memory_space<vmem>>, vector<1x16xf32>,
          %swap3A_401 = vector.shape_cast %swap3A_400 : vector<1x16xf32> to vector<16xf32>
          %swap3A_402 = vector.shape_cast %mul3A_397 : vector<16xf32> to vector<1x16xf32>
          tpu.vector_store %arg12[%swap3A_398, %swap3A_399], %swap3A_402 {strides = array<i32>} : memref<80x64xf32, #tpu.memory_space<vmem>>, vector<1x16xf32>,
          %get3A_403 = arith.index_cast %add3A_382 : i32 to index
          %get3A_404 = arith.constant 32 : index
          %get3A_405 = tpu.vector_load %arg10[%get3A_403, %get3A_404] {strides = array<i32>} : memref<80x64xf32, #tpu.memory_space<vmem>>, vector<1x16xf32>,
          %get3A_406 = vector.shape_cast %get3A_405 : vector<1x16xf32> to vector<16xf32>
          %mul3A_407 = arith.mulf %get3A_406, %broadcast_in_dim3A_378 : vector<16xf32>
          %swap3A_408 = arith.index_cast %add3A_382 : i32 to index
          %swap3A_409 = arith.constant 32 : index
          %swap3A_410 = tpu.vector_load %arg12[%swap3A_408, %swap3A_409] {strides = array<i32>} : memref<80x64xf32, #tpu.memory_space<vmem>>, vector<1x16xf32>,
          %swap3A_411 = vector.shape_cast %swap3A_410 : vector<1x16xf32> to vector<16xf32>
          %swap3A_412 = vector.shape_cast %mul3A_407 : vector<16xf32> to vector<1x16xf32>
          tpu.vector_store %arg12[%swap3A_408, %swap3A_409], %swap3A_412 {strides = array<i32>} : memref<80x64xf32, #tpu.memory_space<vmem>>, vector<1x16xf32>,
          %get3A_413 = arith.index_cast %add3A_382 : i32 to index
          %get3A_414 = arith.constant 48 : index
          %get3A_415 = tpu.vector_load %arg10[%get3A_413, %get3A_414] {strides = array<i32>} : memref<80x64xf32, #tpu.memory_space<vmem>>, vector<1x16xf32>,
          %get3A_416 = vector.shape_cast %get3A_415 : vector<1x16xf32> to vector<16xf32>
          %mul3A_417 = arith.mulf %get3A_416, %broadcast_in_dim3A_378 : vector<16xf32>
          %swap3A_418 = arith.index_cast %add3A_382 : i32 to index
          %swap3A_419 = arith.constant 48 : index
          %swap3A_420 = tpu.vector_load %arg12[%swap3A_418, %swap3A_419] {strides = array<i32>} : memref<80x64xf32, #tpu.memory_space<vmem>>, vector<1x16xf32>,
          %swap3A_421 = vector.shape_cast %swap3A_420 : vector<1x16xf32> to vector<16xf32>
          %swap3A_422 = vector.shape_cast %mul3A_417 : vector<16xf32> to vector<1x16xf32>
          tpu.vector_store %arg12[%swap3A_418, %swap3A_419], %swap3A_422 {strides = array<i32>} : memref<80x64xf32, #tpu.memory_space<vmem>>, vector<1x16xf32>,
          %slice3A_423 = vector.extract_strided_slice %get3A_144 {offsets = [6], sizes = [1], strides = [1]} : vector<16xf32> to vector<1xf32>
          %squeeze3A_424 = vector.extract %slice3A_423[0] : f32 from vector<1xf32>
          %broadcast_in_dim3A_425 = vector.broadcast %squeeze3A_424 : f32 to vector<16xf32>
          %mul3A_426 = arith.constant 16 : i32
          %mul3A_427 = arith.muli %scan3A_138, %mul3A_426 : i32
          %add3A_428 = arith.constant 6 : i32
          %add3A_429 = arith.addi %mul3A_427, %add3A_428 : i32
          %get3A_430 = arith.index_cast %add3A_429 : i32 to index
          %get3A_431 = arith.constant 0 : index
          %get3A_432 = tpu.vector_load %arg10[%get3A_430, %get3A_431] {strides = array<i32>} : memref<80x64xf32, #tpu.memory_space<vmem>>, vector<1x16xf32>,
          %get3A_433 = vector.shape_cast %get3A_432 : vector<1x16xf32> to vector<16xf32>
          %mul3A_434 = arith.mulf %get3A_433, %broadcast_in_dim3A_425 : vector<16xf32>
          %swap3A_435 = arith.index_cast %add3A_429 : i32 to index
          %swap3A_436 = arith.constant 0 : index
          %swap3A_437 = tpu.vector_load %arg12[%swap3A_435, %swap3A_436] {strides = array<i32>} : memref<80x64xf32, #tpu.memory_space<vmem>>, vector<1x16xf32>,
          %swap3A_438 = vector.shape_cast %swap3A_437 : vector<1x16xf32> to vector<16xf32>
          %swap3A_439 = vector.shape_cast %mul3A_434 : vector<16xf32> to vector<1x16xf32>
          tpu.vector_store %arg12[%swap3A_435, %swap3A_436], %swap3A_439 {strides = array<i32>} : memref<80x64xf32, #tpu.memory_space<vmem>>, vector<1x16xf32>,
          %get3A_440 = arith.index_cast %add3A_429 : i32 to index
          %get3A_441 = arith.constant 16 : index
          %get3A_442 = tpu.vector_load %arg10[%get3A_440, %get3A_441] {strides = array<i32>} : memref<80x64xf32, #tpu.memory_space<vmem>>, vector<1x16xf32>,
          %get3A_443 = vector.shape_cast %get3A_442 : vector<1x16xf32> to vector<16xf32>
          %mul3A_444 = arith.mulf %get3A_443, %broadcast_in_dim3A_425 : vector<16xf32>
          %swap3A_445 = arith.index_cast %add3A_429 : i32 to index
          %swap3A_446 = arith.constant 16 : index
          %swap3A_447 = tpu.vector_load %arg12[%swap3A_445, %swap3A_446] {strides = array<i32>} : memref<80x64xf32, #tpu.memory_space<vmem>>, vector<1x16xf32>,
          %swap3A_448 = vector.shape_cast %swap3A_447 : vector<1x16xf32> to vector<16xf32>
          %swap3A_449 = vector.shape_cast %mul3A_444 : vector<16xf32> to vector<1x16xf32>
          tpu.vector_store %arg12[%swap3A_445, %swap3A_446], %swap3A_449 {strides = array<i32>} : memref<80x64xf32, #tpu.memory_space<vmem>>, vector<1x16xf32>,
          %get3A_450 = arith.index_cast %add3A_429 : i32 to index
          %get3A_451 = arith.constant 32 : index
          %get3A_452 = tpu.vector_load %arg10[%get3A_450, %get3A_451] {strides = array<i32>} : memref<80x64xf32, #tpu.memory_space<vmem>>, vector<1x16xf32>,
          %get3A_453 = vector.shape_cast %get3A_452 : vector<1x16xf32> to vector<16xf32>
          %mul3A_454 = arith.mulf %get3A_453, %broadcast_in_dim3A_425 : vector<16xf32>
          %swap3A_455 = arith.index_cast %add3A_429 : i32 to index
          %swap3A_456 = arith.constant 32 : index
          %swap3A_457 = tpu.vector_load %arg12[%swap3A_455, %swap3A_456] {strides = array<i32>} : memref<80x64xf32, #tpu.memory_space<vmem>>, vector<1x16xf32>,
          %swap3A_458 = vector.shape_cast %swap3A_457 : vector<1x16xf32> to vector<16xf32>
          %swap3A_459 = vector.shape_cast %mul3A_454 : vector<16xf32> to vector<1x16xf32>
          tpu.vector_store %arg12[%swap3A_455, %swap3A_456], %swap3A_459 {strides = array<i32>} : memref<80x64xf32, #tpu.memory_space<vmem>>, vector<1x16xf32>,
          %get3A_460 = arith.index_cast %add3A_429 : i32 to index
          %get3A_461 = arith.constant 48 : index
          %get3A_462 = tpu.vector_load %arg10[%get3A_460, %get3A_461] {strides = array<i32>} : memref<80x64xf32, #tpu.memory_space<vmem>>, vector<1x16xf32>,
          %get3A_463 = vector.shape_cast %get3A_462 : vector<1x16xf32> to vector<16xf32>
          %mul3A_464 = arith.mulf %get3A_463, %broadcast_in_dim3A_425 : vector<16xf32>
          %swap3A_465 = arith.index_cast %add3A_429 : i32 to index
          %swap3A_466 = arith.constant 48 : index
          %swap3A_467 = tpu.vector_load %arg12[%swap3A_465, %swap3A_466] {strides = array<i32>} : memref<80x64xf32, #tpu.memory_space<vmem>>, vector<1x16xf32>,
          %swap3A_468 = vector.shape_cast %swap3A_467 : vector<1x16xf32> to vector<16xf32>
          %swap3A_469 = vector.shape_cast %mul3A_464 : vector<16xf32> to vector<1x16xf32>
          tpu.vector_store %arg12[%swap3A_465, %swap3A_466], %swap3A_469 {strides = array<i32>} : memref<80x64xf32, #tpu.memory_space<vmem>>, vector<1x16xf32>,
          %slice3A_470 = vector.extract_strided_slice %get3A_144 {offsets = [7], sizes = [1], strides = [1]} : vector<16xf32> to vector<1xf32>
          %squeeze3A_471 = vector.extract %slice3A_470[0] : f32 from vector<1xf32>
          %broadcast_in_dim3A_472 = vector.broadcast %squeeze3A_471 : f32 to vector<16xf32>
          %mul3A_473 = arith.constant 16 : i32
          %mul3A_474 = arith.muli %scan3A_138, %mul3A_473 : i32
          %add3A_475 = arith.constant 7 : i32
          %add3A_476 = arith.addi %mul3A_474, %add3A_475 : i32
          %get3A_477 = arith.index_cast %add3A_476 : i32 to index
          %get3A_478 = arith.constant 0 : index
          %get3A_479 = tpu.vector_load %arg10[%get3A_477, %get3A_478] {strides = array<i32>} : memref<80x64xf32, #tpu.memory_space<vmem>>, vector<1x16xf32>,
          %get3A_480 = vector.shape_cast %get3A_479 : vector<1x16xf32> to vector<16xf32>
          %mul3A_481 = arith.mulf %get3A_480, %broadcast_in_dim3A_472 : vector<16xf32>
          %swap3A_482 = arith.index_cast %add3A_476 : i32 to index
          %swap3A_483 = arith.constant 0 : index
          %swap3A_484 = tpu.vector_load %arg12[%swap3A_482, %swap3A_483] {strides = array<i32>} : memref<80x64xf32, #tpu.memory_space<vmem>>, vector<1x16xf32>,
          %swap3A_485 = vector.shape_cast %swap3A_484 : vector<1x16xf32> to vector<16xf32>
          %swap3A_486 = vector.shape_cast %mul3A_481 : vector<16xf32> to vector<1x16xf32>
          tpu.vector_store %arg12[%swap3A_482, %swap3A_483], %swap3A_486 {strides = array<i32>} : memref<80x64xf32, #tpu.memory_space<vmem>>, vector<1x16xf32>,
          %get3A_487 = arith.index_cast %add3A_476 : i32 to index
          %get3A_488 = arith.constant 16 : index
          %get3A_489 = tpu.vector_load %arg10[%get3A_487, %get3A_488] {strides = array<i32>} : memref<80x64xf32, #tpu.memory_space<vmem>>, vector<1x16xf32>,
          %get3A_490 = vector.shape_cast %get3A_489 : vector<1x16xf32> to vector<16xf32>
          %mul3A_491 = arith.mulf %get3A_490, %broadcast_in_dim3A_472 : vector<16xf32>
          %swap3A_492 = arith.index_cast %add3A_476 : i32 to index
          %swap3A_493 = arith.constant 16 : index
          %swap3A_494 = tpu.vector_load %arg12[%swap3A_492, %swap3A_493] {strides = array<i32>} : memref<80x64xf32, #tpu.memory_space<vmem>>, vector<1x16xf32>,
          %swap3A_495 = vector.shape_cast %swap3A_494 : vector<1x16xf32> to vector<16xf32>
          %swap3A_496 = vector.shape_cast %mul3A_491 : vector<16xf32> to vector<1x16xf32>
          tpu.vector_store %arg12[%swap3A_492, %swap3A_493], %swap3A_496 {strides = array<i32>} : memref<80x64xf32, #tpu.memory_space<vmem>>, vector<1x16xf32>,
          %get3A_497 = arith.index_cast %add3A_476 : i32 to index
          %get3A_498 = arith.constant 32 : index
          %get3A_499 = tpu.vector_load %arg10[%get3A_497, %get3A_498] {strides = array<i32>} : memref<80x64xf32, #tpu.memory_space<vmem>>, vector<1x16xf32>,
          %get3A_500 = vector.shape_cast %get3A_499 : vector<1x16xf32> to vector<16xf32>
          %mul3A_501 = arith.mulf %get3A_500, %broadcast_in_dim3A_472 : vector<16xf32>
          %swap3A_502 = arith.index_cast %add3A_476 : i32 to index
          %swap3A_503 = arith.constant 32 : index
          %swap3A_504 = tpu.vector_load %arg12[%swap3A_502, %swap3A_503] {strides = array<i32>} : memref<80x64xf32, #tpu.memory_space<vmem>>, vector<1x16xf32>,
          %swap3A_505 = vector.shape_cast %swap3A_504 : vector<1x16xf32> to vector<16xf32>
          %swap3A_506 = vector.shape_cast %mul3A_501 : vector<16xf32> to vector<1x16xf32>
          tpu.vector_store %arg12[%swap3A_502, %swap3A_503], %swap3A_506 {strides = array<i32>} : memref<80x64xf32, #tpu.memory_space<vmem>>, vector<1x16xf32>,
          %get3A_507 = arith.index_cast %add3A_476 : i32 to index
          %get3A_508 = arith.constant 48 : index
          %get3A_509 = tpu.vector_load %arg10[%get3A_507, %get3A_508] {strides = array<i32>} : memref<80x64xf32, #tpu.memory_space<vmem>>, vector<1x16xf32>,
          %get3A_510 = vector.shape_cast %get3A_509 : vector<1x16xf32> to vector<16xf32>
          %mul3A_511 = arith.mulf %get3A_510, %broadcast_in_dim3A_472 : vector<16xf32>
          %swap3A_512 = arith.index_cast %add3A_476 : i32 to index
          %swap3A_513 = arith.constant 48 : index
          %swap3A_514 = tpu.vector_load %arg12[%swap3A_512, %swap3A_513] {strides = array<i32>} : memref<80x64xf32, #tpu.memory_space<vmem>>, vector<1x16xf32>,
          %swap3A_515 = vector.shape_cast %swap3A_514 : vector<1x16xf32> to vector<16xf32>
          %swap3A_516 = vector.shape_cast %mul3A_511 : vector<16xf32> to vector<1x16xf32>
          tpu.vector_store %arg12[%swap3A_512, %swap3A_513], %swap3A_516 {strides = array<i32>} : memref<80x64xf32, #tpu.memory_space<vmem>>, vector<1x16xf32>,
          %slice3A_517 = vector.extract_strided_slice %get3A_144 {offsets = [8], sizes = [1], strides = [1]} : vector<16xf32> to vector<1xf32>
          %squeeze3A_518 = vector.extract %slice3A_517[0] : f32 from vector<1xf32>
          %broadcast_in_dim3A_519 = vector.broadcast %squeeze3A_518 : f32 to vector<16xf32>
          %mul3A_520 = arith.constant 16 : i32
          %mul3A_521 = arith.muli %scan3A_138, %mul3A_520 : i32
          %add3A_522 = arith.constant 8 : i32
          %add3A_523 = arith.addi %mul3A_521, %add3A_522 : i32
          %get3A_524 = arith.index_cast %add3A_523 : i32 to index
          %get3A_525 = arith.constant 0 : index
          %get3A_526 = tpu.vector_load %arg10[%get3A_524, %get3A_525] {strides = array<i32>} : memref<80x64xf32, #tpu.memory_space<vmem>>, vector<1x16xf32>,
          %get3A_527 = vector.shape_cast %get3A_526 : vector<1x16xf32> to vector<16xf32>
          %mul3A_528 = arith.mulf %get3A_527, %broadcast_in_dim3A_519 : vector<16xf32>
          %swap3A_529 = arith.index_cast %add3A_523 : i32 to index
          %swap3A_530 = arith.constant 0 : index
          %swap3A_531 = tpu.vector_load %arg12[%swap3A_529, %swap3A_530] {strides = array<i32>} : memref<80x64xf32, #tpu.memory_space<vmem>>, vector<1x16xf32>,
          %swap3A_532 = vector.shape_cast %swap3A_531 : vector<1x16xf32> to vector<16xf32>
          %swap3A_533 = vector.shape_cast %mul3A_528 : vector<16xf32> to vector<1x16xf32>
          tpu.vector_store %arg12[%swap3A_529, %swap3A_530], %swap3A_533 {strides = array<i32>} : memref<80x64xf32, #tpu.memory_space<vmem>>, vector<1x16xf32>,
          %get3A_534 = arith.index_cast %add3A_523 : i32 to index
          %get3A_535 = arith.constant 16 : index
          %get3A_536 = tpu.vector_load %arg10[%get3A_534, %get3A_535] {strides = array<i32>} : memref<80x64xf32, #tpu.memory_space<vmem>>, vector<1x16xf32>,
          %get3A_537 = vector.shape_cast %get3A_536 : vector<1x16xf32> to vector<16xf32>
          %mul3A_538 = arith.mulf %get3A_537, %broadcast_in_dim3A_519 : vector<16xf32>
          %swap3A_539 = arith.index_cast %add3A_523 : i32 to index
          %swap3A_540 = arith.constant 16 : index
          %swap3A_541 = tpu.vector_load %arg12[%swap3A_539, %swap3A_540] {strides = array<i32>} : memref<80x64xf32, #tpu.memory_space<vmem>>, vector<1x16xf32>,
          %swap3A_542 = vector.shape_cast %swap3A_541 : vector<1x16xf32> to vector<16xf32>
          %swap3A_543 = vector.shape_cast %mul3A_538 : vector<16xf32> to vector<1x16xf32>
          tpu.vector_store %arg12[%swap3A_539, %swap3A_540], %swap3A_543 {strides = array<i32>} : memref<80x64xf32, #tpu.memory_space<vmem>>, vector<1x16xf32>,
          %get3A_544 = arith.index_cast %add3A_523 : i32 to index
          %get3A_545 = arith.constant 32 : index
          %get3A_546 = tpu.vector_load %arg10[%get3A_544, %get3A_545] {strides = array<i32>} : memref<80x64xf32, #tpu.memory_space<vmem>>, vector<1x16xf32>,
          %get3A_547 = vector.shape_cast %get3A_546 : vector<1x16xf32> to vector<16xf32>
          %mul3A_548 = arith.mulf %get3A_547, %broadcast_in_dim3A_519 : vector<16xf32>
          %swap3A_549 = arith.index_cast %add3A_523 : i32 to index
          %swap3A_550 = arith.constant 32 : index
          %swap3A_551 = tpu.vector_load %arg12[%swap3A_549, %swap3A_550] {strides = array<i32>} : memref<80x64xf32, #tpu.memory_space<vmem>>, vector<1x16xf32>,
          %swap3A_552 = vector.shape_cast %swap3A_551 : vector<1x16xf32> to vector<16xf32>
          %swap3A_553 = vector.shape_cast %mul3A_548 : vector<16xf32> to vector<1x16xf32>
          tpu.vector_store %arg12[%swap3A_549, %swap3A_550], %swap3A_553 {strides = array<i32>} : memref<80x64xf32, #tpu.memory_space<vmem>>, vector<1x16xf32>,
          %get3A_554 = arith.index_cast %add3A_523 : i32 to index
          %get3A_555 = arith.constant 48 : index
          %get3A_556 = tpu.vector_load %arg10[%get3A_554, %get3A_555] {strides = array<i32>} : memref<80x64xf32, #tpu.memory_space<vmem>>, vector<1x16xf32>,
          %get3A_557 = vector.shape_cast %get3A_556 : vector<1x16xf32> to vector<16xf32>
          %mul3A_558 = arith.mulf %get3A_557, %broadcast_in_dim3A_519 : vector<16xf32>
          %swap3A_559 = arith.index_cast %add3A_523 : i32 to index
          %swap3A_560 = arith.constant 48 : index
          %swap3A_561 = tpu.vector_load %arg12[%swap3A_559, %swap3A_560] {strides = array<i32>} : memref<80x64xf32, #tpu.memory_space<vmem>>, vector<1x16xf32>,
          %swap3A_562 = vector.shape_cast %swap3A_561 : vector<1x16xf32> to vector<16xf32>
          %swap3A_563 = vector.shape_cast %mul3A_558 : vector<16xf32> to vector<1x16xf32>
          tpu.vector_store %arg12[%swap3A_559, %swap3A_560], %swap3A_563 {strides = array<i32>} : memref<80x64xf32, #tpu.memory_space<vmem>>, vector<1x16xf32>,
          %slice3A_564 = vector.extract_strided_slice %get3A_144 {offsets = [9], sizes = [1], strides = [1]} : vector<16xf32> to vector<1xf32>
          %squeeze3A_565 = vector.extract %slice3A_564[0] : f32 from vector<1xf32>
          %broadcast_in_dim3A_566 = vector.broadcast %squeeze3A_565 : f32 to vector<16xf32>
          %mul3A_567 = arith.constant 16 : i32
          %mul3A_568 = arith.muli %scan3A_138, %mul3A_567 : i32
          %add3A_569 = arith.constant 9 : i32
          %add3A_570 = arith.addi %mul3A_568, %add3A_569 : i32
          %get3A_571 = arith.index_cast %add3A_570 : i32 to index
          %get3A_572 = arith.constant 0 : index
          %get3A_573 = tpu.vector_load %arg10[%get3A_571, %get3A_572] {strides = array<i32>} : memref<80x64xf32, #tpu.memory_space<vmem>>, vector<1x16xf32>,
          %get3A_574 = vector.shape_cast %get3A_573 : vector<1x16xf32> to vector<16xf32>
          %mul3A_575 = arith.mulf %get3A_574, %broadcast_in_dim3A_566 : vector<16xf32>
          %swap3A_576 = arith.index_cast %add3A_570 : i32 to index
          %swap3A_577 = arith.constant 0 : index
          %swap3A_578 = tpu.vector_load %arg12[%swap3A_576, %swap3A_577] {strides = array<i32>} : memref<80x64xf32, #tpu.memory_space<vmem>>, vector<1x16xf32>,
          %swap3A_579 = vector.shape_cast %swap3A_578 : vector<1x16xf32> to vector<16xf32>
          %swap3A_580 = vector.shape_cast %mul3A_575 : vector<16xf32> to vector<1x16xf32>
          tpu.vector_store %arg12[%swap3A_576, %swap3A_577], %swap3A_580 {strides = array<i32>} : memref<80x64xf32, #tpu.memory_space<vmem>>, vector<1x16xf32>,
          %get3A_581 = arith.index_cast %add3A_570 : i32 to index
          %get3A_582 = arith.constant 16 : index
          %get3A_583 = tpu.vector_load %arg10[%get3A_581, %get3A_582] {strides = array<i32>} : memref<80x64xf32, #tpu.memory_space<vmem>>, vector<1x16xf32>,
          %get3A_584 = vector.shape_cast %get3A_583 : vector<1x16xf32> to vector<16xf32>
          %mul3A_585 = arith.mulf %get3A_584, %broadcast_in_dim3A_566 : vector<16xf32>
          %swap3A_586 = arith.index_cast %add3A_570 : i32 to index
          %swap3A_587 = arith.constant 16 : index
          %swap3A_588 = tpu.vector_load %arg12[%swap3A_586, %swap3A_587] {strides = array<i32>} : memref<80x64xf32, #tpu.memory_space<vmem>>, vector<1x16xf32>,
          %swap3A_589 = vector.shape_cast %swap3A_588 : vector<1x16xf32> to vector<16xf32>
          %swap3A_590 = vector.shape_cast %mul3A_585 : vector<16xf32> to vector<1x16xf32>
          tpu.vector_store %arg12[%swap3A_586, %swap3A_587], %swap3A_590 {strides = array<i32>} : memref<80x64xf32, #tpu.memory_space<vmem>>, vector<1x16xf32>,
          %get3A_591 = arith.index_cast %add3A_570 : i32 to index
          %get3A_592 = arith.constant 32 : index
          %get3A_593 = tpu.vector_load %arg10[%get3A_591, %get3A_592] {strides = array<i32>} : memref<80x64xf32, #tpu.memory_space<vmem>>, vector<1x16xf32>,
          %get3A_594 = vector.shape_cast %get3A_593 : vector<1x16xf32> to vector<16xf32>
          %mul3A_595 = arith.mulf %get3A_594, %broadcast_in_dim3A_566 : vector<16xf32>
          %swap3A_596 = arith.index_cast %add3A_570 : i32 to index
          %swap3A_597 = arith.constant 32 : index
          %swap3A_598 = tpu.vector_load %arg12[%swap3A_596, %swap3A_597] {strides = array<i32>} : memref<80x64xf32, #tpu.memory_space<vmem>>, vector<1x16xf32>,
          %swap3A_599 = vector.shape_cast %swap3A_598 : vector<1x16xf32> to vector<16xf32>
          %swap3A_600 = vector.shape_cast %mul3A_595 : vector<16xf32> to vector<1x16xf32>
          tpu.vector_store %arg12[%swap3A_596, %swap3A_597], %swap3A_600 {strides = array<i32>} : memref<80x64xf32, #tpu.memory_space<vmem>>, vector<1x16xf32>,
          %get3A_601 = arith.index_cast %add3A_570 : i32 to index
          %get3A_602 = arith.constant 48 : index
          %get3A_603 = tpu.vector_load %arg10[%get3A_601, %get3A_602] {strides = array<i32>} : memref<80x64xf32, #tpu.memory_space<vmem>>, vector<1x16xf32>,
          %get3A_604 = vector.shape_cast %get3A_603 : vector<1x16xf32> to vector<16xf32>
          %mul3A_605 = arith.mulf %get3A_604, %broadcast_in_dim3A_566 : vector<16xf32>
          %swap3A_606 = arith.index_cast %add3A_570 : i32 to index
          %swap3A_607 = arith.constant 48 : index
          %swap3A_608 = tpu.vector_load %arg12[%swap3A_606, %swap3A_607] {strides = array<i32>} : memref<80x64xf32, #tpu.memory_space<vmem>>, vector<1x16xf32>,
          %swap3A_609 = vector.shape_cast %swap3A_608 : vector<1x16xf32> to vector<16xf32>
          %swap3A_610 = vector.shape_cast %mul3A_605 : vector<16xf32> to vector<1x16xf32>
          tpu.vector_store %arg12[%swap3A_606, %swap3A_607], %swap3A_610 {strides = array<i32>} : memref<80x64xf32, #tpu.memory_space<vmem>>, vector<1x16xf32>,
          %slice3A_611 = vector.extract_strided_slice %get3A_144 {offsets = [10], sizes = [1], strides = [1]} : vector<16xf32> to vector<1xf32>
          %squeeze3A_612 = vector.extract %slice3A_611[0] : f32 from vector<1xf32>
          %broadcast_in_dim3A_613 = vector.broadcast %squeeze3A_612 : f32 to vector<16xf32>
          %mul3A_614 = arith.constant 16 : i32
          %mul3A_615 = arith.muli %scan3A_138, %mul3A_614 : i32
          %add3A_616 = arith.constant 10 : i32
          %add3A_617 = arith.addi %mul3A_615, %add3A_616 : i32
          %get3A_618 = arith.index_cast %add3A_617 : i32 to index
          %get3A_619 = arith.constant 0 : index
          %get3A_620 = tpu.vector_load %arg10[%get3A_618, %get3A_619] {strides = array<i32>} : memref<80x64xf32, #tpu.memory_space<vmem>>, vector<1x16xf32>,
          %get3A_621 = vector.shape_cast %get3A_620 : vector<1x16xf32> to vector<16xf32>
          %mul3A_622 = arith.mulf %get3A_621, %broadcast_in_dim3A_613 : vector<16xf32>
          %swap3A_623 = arith.index_cast %add3A_617 : i32 to index
          %swap3A_624 = arith.constant 0 : index
          %swap3A_625 = tpu.vector_load %arg12[%swap3A_623, %swap3A_624] {strides = array<i32>} : memref<80x64xf32, #tpu.memory_space<vmem>>, vector<1x16xf32>,
          %swap3A_626 = vector.shape_cast %swap3A_625 : vector<1x16xf32> to vector<16xf32>
          %swap3A_627 = vector.shape_cast %mul3A_622 : vector<16xf32> to vector<1x16xf32>
          tpu.vector_store %arg12[%swap3A_623, %swap3A_624], %swap3A_627 {strides = array<i32>} : memref<80x64xf32, #tpu.memory_space<vmem>>, vector<1x16xf32>,
          %get3A_628 = arith.index_cast %add3A_617 : i32 to index
          %get3A_629 = arith.constant 16 : index
          %get3A_630 = tpu.vector_load %arg10[%get3A_628, %get3A_629] {strides = array<i32>} : memref<80x64xf32, #tpu.memory_space<vmem>>, vector<1x16xf32>,
          %get3A_631 = vector.shape_cast %get3A_630 : vector<1x16xf32> to vector<16xf32>
          %mul3A_632 = arith.mulf %get3A_631, %broadcast_in_dim3A_613 : vector<16xf32>
          %swap3A_633 = arith.index_cast %add3A_617 : i32 to index
          %swap3A_634 = arith.constant 16 : index
          %swap3A_635 = tpu.vector_load %arg12[%swap3A_633, %swap3A_634] {strides = array<i32>} : memref<80x64xf32, #tpu.memory_space<vmem>>, vector<1x16xf32>,
          %swap3A_636 = vector.shape_cast %swap3A_635 : vector<1x16xf32> to vector<16xf32>
          %swap3A_637 = vector.shape_cast %mul3A_632 : vector<16xf32> to vector<1x16xf32>
          tpu.vector_store %arg12[%swap3A_633, %swap3A_634], %swap3A_637 {strides = array<i32>} : memref<80x64xf32, #tpu.memory_space<vmem>>, vector<1x16xf32>,
          %get3A_638 = arith.index_cast %add3A_617 : i32 to index
          %get3A_639 = arith.constant 32 : index
          %get3A_640 = tpu.vector_load %arg10[%get3A_638, %get3A_639] {strides = array<i32>} : memref<80x64xf32, #tpu.memory_space<vmem>>, vector<1x16xf32>,
          %get3A_641 = vector.shape_cast %get3A_640 : vector<1x16xf32> to vector<16xf32>
          %mul3A_642 = arith.mulf %get3A_641, %broadcast_in_dim3A_613 : vector<16xf32>
          %swap3A_643 = arith.index_cast %add3A_617 : i32 to index
          %swap3A_644 = arith.constant 32 : index
          %swap3A_645 = tpu.vector_load %arg12[%swap3A_643, %swap3A_644] {strides = array<i32>} : memref<80x64xf32, #tpu.memory_space<vmem>>, vector<1x16xf32>,
          %swap3A_646 = vector.shape_cast %swap3A_645 : vector<1x16xf32> to vector<16xf32>
          %swap3A_647 = vector.shape_cast %mul3A_642 : vector<16xf32> to vector<1x16xf32>
          tpu.vector_store %arg12[%swap3A_643, %swap3A_644], %swap3A_647 {strides = array<i32>} : memref<80x64xf32, #tpu.memory_space<vmem>>, vector<1x16xf32>,
          %get3A_648 = arith.index_cast %add3A_617 : i32 to index
          %get3A_649 = arith.constant 48 : index
          %get3A_650 = tpu.vector_load %arg10[%get3A_648, %get3A_649] {strides = array<i32>} : memref<80x64xf32, #tpu.memory_space<vmem>>, vector<1x16xf32>,
          %get3A_651 = vector.shape_cast %get3A_650 : vector<1x16xf32> to vector<16xf32>
          %mul3A_652 = arith.mulf %get3A_651, %broadcast_in_dim3A_613 : vector<16xf32>
          %swap3A_653 = arith.index_cast %add3A_617 : i32 to index
          %swap3A_654 = arith.constant 48 : index
          %swap3A_655 = tpu.vector_load %arg12[%swap3A_653, %swap3A_654] {strides = array<i32>} : memref<80x64xf32, #tpu.memory_space<vmem>>, vector<1x16xf32>,
          %swap3A_656 = vector.shape_cast %swap3A_655 : vector<1x16xf32> to vector<16xf32>
          %swap3A_657 = vector.shape_cast %mul3A_652 : vector<16xf32> to vector<1x16xf32>
          tpu.vector_store %arg12[%swap3A_653, %swap3A_654], %swap3A_657 {strides = array<i32>} : memref<80x64xf32, #tpu.memory_space<vmem>>, vector<1x16xf32>,
          %slice3A_658 = vector.extract_strided_slice %get3A_144 {offsets = [11], sizes = [1], strides = [1]} : vector<16xf32> to vector<1xf32>
          %squeeze3A_659 = vector.extract %slice3A_658[0] : f32 from vector<1xf32>
          %broadcast_in_dim3A_660 = vector.broadcast %squeeze3A_659 : f32 to vector<16xf32>
          %mul3A_661 = arith.constant 16 : i32
          %mul3A_662 = arith.muli %scan3A_138, %mul3A_661 : i32
          %add3A_663 = arith.constant 11 : i32
          %add3A_664 = arith.addi %mul3A_662, %add3A_663 : i32
          %get3A_665 = arith.index_cast %add3A_664 : i32 to index
          %get3A_666 = arith.constant 0 : index
          %get3A_667 = tpu.vector_load %arg10[%get3A_665, %get3A_666] {strides = array<i32>} : memref<80x64xf32, #tpu.memory_space<vmem>>, vector<1x16xf32>,
          %get3A_668 = vector.shape_cast %get3A_667 : vector<1x16xf32> to vector<16xf32>
          %mul3A_669 = arith.mulf %get3A_668, %broadcast_in_dim3A_660 : vector<16xf32>
          %swap3A_670 = arith.index_cast %add3A_664 : i32 to index
          %swap3A_671 = arith.constant 0 : index
          %swap3A_672 = tpu.vector_load %arg12[%swap3A_670, %swap3A_671] {strides = array<i32>} : memref<80x64xf32, #tpu.memory_space<vmem>>, vector<1x16xf32>,
          %swap3A_673 = vector.shape_cast %swap3A_672 : vector<1x16xf32> to vector<16xf32>
          %swap3A_674 = vector.shape_cast %mul3A_669 : vector<16xf32> to vector<1x16xf32>
          tpu.vector_store %arg12[%swap3A_670, %swap3A_671], %swap3A_674 {strides = array<i32>} : memref<80x64xf32, #tpu.memory_space<vmem>>, vector<1x16xf32>,
          %get3A_675 = arith.index_cast %add3A_664 : i32 to index
          %get3A_676 = arith.constant 16 : index
          %get3A_677 = tpu.vector_load %arg10[%get3A_675, %get3A_676] {strides = array<i32>} : memref<80x64xf32, #tpu.memory_space<vmem>>, vector<1x16xf32>,
          %get3A_678 = vector.shape_cast %get3A_677 : vector<1x16xf32> to vector<16xf32>
          %mul3A_679 = arith.mulf %get3A_678, %broadcast_in_dim3A_660 : vector<16xf32>
          %swap3A_680 = arith.index_cast %add3A_664 : i32 to index
          %swap3A_681 = arith.constant 16 : index
          %swap3A_682 = tpu.vector_load %arg12[%swap3A_680, %swap3A_681] {strides = array<i32>} : memref<80x64xf32, #tpu.memory_space<vmem>>, vector<1x16xf32>,
          %swap3A_683 = vector.shape_cast %swap3A_682 : vector<1x16xf32> to vector<16xf32>
          %swap3A_684 = vector.shape_cast %mul3A_679 : vector<16xf32> to vector<1x16xf32>
          tpu.vector_store %arg12[%swap3A_680, %swap3A_681], %swap3A_684 {strides = array<i32>} : memref<80x64xf32, #tpu.memory_space<vmem>>, vector<1x16xf32>,
          %get3A_685 = arith.index_cast %add3A_664 : i32 to index
          %get3A_686 = arith.constant 32 : index
          %get3A_687 = tpu.vector_load %arg10[%get3A_685, %get3A_686] {strides = array<i32>} : memref<80x64xf32, #tpu.memory_space<vmem>>, vector<1x16xf32>,
          %get3A_688 = vector.shape_cast %get3A_687 : vector<1x16xf32> to vector<16xf32>
          %mul3A_689 = arith.mulf %get3A_688, %broadcast_in_dim3A_660 : vector<16xf32>
          %swap3A_690 = arith.index_cast %add3A_664 : i32 to index
          %swap3A_691 = arith.constant 32 : index
          %swap3A_692 = tpu.vector_load %arg12[%swap3A_690, %swap3A_691] {strides = array<i32>} : memref<80x64xf32, #tpu.memory_space<vmem>>, vector<1x16xf32>,
          %swap3A_693 = vector.shape_cast %swap3A_692 : vector<1x16xf32> to vector<16xf32>
          %swap3A_694 = vector.shape_cast %mul3A_689 : vector<16xf32> to vector<1x16xf32>
          tpu.vector_store %arg12[%swap3A_690, %swap3A_691], %swap3A_694 {strides = array<i32>} : memref<80x64xf32, #tpu.memory_space<vmem>>, vector<1x16xf32>,
          %get3A_695 = arith.index_cast %add3A_664 : i32 to index
          %get3A_696 = arith.constant 48 : index
          %get3A_697 = tpu.vector_load %arg10[%get3A_695, %get3A_696] {strides = array<i32>} : memref<80x64xf32, #tpu.memory_space<vmem>>, vector<1x16xf32>,
          %get3A_698 = vector.shape_cast %get3A_697 : vector<1x16xf32> to vector<16xf32>
          %mul3A_699 = arith.mulf %get3A_698, %broadcast_in_dim3A_660 : vector<16xf32>
          %swap3A_700 = arith.index_cast %add3A_664 : i32 to index
          %swap3A_701 = arith.constant 48 : index
          %swap3A_702 = tpu.vector_load %arg12[%swap3A_700, %swap3A_701] {strides = array<i32>} : memref<80x64xf32, #tpu.memory_space<vmem>>, vector<1x16xf32>,
          %swap3A_703 = vector.shape_cast %swap3A_702 : vector<1x16xf32> to vector<16xf32>
          %swap3A_704 = vector.shape_cast %mul3A_699 : vector<16xf32> to vector<1x16xf32>
          tpu.vector_store %arg12[%swap3A_700, %swap3A_701], %swap3A_704 {strides = array<i32>} : memref<80x64xf32, #tpu.memory_space<vmem>>, vector<1x16xf32>,
          %slice3A_705 = vector.extract_strided_slice %get3A_144 {offsets = [12], sizes = [1], strides = [1]} : vector<16xf32> to vector<1xf32>
          %squeeze3A_706 = vector.extract %slice3A_705[0] : f32 from vector<1xf32>
          %broadcast_in_dim3A_707 = vector.broadcast %squeeze3A_706 : f32 to vector<16xf32>
          %mul3A_708 = arith.constant 16 : i32
          %mul3A_709 = arith.muli %scan3A_138, %mul3A_708 : i32
          %add3A_710 = arith.constant 12 : i32
          %add3A_711 = arith.addi %mul3A_709, %add3A_710 : i32
          %get3A_712 = arith.index_cast %add3A_711 : i32 to index
          %get3A_713 = arith.constant 0 : index
          %get3A_714 = tpu.vector_load %arg10[%get3A_712, %get3A_713] {strides = array<i32>} : memref<80x64xf32, #tpu.memory_space<vmem>>, vector<1x16xf32>,
          %get3A_715 = vector.shape_cast %get3A_714 : vector<1x16xf32> to vector<16xf32>
          %mul3A_716 = arith.mulf %get3A_715, %broadcast_in_dim3A_707 : vector<16xf32>
          %swap3A_717 = arith.index_cast %add3A_711 : i32 to index
          %swap3A_718 = arith.constant 0 : index
          %swap3A_719 = tpu.vector_load %arg12[%swap3A_717, %swap3A_718] {strides = array<i32>} : memref<80x64xf32, #tpu.memory_space<vmem>>, vector<1x16xf32>,
          %swap3A_720 = vector.shape_cast %swap3A_719 : vector<1x16xf32> to vector<16xf32>
          %swap3A_721 = vector.shape_cast %mul3A_716 : vector<16xf32> to vector<1x16xf32>
          tpu.vector_store %arg12[%swap3A_717, %swap3A_718], %swap3A_721 {strides = array<i32>} : memref<80x64xf32, #tpu.memory_space<vmem>>, vector<1x16xf32>,
          %get3A_722 = arith.index_cast %add3A_711 : i32 to index
          %get3A_723 = arith.constant 16 : index
          %get3A_724 = tpu.vector_load %arg10[%get3A_722, %get3A_723] {strides = array<i32>} : memref<80x64xf32, #tpu.memory_space<vmem>>, vector<1x16xf32>,
          %get3A_725 = vector.shape_cast %get3A_724 : vector<1x16xf32> to vector<16xf32>
          %mul3A_726 = arith.mulf %get3A_725, %broadcast_in_dim3A_707 : vector<16xf32>
          %swap3A_727 = arith.index_cast %add3A_711 : i32 to index
          %swap3A_728 = arith.constant 16 : index
          %swap3A_729 = tpu.vector_load %arg12[%swap3A_727, %swap3A_728] {strides = array<i32>} : memref<80x64xf32, #tpu.memory_space<vmem>>, vector<1x16xf32>,
          %swap3A_730 = vector.shape_cast %swap3A_729 : vector<1x16xf32> to vector<16xf32>
          %swap3A_731 = vector.shape_cast %mul3A_726 : vector<16xf32> to vector<1x16xf32>
          tpu.vector_store %arg12[%swap3A_727, %swap3A_728], %swap3A_731 {strides = array<i32>} : memref<80x64xf32, #tpu.memory_space<vmem>>, vector<1x16xf32>,
          %get3A_732 = arith.index_cast %add3A_711 : i32 to index
          %get3A_733 = arith.constant 32 : index
          %get3A_734 = tpu.vector_load %arg10[%get3A_732, %get3A_733] {strides = array<i32>} : memref<80x64xf32, #tpu.memory_space<vmem>>, vector<1x16xf32>,
          %get3A_735 = vector.shape_cast %get3A_734 : vector<1x16xf32> to vector<16xf32>
          %mul3A_736 = arith.mulf %get3A_735, %broadcast_in_dim3A_707 : vector<16xf32>
          %swap3A_737 = arith.index_cast %add3A_711 : i32 to index
          %swap3A_738 = arith.constant 32 : index
          %swap3A_739 = tpu.vector_load %arg12[%swap3A_737, %swap3A_738] {strides = array<i32>} : memref<80x64xf32, #tpu.memory_space<vmem>>, vector<1x16xf32>,
          %swap3A_740 = vector.shape_cast %swap3A_739 : vector<1x16xf32> to vector<16xf32>
          %swap3A_741 = vector.shape_cast %mul3A_736 : vector<16xf32> to vector<1x16xf32>
          tpu.vector_store %arg12[%swap3A_737, %swap3A_738], %swap3A_741 {strides = array<i32>} : memref<80x64xf32, #tpu.memory_space<vmem>>, vector<1x16xf32>,
          %get3A_742 = arith.index_cast %add3A_711 : i32 to index
          %get3A_743 = arith.constant 48 : index
          %get3A_744 = tpu.vector_load %arg10[%get3A_742, %get3A_743] {strides = array<i32>} : memref<80x64xf32, #tpu.memory_space<vmem>>, vector<1x16xf32>,
          %get3A_745 = vector.shape_cast %get3A_744 : vector<1x16xf32> to vector<16xf32>
          %mul3A_746 = arith.mulf %get3A_745, %broadcast_in_dim3A_707 : vector<16xf32>
          %swap3A_747 = arith.index_cast %add3A_711 : i32 to index
          %swap3A_748 = arith.constant 48 : index
          %swap3A_749 = tpu.vector_load %arg12[%swap3A_747, %swap3A_748] {strides = array<i32>} : memref<80x64xf32, #tpu.memory_space<vmem>>, vector<1x16xf32>,
          %swap3A_750 = vector.shape_cast %swap3A_749 : vector<1x16xf32> to vector<16xf32>
          %swap3A_751 = vector.shape_cast %mul3A_746 : vector<16xf32> to vector<1x16xf32>
          tpu.vector_store %arg12[%swap3A_747, %swap3A_748], %swap3A_751 {strides = array<i32>} : memref<80x64xf32, #tpu.memory_space<vmem>>, vector<1x16xf32>,
          %slice3A_752 = vector.extract_strided_slice %get3A_144 {offsets = [13], sizes = [1], strides = [1]} : vector<16xf32> to vector<1xf32>
          %squeeze3A_753 = vector.extract %slice3A_752[0] : f32 from vector<1xf32>
          %broadcast_in_dim3A_754 = vector.broadcast %squeeze3A_753 : f32 to vector<16xf32>
          %mul3A_755 = arith.constant 16 : i32
          %mul3A_756 = arith.muli %scan3A_138, %mul3A_755 : i32
          %add3A_757 = arith.constant 13 : i32
          %add3A_758 = arith.addi %mul3A_756, %add3A_757 : i32
          %get3A_759 = arith.index_cast %add3A_758 : i32 to index
          %get3A_760 = arith.constant 0 : index
          %get3A_761 = tpu.vector_load %arg10[%get3A_759, %get3A_760] {strides = array<i32>} : memref<80x64xf32, #tpu.memory_space<vmem>>, vector<1x16xf32>,
          %get3A_762 = vector.shape_cast %get3A_761 : vector<1x16xf32> to vector<16xf32>
          %mul3A_763 = arith.mulf %get3A_762, %broadcast_in_dim3A_754 : vector<16xf32>
          %swap3A_764 = arith.index_cast %add3A_758 : i32 to index
          %swap3A_765 = arith.constant 0 : index
          %swap3A_766 = tpu.vector_load %arg12[%swap3A_764, %swap3A_765] {strides = array<i32>} : memref<80x64xf32, #tpu.memory_space<vmem>>, vector<1x16xf32>,
          %swap3A_767 = vector.shape_cast %swap3A_766 : vector<1x16xf32> to vector<16xf32>
          %swap3A_768 = vector.shape_cast %mul3A_763 : vector<16xf32> to vector<1x16xf32>
          tpu.vector_store %arg12[%swap3A_764, %swap3A_765], %swap3A_768 {strides = array<i32>} : memref<80x64xf32, #tpu.memory_space<vmem>>, vector<1x16xf32>,
          %get3A_769 = arith.index_cast %add3A_758 : i32 to index
          %get3A_770 = arith.constant 16 : index
          %get3A_771 = tpu.vector_load %arg10[%get3A_769, %get3A_770] {strides = array<i32>} : memref<80x64xf32, #tpu.memory_space<vmem>>, vector<1x16xf32>,
          %get3A_772 = vector.shape_cast %get3A_771 : vector<1x16xf32> to vector<16xf32>
          %mul3A_773 = arith.mulf %get3A_772, %broadcast_in_dim3A_754 : vector<16xf32>
          %swap3A_774 = arith.index_cast %add3A_758 : i32 to index
          %swap3A_775 = arith.constant 16 : index
          %swap3A_776 = tpu.vector_load %arg12[%swap3A_774, %swap3A_775] {strides = array<i32>} : memref<80x64xf32, #tpu.memory_space<vmem>>, vector<1x16xf32>,
          %swap3A_777 = vector.shape_cast %swap3A_776 : vector<1x16xf32> to vector<16xf32>
          %swap3A_778 = vector.shape_cast %mul3A_773 : vector<16xf32> to vector<1x16xf32>
          tpu.vector_store %arg12[%swap3A_774, %swap3A_775], %swap3A_778 {strides = array<i32>} : memref<80x64xf32, #tpu.memory_space<vmem>>, vector<1x16xf32>,
          %get3A_779 = arith.index_cast %add3A_758 : i32 to index
          %get3A_780 = arith.constant 32 : index
          %get3A_781 = tpu.vector_load %arg10[%get3A_779, %get3A_780] {strides = array<i32>} : memref<80x64xf32, #tpu.memory_space<vmem>>, vector<1x16xf32>,
          %get3A_782 = vector.shape_cast %get3A_781 : vector<1x16xf32> to vector<16xf32>
          %mul3A_783 = arith.mulf %get3A_782, %broadcast_in_dim3A_754 : vector<16xf32>
          %swap3A_784 = arith.index_cast %add3A_758 : i32 to index
          %swap3A_785 = arith.constant 32 : index
          %swap3A_786 = tpu.vector_load %arg12[%swap3A_784, %swap3A_785] {strides = array<i32>} : memref<80x64xf32, #tpu.memory_space<vmem>>, vector<1x16xf32>,
          %swap3A_787 = vector.shape_cast %swap3A_786 : vector<1x16xf32> to vector<16xf32>
          %swap3A_788 = vector.shape_cast %mul3A_783 : vector<16xf32> to vector<1x16xf32>
          tpu.vector_store %arg12[%swap3A_784, %swap3A_785], %swap3A_788 {strides = array<i32>} : memref<80x64xf32, #tpu.memory_space<vmem>>, vector<1x16xf32>,
          %get3A_789 = arith.index_cast %add3A_758 : i32 to index
          %get3A_790 = arith.constant 48 : index
          %get3A_791 = tpu.vector_load %arg10[%get3A_789, %get3A_790] {strides = array<i32>} : memref<80x64xf32, #tpu.memory_space<vmem>>, vector<1x16xf32>,
          %get3A_792 = vector.shape_cast %get3A_791 : vector<1x16xf32> to vector<16xf32>
          %mul3A_793 = arith.mulf %get3A_792, %broadcast_in_dim3A_754 : vector<16xf32>
          %swap3A_794 = arith.index_cast %add3A_758 : i32 to index
          %swap3A_795 = arith.constant 48 : index
          %swap3A_796 = tpu.vector_load %arg12[%swap3A_794, %swap3A_795] {strides = array<i32>} : memref<80x64xf32, #tpu.memory_space<vmem>>, vector<1x16xf32>,
          %swap3A_797 = vector.shape_cast %swap3A_796 : vector<1x16xf32> to vector<16xf32>
          %swap3A_798 = vector.shape_cast %mul3A_793 : vector<16xf32> to vector<1x16xf32>
          tpu.vector_store %arg12[%swap3A_794, %swap3A_795], %swap3A_798 {strides = array<i32>} : memref<80x64xf32, #tpu.memory_space<vmem>>, vector<1x16xf32>,
          %slice3A_799 = vector.extract_strided_slice %get3A_144 {offsets = [14], sizes = [1], strides = [1]} : vector<16xf32> to vector<1xf32>
          %squeeze3A_800 = vector.extract %slice3A_799[0] : f32 from vector<1xf32>
          %broadcast_in_dim3A_801 = vector.broadcast %squeeze3A_800 : f32 to vector<16xf32>
          %mul3A_802 = arith.constant 16 : i32
          %mul3A_803 = arith.muli %scan3A_138, %mul3A_802 : i32
          %add3A_804 = arith.constant 14 : i32
          %add3A_805 = arith.addi %mul3A_803, %add3A_804 : i32
          %get3A_806 = arith.index_cast %add3A_805 : i32 to index
          %get3A_807 = arith.constant 0 : index
          %get3A_808 = tpu.vector_load %arg10[%get3A_806, %get3A_807] {strides = array<i32>} : memref<80x64xf32, #tpu.memory_space<vmem>>, vector<1x16xf32>,
          %get3A_809 = vector.shape_cast %get3A_808 : vector<1x16xf32> to vector<16xf32>
          %mul3A_810 = arith.mulf %get3A_809, %broadcast_in_dim3A_801 : vector<16xf32>
          %swap3A_811 = arith.index_cast %add3A_805 : i32 to index
          %swap3A_812 = arith.constant 0 : index
          %swap3A_813 = tpu.vector_load %arg12[%swap3A_811, %swap3A_812] {strides = array<i32>} : memref<80x64xf32, #tpu.memory_space<vmem>>, vector<1x16xf32>,
          %swap3A_814 = vector.shape_cast %swap3A_813 : vector<1x16xf32> to vector<16xf32>
          %swap3A_815 = vector.shape_cast %mul3A_810 : vector<16xf32> to vector<1x16xf32>
          tpu.vector_store %arg12[%swap3A_811, %swap3A_812], %swap3A_815 {strides = array<i32>} : memref<80x64xf32, #tpu.memory_space<vmem>>, vector<1x16xf32>,
          %get3A_816 = arith.index_cast %add3A_805 : i32 to index
          %get3A_817 = arith.constant 16 : index
          %get3A_818 = tpu.vector_load %arg10[%get3A_816, %get3A_817] {strides = array<i32>} : memref<80x64xf32, #tpu.memory_space<vmem>>, vector<1x16xf32>,
          %get3A_819 = vector.shape_cast %get3A_818 : vector<1x16xf32> to vector<16xf32>
          %mul3A_820 = arith.mulf %get3A_819, %broadcast_in_dim3A_801 : vector<16xf32>
          %swap3A_821 = arith.index_cast %add3A_805 : i32 to index
          %swap3A_822 = arith.constant 16 : index
          %swap3A_823 = tpu.vector_load %arg12[%swap3A_821, %swap3A_822] {strides = array<i32>} : memref<80x64xf32, #tpu.memory_space<vmem>>, vector<1x16xf32>,
          %swap3A_824 = vector.shape_cast %swap3A_823 : vector<1x16xf32> to vector<16xf32>
          %swap3A_825 = vector.shape_cast %mul3A_820 : vector<16xf32> to vector<1x16xf32>
          tpu.vector_store %arg12[%swap3A_821, %swap3A_822], %swap3A_825 {strides = array<i32>} : memref<80x64xf32, #tpu.memory_space<vmem>>, vector<1x16xf32>,
          %get3A_826 = arith.index_cast %add3A_805 : i32 to index
          %get3A_827 = arith.constant 32 : index
          %get3A_828 = tpu.vector_load %arg10[%get3A_826, %get3A_827] {strides = array<i32>} : memref<80x64xf32, #tpu.memory_space<vmem>>, vector<1x16xf32>,
          %get3A_829 = vector.shape_cast %get3A_828 : vector<1x16xf32> to vector<16xf32>
          %mul3A_830 = arith.mulf %get3A_829, %broadcast_in_dim3A_801 : vector<16xf32>
          %swap3A_831 = arith.index_cast %add3A_805 : i32 to index
          %swap3A_832 = arith.constant 32 : index
          %swap3A_833 = tpu.vector_load %arg12[%swap3A_831, %swap3A_832] {strides = array<i32>} : memref<80x64xf32, #tpu.memory_space<vmem>>, vector<1x16xf32>,
          %swap3A_834 = vector.shape_cast %swap3A_833 : vector<1x16xf32> to vector<16xf32>
          %swap3A_835 = vector.shape_cast %mul3A_830 : vector<16xf32> to vector<1x16xf32>
          tpu.vector_store %arg12[%swap3A_831, %swap3A_832], %swap3A_835 {strides = array<i32>} : memref<80x64xf32, #tpu.memory_space<vmem>>, vector<1x16xf32>,
          %get3A_836 = arith.index_cast %add3A_805 : i32 to index
          %get3A_837 = arith.constant 48 : index
          %get3A_838 = tpu.vector_load %arg10[%get3A_836, %get3A_837] {strides = array<i32>} : memref<80x64xf32, #tpu.memory_space<vmem>>, vector<1x16xf32>,
          %get3A_839 = vector.shape_cast %get3A_838 : vector<1x16xf32> to vector<16xf32>
          %mul3A_840 = arith.mulf %get3A_839, %broadcast_in_dim3A_801 : vector<16xf32>
          %swap3A_841 = arith.index_cast %add3A_805 : i32 to index
          %swap3A_842 = arith.constant 48 : index
          %swap3A_843 = tpu.vector_load %arg12[%swap3A_841, %swap3A_842] {strides = array<i32>} : memref<80x64xf32, #tpu.memory_space<vmem>>, vector<1x16xf32>,
          %swap3A_844 = vector.shape_cast %swap3A_843 : vector<1x16xf32> to vector<16xf32>
          %swap3A_845 = vector.shape_cast %mul3A_840 : vector<16xf32> to vector<1x16xf32>
          tpu.vector_store %arg12[%swap3A_841, %swap3A_842], %swap3A_845 {strides = array<i32>} : memref<80x64xf32, #tpu.memory_space<vmem>>, vector<1x16xf32>,
          %slice3A_846 = vector.extract_strided_slice %get3A_144 {offsets = [15], sizes = [1], strides = [1]} : vector<16xf32> to vector<1xf32>
          %squeeze3A_847 = vector.extract %slice3A_846[0] : f32 from vector<1xf32>
          %broadcast_in_dim3A_848 = vector.broadcast %squeeze3A_847 : f32 to vector<16xf32>
          %mul3A_849 = arith.constant 16 : i32
          %mul3A_850 = arith.muli %scan3A_138, %mul3A_849 : i32
          %add3A_851 = arith.constant 15 : i32
          %add3A_852 = arith.addi %mul3A_850, %add3A_851 : i32
          %get3A_853 = arith.index_cast %add3A_852 : i32 to index
          %get3A_854 = arith.constant 0 : index
          %get3A_855 = tpu.vector_load %arg10[%get3A_853, %get3A_854] {strides = array<i32>} : memref<80x64xf32, #tpu.memory_space<vmem>>, vector<1x16xf32>,
          %get3A_856 = vector.shape_cast %get3A_855 : vector<1x16xf32> to vector<16xf32>
          %mul3A_857 = arith.mulf %get3A_856, %broadcast_in_dim3A_848 : vector<16xf32>
          %swap3A_858 = arith.index_cast %add3A_852 : i32 to index
          %swap3A_859 = arith.constant 0 : index
          %swap3A_860 = tpu.vector_load %arg12[%swap3A_858, %swap3A_859] {strides = array<i32>} : memref<80x64xf32, #tpu.memory_space<vmem>>, vector<1x16xf32>,
          %swap3A_861 = vector.shape_cast %swap3A_860 : vector<1x16xf32> to vector<16xf32>
          %swap3A_862 = vector.shape_cast %mul3A_857 : vector<16xf32> to vector<1x16xf32>
          tpu.vector_store %arg12[%swap3A_858, %swap3A_859], %swap3A_862 {strides = array<i32>} : memref<80x64xf32, #tpu.memory_space<vmem>>, vector<1x16xf32>,
          %get3A_863 = arith.index_cast %add3A_852 : i32 to index
          %get3A_864 = arith.constant 16 : index
          %get3A_865 = tpu.vector_load %arg10[%get3A_863, %get3A_864] {strides = array<i32>} : memref<80x64xf32, #tpu.memory_space<vmem>>, vector<1x16xf32>,
          %get3A_866 = vector.shape_cast %get3A_865 : vector<1x16xf32> to vector<16xf32>
          %mul3A_867 = arith.mulf %get3A_866, %broadcast_in_dim3A_848 : vector<16xf32>
          %swap3A_868 = arith.index_cast %add3A_852 : i32 to index
          %swap3A_869 = arith.constant 16 : index
          %swap3A_870 = tpu.vector_load %arg12[%swap3A_868, %swap3A_869] {strides = array<i32>} : memref<80x64xf32, #tpu.memory_space<vmem>>, vector<1x16xf32>,
          %swap3A_871 = vector.shape_cast %swap3A_870 : vector<1x16xf32> to vector<16xf32>
          %swap3A_872 = vector.shape_cast %mul3A_867 : vector<16xf32> to vector<1x16xf32>
          tpu.vector_store %arg12[%swap3A_868, %swap3A_869], %swap3A_872 {strides = array<i32>} : memref<80x64xf32, #tpu.memory_space<vmem>>, vector<1x16xf32>,
          %get3A_873 = arith.index_cast %add3A_852 : i32 to index
          %get3A_874 = arith.constant 32 : index
          %get3A_875 = tpu.vector_load %arg10[%get3A_873, %get3A_874] {strides = array<i32>} : memref<80x64xf32, #tpu.memory_space<vmem>>, vector<1x16xf32>,
          %get3A_876 = vector.shape_cast %get3A_875 : vector<1x16xf32> to vector<16xf32>
          %mul3A_877 = arith.mulf %get3A_876, %broadcast_in_dim3A_848 : vector<16xf32>
          %swap3A_878 = arith.index_cast %add3A_852 : i32 to index
          %swap3A_879 = arith.constant 32 : index
          %swap3A_880 = tpu.vector_load %arg12[%swap3A_878, %swap3A_879] {strides = array<i32>} : memref<80x64xf32, #tpu.memory_space<vmem>>, vector<1x16xf32>,
          %swap3A_881 = vector.shape_cast %swap3A_880 : vector<1x16xf32> to vector<16xf32>
          %swap3A_882 = vector.shape_cast %mul3A_877 : vector<16xf32> to vector<1x16xf32>
          tpu.vector_store %arg12[%swap3A_878, %swap3A_879], %swap3A_882 {strides = array<i32>} : memref<80x64xf32, #tpu.memory_space<vmem>>, vector<1x16xf32>,
          %get3A_883 = arith.index_cast %add3A_852 : i32 to index
          %get3A_884 = arith.constant 48 : index
          %get3A_885 = tpu.vector_load %arg10[%get3A_883, %get3A_884] {strides = array<i32>} : memref<80x64xf32, #tpu.memory_space<vmem>>, vector<1x16xf32>,
          %get3A_886 = vector.shape_cast %get3A_885 : vector<1x16xf32> to vector<16xf32>
          %mul3A_887 = arith.mulf %get3A_886, %broadcast_in_dim3A_848 : vector<16xf32>
          %swap3A_888 = arith.index_cast %add3A_852 : i32 to index
          %swap3A_889 = arith.constant 48 : index
          %swap3A_890 = tpu.vector_load %arg12[%swap3A_888, %swap3A_889] {strides = array<i32>} : memref<80x64xf32, #tpu.memory_space<vmem>>, vector<1x16xf32>,
          %swap3A_891 = vector.shape_cast %swap3A_890 : vector<1x16xf32> to vector<16xf32>
          %swap3A_892 = vector.shape_cast %mul3A_887 : vector<16xf32> to vector<1x16xf32>
          tpu.vector_store %arg12[%swap3A_888, %swap3A_889], %swap3A_892 {strides = array<i32>} : memref<80x64xf32, #tpu.memory_space<vmem>>, vector<1x16xf32>,
          %scan3A_893 = arith.constant 0 : i32
          scf.yield %scan3A_893 : i32
        }
        %scan3A_85 = arith.constant 5 : i32
        %add3A = arith.constant 2 : i32
        %add3A_86 = arith.addi %mul3A_63, %add3A : i32
        %lt3A = arith.constant 50 : i32
        %lt3A_87 = arith.cmpi slt, %add3A_86, %lt3A : i32
        %convert_element_type3A_88 = arith.extui %lt3A_87 : i1 to i32
        %cond3A_89 = arith.constant 0 : i32
        %cond3A_90 = arith.cmpi ne, %convert_element_type3A_88, %cond3A_89 : i32
        scf.if %cond3A_90 {
          %add3A_138 = arith.constant 2 : i32
          %add3A_139 = arith.addi %mul3A_63, %add3A_138 : i32
          %dma_start3A_140 = arith.constant 0 : i32
          %dma_start3A_141 = tpu.memref_slice %arg7[%add3A_139, %dma_start3A_140] : memref<50x80xi32, #tpu.memory_space<vmem>> -> memref<1x80xi32, #tpu.memory_space<vmem>>
          %dma_start3A_142 = tpu.memref_squeeze %dma_start3A_141 : memref<1x80xi32, #tpu.memory_space<vmem>> -> memref<80xi32, #tpu.memory_space<vmem>>
          %dma_start3A_143 = arith.constant 0 : i32
          %dma_start3A_144 = arith.constant 0 : i32
          %dma_start3A_145 = tpu.memref_slice %arg2[%arg0, %dma_start3A_143, %dma_start3A_144] : memref<2x10000x64xf32, #tpu.memory_space<hbm>> -> memref<1x10000x64xf32, #tpu.memory_space<hbm>>
          %dma_start3A_146 = tpu.memref_squeeze %dma_start3A_145 : memref<1x10000x64xf32, #tpu.memory_space<hbm>> -> memref<10000x64xf32, #tpu.memory_space<hbm>>
          %dma_start3A_147 = arith.constant 0 : i32
          %dma_start3A_148 = arith.constant 0 : i32
          %dma_start3A_149 = tpu.memref_slice %dma_start3A_146[%dma_start3A_147, %dma_start3A_148] : memref<10000x64xf32, #tpu.memory_space<hbm>> -> memref<10000x64xf32, #tpu.memory_space<hbm>>
          tpu.enqueue_indirect_dma source(%dma_start3A_149 : memref<10000x64xf32, #tpu.memory_space<hbm>>) target(%arg10 : memref<80x64xf32, #tpu.memory_space<vmem>>) offsets(%dma_start3A_142 : memref<80xi32, #tpu.memory_space<vmem>>) semaphore(%arg15 : memref<!tpu.dma_semaphore, #tpu.memory_space<semaphore_mem>>)
        } else {
        }
        %dma_start3A_91 = arith.constant 0 : i32
        %dma_start3A_92 = tpu.memref_slice %arg8[%mul3A_63, %dma_start3A_91] : memref<50x80xi32, #tpu.memory_space<vmem>> -> memref<1x80xi32, #tpu.memory_space<vmem>>
        %dma_start3A_93 = tpu.memref_squeeze %dma_start3A_92 : memref<1x80xi32, #tpu.memory_space<vmem>> -> memref<80xi32, #tpu.memory_space<vmem>>
        %dma_start3A_94 = arith.constant 0 : i32
        %dma_start3A_95 = arith.constant 0 : i32
        %dma_start3A_96 = tpu.memref_slice %arg14[%dma_start3A_94, %dma_start3A_95] : memref<10000x64xf32, #tpu.memory_space<vmem_shared>> -> memref<10000x64xf32, #tpu.memory_space<vmem_shared>>
        tpu.enqueue_indirect_dma source(%arg12 : memref<80x64xf32, #tpu.memory_space<vmem>>) target(%dma_start3A_96 : memref<10000x64xf32, #tpu.memory_space<vmem_shared>>) offsets(%dma_start3A_93 : memref<80xi32, #tpu.memory_space<vmem>>) semaphore(%arg17 : memref<!tpu.dma_semaphore, #tpu.memory_space<semaphore_mem>>) {add = true}
        %dma_wait3A_97 = arith.constant 0 : i32
        %dma_wait3A_98 = arith.constant 0 : i32
        %dma_wait3A_99 = tpu.memref_slice %arg7[%dma_wait3A_97, %dma_wait3A_98] : memref<50x80xi32, #tpu.memory_space<vmem>> -> memref<1x80xi32, #tpu.memory_space<vmem>>
        %dma_wait3A_100 = tpu.memref_squeeze %dma_wait3A_99 : memref<1x80xi32, #tpu.memory_space<vmem>> -> memref<80xi32, #tpu.memory_space<vmem>>
        %dma_wait3A_101 = arith.constant 0 : i32
        %dma_wait3A_102 = arith.constant 0 : i32
        %dma_wait3A_103 = tpu.memref_slice %arg2[%arg0, %dma_wait3A_101, %dma_wait3A_102] : memref<2x10000x64xf32, #tpu.memory_space<hbm>> -> memref<1x10000x64xf32, #tpu.memory_space<hbm>>
        %dma_wait3A_104 = tpu.memref_squeeze %dma_wait3A_103 : memref<1x10000x64xf32, #tpu.memory_space<hbm>> -> memref<10000x64xf32, #tpu.memory_space<hbm>>
        %dma_wait3A_105 = arith.constant 0 : i32
        %dma_wait3A_106 = arith.constant 0 : i32
        %dma_wait3A_107 = tpu.memref_slice %dma_wait3A_104[%dma_wait3A_105, %dma_wait3A_106] : memref<10000x64xf32, #tpu.memory_space<hbm>> -> memref<10000x64xf32, #tpu.memory_space<hbm>>
        tpu.wait_indirect_dma semaphore(%arg16 : memref<!tpu.dma_semaphore, #tpu.memory_space<semaphore_mem>>) src(%dma_wait3A_107 : memref<10000x64xf32, #tpu.memory_space<hbm>>) dst(%arg11 : memref<80x64xf32, #tpu.memory_space<vmem>>)
        %gt3A_108 = arith.constant 0 : i32
        %gt3A_109 = arith.cmpi sgt, %scan3A_60, %gt3A_108 : i32
        %convert_element_type3A_110 = arith.extui %gt3A_109 : i1 to i32
        %cond3A_111 = arith.constant 0 : i32
        %cond3A_112 = arith.cmpi ne, %convert_element_type3A_110, %cond3A_111 : i32
        scf.if %cond3A_112 {
          %dma_wait3A_138 = arith.constant 0 : i32
          %dma_wait3A_139 = arith.constant 0 : i32
          %dma_wait3A_140 = tpu.memref_slice %arg8[%dma_wait3A_138, %dma_wait3A_139] : memref<50x80xi32, #tpu.memory_space<vmem>> -> memref<1x80xi32, #tpu.memory_space<vmem>>
          %dma_wait3A_141 = tpu.memref_squeeze %dma_wait3A_140 : memref<1x80xi32, #tpu.memory_space<vmem>> -> memref<80xi32, #tpu.memory_space<vmem>>
          %dma_wait3A_142 = arith.constant 0 : i32
          %dma_wait3A_143 = arith.constant 0 : i32
          %dma_wait3A_144 = tpu.memref_slice %arg14[%dma_wait3A_142, %dma_wait3A_143] : memref<10000x64xf32, #tpu.memory_space<vmem_shared>> -> memref<10000x64xf32, #tpu.memory_space<vmem_shared>>
          tpu.wait_indirect_dma semaphore(%arg18 : memref<!tpu.dma_semaphore, #tpu.memory_space<semaphore_mem>>) src(%arg13 : memref<80x64xf32, #tpu.memory_space<vmem>>) dst(%dma_wait3A_144 : memref<10000x64xf32, #tpu.memory_space<vmem_shared>>)
        } else {
        }
        %add3A_113 = arith.constant 1 : i32
        %add3A_114 = arith.addi %mul3A_63, %add3A_113 : i32
        %scan3A_115 = arith.constant 0 : i32
        %scan3A_116 = arith.constant 0 : i32
        %scan3A_117 = arith.constant 5 : i32
        %scan3A_118 = arith.addi %scan3A_116, %scan3A_117 : i32
        %scan3A_119 = arith.constant 1 : i32
        %scan3A_120 = scf.for %scan3A_138 = %scan3A_116 to %scan3A_118 step %scan3A_119 iter_args(%scan3A_139 = %scan3A_115) -> (i32)  : i32 {
          %mul3A_140 = arith.constant 16 : i32
          %mul3A_141 = arith.muli %scan3A_138, %mul3A_140 : i32
          %get3A = arith.index_cast %add3A_114 : i32 to index
          %get3A_142 = arith.index_cast %mul3A_141 : i32 to index
          %get3A_143 = tpu.vector_load %arg9[%get3A, %get3A_142] {strides = array<i32>} : memref<50x80xf32, #tpu.memory_space<vmem>>, vector<1x16xf32>,
          %get3A_144 = vector.shape_cast %get3A_143 : vector<1x16xf32> to vector<16xf32>
          %slice3A = vector.extract_strided_slice %get3A_144 {offsets = [0], sizes = [1], strides = [1]} : vector<16xf32> to vector<1xf32>
          %squeeze3A = vector.extract %slice3A[0] : f32 from vector<1xf32>
          %broadcast_in_dim3A = vector.broadcast %squeeze3A : f32 to vector<16xf32>
          %mul3A_145 = arith.constant 16 : i32
          %mul3A_146 = arith.muli %scan3A_138, %mul3A_145 : i32
          %add3A_147 = arith.constant 0 : i32
          %add3A_148 = arith.addi %mul3A_146, %add3A_147 : i32
          %get3A_149 = arith.index_cast %add3A_148 : i32 to index
          %get3A_150 = arith.constant 0 : index
          %get3A_151 = tpu.vector_load %arg11[%get3A_149, %get3A_150] {strides = array<i32>} : memref<80x64xf32, #tpu.memory_space<vmem>>, vector<1x16xf32>,
          %get3A_152 = vector.shape_cast %get3A_151 : vector<1x16xf32> to vector<16xf32>
          %mul3A_153 = arith.mulf %get3A_152, %broadcast_in_dim3A : vector<16xf32>
          %swap3A = arith.index_cast %add3A_148 : i32 to index
          %swap3A_154 = arith.constant 0 : index
          %swap3A_155 = tpu.vector_load %arg13[%swap3A, %swap3A_154] {strides = array<i32>} : memref<80x64xf32, #tpu.memory_space<vmem>>, vector<1x16xf32>,
          %swap3A_156 = vector.shape_cast %swap3A_155 : vector<1x16xf32> to vector<16xf32>
          %swap3A_157 = vector.shape_cast %mul3A_153 : vector<16xf32> to vector<1x16xf32>
          tpu.vector_store %arg13[%swap3A, %swap3A_154], %swap3A_157 {strides = array<i32>} : memref<80x64xf32, #tpu.memory_space<vmem>>, vector<1x16xf32>,
          %get3A_158 = arith.index_cast %add3A_148 : i32 to index
          %get3A_159 = arith.constant 16 : index
          %get3A_160 = tpu.vector_load %arg11[%get3A_158, %get3A_159] {strides = array<i32>} : memref<80x64xf32, #tpu.memory_space<vmem>>, vector<1x16xf32>,
          %get3A_161 = vector.shape_cast %get3A_160 : vector<1x16xf32> to vector<16xf32>
          %mul3A_162 = arith.mulf %get3A_161, %broadcast_in_dim3A : vector<16xf32>
          %swap3A_163 = arith.index_cast %add3A_148 : i32 to index
          %swap3A_164 = arith.constant 16 : index
          %swap3A_165 = tpu.vector_load %arg13[%swap3A_163, %swap3A_164] {strides = array<i32>} : memref<80x64xf32, #tpu.memory_space<vmem>>, vector<1x16xf32>,
          %swap3A_166 = vector.shape_cast %swap3A_165 : vector<1x16xf32> to vector<16xf32>
          %swap3A_167 = vector.shape_cast %mul3A_162 : vector<16xf32> to vector<1x16xf32>
          tpu.vector_store %arg13[%swap3A_163, %swap3A_164], %swap3A_167 {strides = array<i32>} : memref<80x64xf32, #tpu.memory_space<vmem>>, vector<1x16xf32>,
          %get3A_168 = arith.index_cast %add3A_148 : i32 to index
          %get3A_169 = arith.constant 32 : index
          %get3A_170 = tpu.vector_load %arg11[%get3A_168, %get3A_169] {strides = array<i32>} : memref<80x64xf32, #tpu.memory_space<vmem>>, vector<1x16xf32>,
          %get3A_171 = vector.shape_cast %get3A_170 : vector<1x16xf32> to vector<16xf32>
          %mul3A_172 = arith.mulf %get3A_171, %broadcast_in_dim3A : vector<16xf32>
          %swap3A_173 = arith.index_cast %add3A_148 : i32 to index
          %swap3A_174 = arith.constant 32 : index
          %swap3A_175 = tpu.vector_load %arg13[%swap3A_173, %swap3A_174] {strides = array<i32>} : memref<80x64xf32, #tpu.memory_space<vmem>>, vector<1x16xf32>,
          %swap3A_176 = vector.shape_cast %swap3A_175 : vector<1x16xf32> to vector<16xf32>
          %swap3A_177 = vector.shape_cast %mul3A_172 : vector<16xf32> to vector<1x16xf32>
          tpu.vector_store %arg13[%swap3A_173, %swap3A_174], %swap3A_177 {strides = array<i32>} : memref<80x64xf32, #tpu.memory_space<vmem>>, vector<1x16xf32>,
          %get3A_178 = arith.index_cast %add3A_148 : i32 to index
          %get3A_179 = arith.constant 48 : index
          %get3A_180 = tpu.vector_load %arg11[%get3A_178, %get3A_179] {strides = array<i32>} : memref<80x64xf32, #tpu.memory_space<vmem>>, vector<1x16xf32>,
          %get3A_181 = vector.shape_cast %get3A_180 : vector<1x16xf32> to vector<16xf32>
          %mul3A_182 = arith.mulf %get3A_181, %broadcast_in_dim3A : vector<16xf32>
          %swap3A_183 = arith.index_cast %add3A_148 : i32 to index
          %swap3A_184 = arith.constant 48 : index
          %swap3A_185 = tpu.vector_load %arg13[%swap3A_183, %swap3A_184] {strides = array<i32>} : memref<80x64xf32, #tpu.memory_space<vmem>>, vector<1x16xf32>,
          %swap3A_186 = vector.shape_cast %swap3A_185 : vector<1x16xf32> to vector<16xf32>
          %swap3A_187 = vector.shape_cast %mul3A_182 : vector<16xf32> to vector<1x16xf32>
          tpu.vector_store %arg13[%swap3A_183, %swap3A_184], %swap3A_187 {strides = array<i32>} : memref<80x64xf32, #tpu.memory_space<vmem>>, vector<1x16xf32>,
          %slice3A_188 = vector.extract_strided_slice %get3A_144 {offsets = [1], sizes = [1], strides = [1]} : vector<16xf32> to vector<1xf32>
          %squeeze3A_189 = vector.extract %slice3A_188[0] : f32 from vector<1xf32>
          %broadcast_in_dim3A_190 = vector.broadcast %squeeze3A_189 : f32 to vector<16xf32>
          %mul3A_191 = arith.constant 16 : i32
          %mul3A_192 = arith.muli %scan3A_138, %mul3A_191 : i32
          %add3A_193 = arith.constant 1 : i32
          %add3A_194 = arith.addi %mul3A_192, %add3A_193 : i32
          %get3A_195 = arith.index_cast %add3A_194 : i32 to index
          %get3A_196 = arith.constant 0 : index
          %get3A_197 = tpu.vector_load %arg11[%get3A_195, %get3A_196] {strides = array<i32>} : memref<80x64xf32, #tpu.memory_space<vmem>>, vector<1x16xf32>,
          %get3A_198 = vector.shape_cast %get3A_197 : vector<1x16xf32> to vector<16xf32>
          %mul3A_199 = arith.mulf %get3A_198, %broadcast_in_dim3A_190 : vector<16xf32>
          %swap3A_200 = arith.index_cast %add3A_194 : i32 to index
          %swap3A_201 = arith.constant 0 : index
          %swap3A_202 = tpu.vector_load %arg13[%swap3A_200, %swap3A_201] {strides = array<i32>} : memref<80x64xf32, #tpu.memory_space<vmem>>, vector<1x16xf32>,
          %swap3A_203 = vector.shape_cast %swap3A_202 : vector<1x16xf32> to vector<16xf32>
          %swap3A_204 = vector.shape_cast %mul3A_199 : vector<16xf32> to vector<1x16xf32>
          tpu.vector_store %arg13[%swap3A_200, %swap3A_201], %swap3A_204 {strides = array<i32>} : memref<80x64xf32, #tpu.memory_space<vmem>>, vector<1x16xf32>,
          %get3A_205 = arith.index_cast %add3A_194 : i32 to index
          %get3A_206 = arith.constant 16 : index
          %get3A_207 = tpu.vector_load %arg11[%get3A_205, %get3A_206] {strides = array<i32>} : memref<80x64xf32, #tpu.memory_space<vmem>>, vector<1x16xf32>,
          %get3A_208 = vector.shape_cast %get3A_207 : vector<1x16xf32> to vector<16xf32>
          %mul3A_209 = arith.mulf %get3A_208, %broadcast_in_dim3A_190 : vector<16xf32>
          %swap3A_210 = arith.index_cast %add3A_194 : i32 to index
          %swap3A_211 = arith.constant 16 : index
          %swap3A_212 = tpu.vector_load %arg13[%swap3A_210, %swap3A_211] {strides = array<i32>} : memref<80x64xf32, #tpu.memory_space<vmem>>, vector<1x16xf32>,
          %swap3A_213 = vector.shape_cast %swap3A_212 : vector<1x16xf32> to vector<16xf32>
          %swap3A_214 = vector.shape_cast %mul3A_209 : vector<16xf32> to vector<1x16xf32>
          tpu.vector_store %arg13[%swap3A_210, %swap3A_211], %swap3A_214 {strides = array<i32>} : memref<80x64xf32, #tpu.memory_space<vmem>>, vector<1x16xf32>,
          %get3A_215 = arith.index_cast %add3A_194 : i32 to index
          %get3A_216 = arith.constant 32 : index
          %get3A_217 = tpu.vector_load %arg11[%get3A_215, %get3A_216] {strides = array<i32>} : memref<80x64xf32, #tpu.memory_space<vmem>>, vector<1x16xf32>,
          %get3A_218 = vector.shape_cast %get3A_217 : vector<1x16xf32> to vector<16xf32>
          %mul3A_219 = arith.mulf %get3A_218, %broadcast_in_dim3A_190 : vector<16xf32>
          %swap3A_220 = arith.index_cast %add3A_194 : i32 to index
          %swap3A_221 = arith.constant 32 : index
          %swap3A_222 = tpu.vector_load %arg13[%swap3A_220, %swap3A_221] {strides = array<i32>} : memref<80x64xf32, #tpu.memory_space<vmem>>, vector<1x16xf32>,
          %swap3A_223 = vector.shape_cast %swap3A_222 : vector<1x16xf32> to vector<16xf32>
          %swap3A_224 = vector.shape_cast %mul3A_219 : vector<16xf32> to vector<1x16xf32>
          tpu.vector_store %arg13[%swap3A_220, %swap3A_221], %swap3A_224 {strides = array<i32>} : memref<80x64xf32, #tpu.memory_space<vmem>>, vector<1x16xf32>,
          %get3A_225 = arith.index_cast %add3A_194 : i32 to index
          %get3A_226 = arith.constant 48 : index
          %get3A_227 = tpu.vector_load %arg11[%get3A_225, %get3A_226] {strides = array<i32>} : memref<80x64xf32, #tpu.memory_space<vmem>>, vector<1x16xf32>,
          %get3A_228 = vector.shape_cast %get3A_227 : vector<1x16xf32> to vector<16xf32>
          %mul3A_229 = arith.mulf %get3A_228, %broadcast_in_dim3A_190 : vector<16xf32>
          %swap3A_230 = arith.index_cast %add3A_194 : i32 to index
          %swap3A_231 = arith.constant 48 : index
          %swap3A_232 = tpu.vector_load %arg13[%swap3A_230, %swap3A_231] {strides = array<i32>} : memref<80x64xf32, #tpu.memory_space<vmem>>, vector<1x16xf32>,
          %swap3A_233 = vector.shape_cast %swap3A_232 : vector<1x16xf32> to vector<16xf32>
          %swap3A_234 = vector.shape_cast %mul3A_229 : vector<16xf32> to vector<1x16xf32>
          tpu.vector_store %arg13[%swap3A_230, %swap3A_231], %swap3A_234 {strides = array<i32>} : memref<80x64xf32, #tpu.memory_space<vmem>>, vector<1x16xf32>,
          %slice3A_235 = vector.extract_strided_slice %get3A_144 {offsets = [2], sizes = [1], strides = [1]} : vector<16xf32> to vector<1xf32>
          %squeeze3A_236 = vector.extract %slice3A_235[0] : f32 from vector<1xf32>
          %broadcast_in_dim3A_237 = vector.broadcast %squeeze3A_236 : f32 to vector<16xf32>
          %mul3A_238 = arith.constant 16 : i32
          %mul3A_239 = arith.muli %scan3A_138, %mul3A_238 : i32
          %add3A_240 = arith.constant 2 : i32
          %add3A_241 = arith.addi %mul3A_239, %add3A_240 : i32
          %get3A_242 = arith.index_cast %add3A_241 : i32 to index
          %get3A_243 = arith.constant 0 : index
          %get3A_244 = tpu.vector_load %arg11[%get3A_242, %get3A_243] {strides = array<i32>} : memref<80x64xf32, #tpu.memory_space<vmem>>, vector<1x16xf32>,
          %get3A_245 = vector.shape_cast %get3A_244 : vector<1x16xf32> to vector<16xf32>
          %mul3A_246 = arith.mulf %get3A_245, %broadcast_in_dim3A_237 : vector<16xf32>
          %swap3A_247 = arith.index_cast %add3A_241 : i32 to index
          %swap3A_248 = arith.constant 0 : index
          %swap3A_249 = tpu.vector_load %arg13[%swap3A_247, %swap3A_248] {strides = array<i32>} : memref<80x64xf32, #tpu.memory_space<vmem>>, vector<1x16xf32>,
          %swap3A_250 = vector.shape_cast %swap3A_249 : vector<1x16xf32> to vector<16xf32>
          %swap3A_251 = vector.shape_cast %mul3A_246 : vector<16xf32> to vector<1x16xf32>
          tpu.vector_store %arg13[%swap3A_247, %swap3A_248], %swap3A_251 {strides = array<i32>} : memref<80x64xf32, #tpu.memory_space<vmem>>, vector<1x16xf32>,
          %get3A_252 = arith.index_cast %add3A_241 : i32 to index
          %get3A_253 = arith.constant 16 : index
          %get3A_254 = tpu.vector_load %arg11[%get3A_252, %get3A_253] {strides = array<i32>} : memref<80x64xf32, #tpu.memory_space<vmem>>, vector<1x16xf32>,
          %get3A_255 = vector.shape_cast %get3A_254 : vector<1x16xf32> to vector<16xf32>
          %mul3A_256 = arith.mulf %get3A_255, %broadcast_in_dim3A_237 : vector<16xf32>
          %swap3A_257 = arith.index_cast %add3A_241 : i32 to index
          %swap3A_258 = arith.constant 16 : index
          %swap3A_259 = tpu.vector_load %arg13[%swap3A_257, %swap3A_258] {strides = array<i32>} : memref<80x64xf32, #tpu.memory_space<vmem>>, vector<1x16xf32>,
          %swap3A_260 = vector.shape_cast %swap3A_259 : vector<1x16xf32> to vector<16xf32>
          %swap3A_261 = vector.shape_cast %mul3A_256 : vector<16xf32> to vector<1x16xf32>
          tpu.vector_store %arg13[%swap3A_257, %swap3A_258], %swap3A_261 {strides = array<i32>} : memref<80x64xf32, #tpu.memory_space<vmem>>, vector<1x16xf32>,
          %get3A_262 = arith.index_cast %add3A_241 : i32 to index
          %get3A_263 = arith.constant 32 : index
          %get3A_264 = tpu.vector_load %arg11[%get3A_262, %get3A_263] {strides = array<i32>} : memref<80x64xf32, #tpu.memory_space<vmem>>, vector<1x16xf32>,
          %get3A_265 = vector.shape_cast %get3A_264 : vector<1x16xf32> to vector<16xf32>
          %mul3A_266 = arith.mulf %get3A_265, %broadcast_in_dim3A_237 : vector<16xf32>
          %swap3A_267 = arith.index_cast %add3A_241 : i32 to index
          %swap3A_268 = arith.constant 32 : index
          %swap3A_269 = tpu.vector_load %arg13[%swap3A_267, %swap3A_268] {strides = array<i32>} : memref<80x64xf32, #tpu.memory_space<vmem>>, vector<1x16xf32>,
          %swap3A_270 = vector.shape_cast %swap3A_269 : vector<1x16xf32> to vector<16xf32>
          %swap3A_271 = vector.shape_cast %mul3A_266 : vector<16xf32> to vector<1x16xf32>
          tpu.vector_store %arg13[%swap3A_267, %swap3A_268], %swap3A_271 {strides = array<i32>} : memref<80x64xf32, #tpu.memory_space<vmem>>, vector<1x16xf32>,
          %get3A_272 = arith.index_cast %add3A_241 : i32 to index
          %get3A_273 = arith.constant 48 : index
          %get3A_274 = tpu.vector_load %arg11[%get3A_272, %get3A_273] {strides = array<i32>} : memref<80x64xf32, #tpu.memory_space<vmem>>, vector<1x16xf32>,
          %get3A_275 = vector.shape_cast %get3A_274 : vector<1x16xf32> to vector<16xf32>
          %mul3A_276 = arith.mulf %get3A_275, %broadcast_in_dim3A_237 : vector<16xf32>
          %swap3A_277 = arith.index_cast %add3A_241 : i32 to index
          %swap3A_278 = arith.constant 48 : index
          %swap3A_279 = tpu.vector_load %arg13[%swap3A_277, %swap3A_278] {strides = array<i32>} : memref<80x64xf32, #tpu.memory_space<vmem>>, vector<1x16xf32>,
          %swap3A_280 = vector.shape_cast %swap3A_279 : vector<1x16xf32> to vector<16xf32>
          %swap3A_281 = vector.shape_cast %mul3A_276 : vector<16xf32> to vector<1x16xf32>
          tpu.vector_store %arg13[%swap3A_277, %swap3A_278], %swap3A_281 {strides = array<i32>} : memref<80x64xf32, #tpu.memory_space<vmem>>, vector<1x16xf32>,
          %slice3A_282 = vector.extract_strided_slice %get3A_144 {offsets = [3], sizes = [1], strides = [1]} : vector<16xf32> to vector<1xf32>
          %squeeze3A_283 = vector.extract %slice3A_282[0] : f32 from vector<1xf32>
          %broadcast_in_dim3A_284 = vector.broadcast %squeeze3A_283 : f32 to vector<16xf32>
          %mul3A_285 = arith.constant 16 : i32
          %mul3A_286 = arith.muli %scan3A_138, %mul3A_285 : i32
          %add3A_287 = arith.constant 3 : i32
          %add3A_288 = arith.addi %mul3A_286, %add3A_287 : i32
          %get3A_289 = arith.index_cast %add3A_288 : i32 to index
          %get3A_290 = arith.constant 0 : index
          %get3A_291 = tpu.vector_load %arg11[%get3A_289, %get3A_290] {strides = array<i32>} : memref<80x64xf32, #tpu.memory_space<vmem>>, vector<1x16xf32>,
          %get3A_292 = vector.shape_cast %get3A_291 : vector<1x16xf32> to vector<16xf32>
          %mul3A_293 = arith.mulf %get3A_292, %broadcast_in_dim3A_284 : vector<16xf32>
          %swap3A_294 = arith.index_cast %add3A_288 : i32 to index
          %swap3A_295 = arith.constant 0 : index
          %swap3A_296 = tpu.vector_load %arg13[%swap3A_294, %swap3A_295] {strides = array<i32>} : memref<80x64xf32, #tpu.memory_space<vmem>>, vector<1x16xf32>,
          %swap3A_297 = vector.shape_cast %swap3A_296 : vector<1x16xf32> to vector<16xf32>
          %swap3A_298 = vector.shape_cast %mul3A_293 : vector<16xf32> to vector<1x16xf32>
          tpu.vector_store %arg13[%swap3A_294, %swap3A_295], %swap3A_298 {strides = array<i32>} : memref<80x64xf32, #tpu.memory_space<vmem>>, vector<1x16xf32>,
          %get3A_299 = arith.index_cast %add3A_288 : i32 to index
          %get3A_300 = arith.constant 16 : index
          %get3A_301 = tpu.vector_load %arg11[%get3A_299, %get3A_300] {strides = array<i32>} : memref<80x64xf32, #tpu.memory_space<vmem>>, vector<1x16xf32>,
          %get3A_302 = vector.shape_cast %get3A_301 : vector<1x16xf32> to vector<16xf32>
          %mul3A_303 = arith.mulf %get3A_302, %broadcast_in_dim3A_284 : vector<16xf32>
          %swap3A_304 = arith.index_cast %add3A_288 : i32 to index
          %swap3A_305 = arith.constant 16 : index
          %swap3A_306 = tpu.vector_load %arg13[%swap3A_304, %swap3A_305] {strides = array<i32>} : memref<80x64xf32, #tpu.memory_space<vmem>>, vector<1x16xf32>,
          %swap3A_307 = vector.shape_cast %swap3A_306 : vector<1x16xf32> to vector<16xf32>
          %swap3A_308 = vector.shape_cast %mul3A_303 : vector<16xf32> to vector<1x16xf32>
          tpu.vector_store %arg13[%swap3A_304, %swap3A_305], %swap3A_308 {strides = array<i32>} : memref<80x64xf32, #tpu.memory_space<vmem>>, vector<1x16xf32>,
          %get3A_309 = arith.index_cast %add3A_288 : i32 to index
          %get3A_310 = arith.constant 32 : index
          %get3A_311 = tpu.vector_load %arg11[%get3A_309, %get3A_310] {strides = array<i32>} : memref<80x64xf32, #tpu.memory_space<vmem>>, vector<1x16xf32>,
          %get3A_312 = vector.shape_cast %get3A_311 : vector<1x16xf32> to vector<16xf32>
          %mul3A_313 = arith.mulf %get3A_312, %broadcast_in_dim3A_284 : vector<16xf32>
          %swap3A_314 = arith.index_cast %add3A_288 : i32 to index
          %swap3A_315 = arith.constant 32 : index
          %swap3A_316 = tpu.vector_load %arg13[%swap3A_314, %swap3A_315] {strides = array<i32>} : memref<80x64xf32, #tpu.memory_space<vmem>>, vector<1x16xf32>,
          %swap3A_317 = vector.shape_cast %swap3A_316 : vector<1x16xf32> to vector<16xf32>
          %swap3A_318 = vector.shape_cast %mul3A_313 : vector<16xf32> to vector<1x16xf32>
          tpu.vector_store %arg13[%swap3A_314, %swap3A_315], %swap3A_318 {strides = array<i32>} : memref<80x64xf32, #tpu.memory_space<vmem>>, vector<1x16xf32>,
          %get3A_319 = arith.index_cast %add3A_288 : i32 to index
          %get3A_320 = arith.constant 48 : index
          %get3A_321 = tpu.vector_load %arg11[%get3A_319, %get3A_320] {strides = array<i32>} : memref<80x64xf32, #tpu.memory_space<vmem>>, vector<1x16xf32>,
          %get3A_322 = vector.shape_cast %get3A_321 : vector<1x16xf32> to vector<16xf32>
          %mul3A_323 = arith.mulf %get3A_322, %broadcast_in_dim3A_284 : vector<16xf32>
          %swap3A_324 = arith.index_cast %add3A_288 : i32 to index
          %swap3A_325 = arith.constant 48 : index
          %swap3A_326 = tpu.vector_load %arg13[%swap3A_324, %swap3A_325] {strides = array<i32>} : memref<80x64xf32, #tpu.memory_space<vmem>>, vector<1x16xf32>,
          %swap3A_327 = vector.shape_cast %swap3A_326 : vector<1x16xf32> to vector<16xf32>
          %swap3A_328 = vector.shape_cast %mul3A_323 : vector<16xf32> to vector<1x16xf32>
          tpu.vector_store %arg13[%swap3A_324, %swap3A_325], %swap3A_328 {strides = array<i32>} : memref<80x64xf32, #tpu.memory_space<vmem>>, vector<1x16xf32>,
          %slice3A_329 = vector.extract_strided_slice %get3A_144 {offsets = [4], sizes = [1], strides = [1]} : vector<16xf32> to vector<1xf32>
          %squeeze3A_330 = vector.extract %slice3A_329[0] : f32 from vector<1xf32>
          %broadcast_in_dim3A_331 = vector.broadcast %squeeze3A_330 : f32 to vector<16xf32>
          %mul3A_332 = arith.constant 16 : i32
          %mul3A_333 = arith.muli %scan3A_138, %mul3A_332 : i32
          %add3A_334 = arith.constant 4 : i32
          %add3A_335 = arith.addi %mul3A_333, %add3A_334 : i32
          %get3A_336 = arith.index_cast %add3A_335 : i32 to index
          %get3A_337 = arith.constant 0 : index
          %get3A_338 = tpu.vector_load %arg11[%get3A_336, %get3A_337] {strides = array<i32>} : memref<80x64xf32, #tpu.memory_space<vmem>>, vector<1x16xf32>,
          %get3A_339 = vector.shape_cast %get3A_338 : vector<1x16xf32> to vector<16xf32>
          %mul3A_340 = arith.mulf %get3A_339, %broadcast_in_dim3A_331 : vector<16xf32>
          %swap3A_341 = arith.index_cast %add3A_335 : i32 to index
          %swap3A_342 = arith.constant 0 : index
          %swap3A_343 = tpu.vector_load %arg13[%swap3A_341, %swap3A_342] {strides = array<i32>} : memref<80x64xf32, #tpu.memory_space<vmem>>, vector<1x16xf32>,
          %swap3A_344 = vector.shape_cast %swap3A_343 : vector<1x16xf32> to vector<16xf32>
          %swap3A_345 = vector.shape_cast %mul3A_340 : vector<16xf32> to vector<1x16xf32>
          tpu.vector_store %arg13[%swap3A_341, %swap3A_342], %swap3A_345 {strides = array<i32>} : memref<80x64xf32, #tpu.memory_space<vmem>>, vector<1x16xf32>,
          %get3A_346 = arith.index_cast %add3A_335 : i32 to index
          %get3A_347 = arith.constant 16 : index
          %get3A_348 = tpu.vector_load %arg11[%get3A_346, %get3A_347] {strides = array<i32>} : memref<80x64xf32, #tpu.memory_space<vmem>>, vector<1x16xf32>,
          %get3A_349 = vector.shape_cast %get3A_348 : vector<1x16xf32> to vector<16xf32>
          %mul3A_350 = arith.mulf %get3A_349, %broadcast_in_dim3A_331 : vector<16xf32>
          %swap3A_351 = arith.index_cast %add3A_335 : i32 to index
          %swap3A_352 = arith.constant 16 : index
          %swap3A_353 = tpu.vector_load %arg13[%swap3A_351, %swap3A_352] {strides = array<i32>} : memref<80x64xf32, #tpu.memory_space<vmem>>, vector<1x16xf32>,
          %swap3A_354 = vector.shape_cast %swap3A_353 : vector<1x16xf32> to vector<16xf32>
          %swap3A_355 = vector.shape_cast %mul3A_350 : vector<16xf32> to vector<1x16xf32>
          tpu.vector_store %arg13[%swap3A_351, %swap3A_352], %swap3A_355 {strides = array<i32>} : memref<80x64xf32, #tpu.memory_space<vmem>>, vector<1x16xf32>,
          %get3A_356 = arith.index_cast %add3A_335 : i32 to index
          %get3A_357 = arith.constant 32 : index
          %get3A_358 = tpu.vector_load %arg11[%get3A_356, %get3A_357] {strides = array<i32>} : memref<80x64xf32, #tpu.memory_space<vmem>>, vector<1x16xf32>,
          %get3A_359 = vector.shape_cast %get3A_358 : vector<1x16xf32> to vector<16xf32>
          %mul3A_360 = arith.mulf %get3A_359, %broadcast_in_dim3A_331 : vector<16xf32>
          %swap3A_361 = arith.index_cast %add3A_335 : i32 to index
          %swap3A_362 = arith.constant 32 : index
          %swap3A_363 = tpu.vector_load %arg13[%swap3A_361, %swap3A_362] {strides = array<i32>} : memref<80x64xf32, #tpu.memory_space<vmem>>, vector<1x16xf32>,
          %swap3A_364 = vector.shape_cast %swap3A_363 : vector<1x16xf32> to vector<16xf32>
          %swap3A_365 = vector.shape_cast %mul3A_360 : vector<16xf32> to vector<1x16xf32>
          tpu.vector_store %arg13[%swap3A_361, %swap3A_362], %swap3A_365 {strides = array<i32>} : memref<80x64xf32, #tpu.memory_space<vmem>>, vector<1x16xf32>,
          %get3A_366 = arith.index_cast %add3A_335 : i32 to index
          %get3A_367 = arith.constant 48 : index
          %get3A_368 = tpu.vector_load %arg11[%get3A_366, %get3A_367] {strides = array<i32>} : memref<80x64xf32, #tpu.memory_space<vmem>>, vector<1x16xf32>,
          %get3A_369 = vector.shape_cast %get3A_368 : vector<1x16xf32> to vector<16xf32>
          %mul3A_370 = arith.mulf %get3A_369, %broadcast_in_dim3A_331 : vector<16xf32>
          %swap3A_371 = arith.index_cast %add3A_335 : i32 to index
          %swap3A_372 = arith.constant 48 : index
          %swap3A_373 = tpu.vector_load %arg13[%swap3A_371, %swap3A_372] {strides = array<i32>} : memref<80x64xf32, #tpu.memory_space<vmem>>, vector<1x16xf32>,
          %swap3A_374 = vector.shape_cast %swap3A_373 : vector<1x16xf32> to vector<16xf32>
          %swap3A_375 = vector.shape_cast %mul3A_370 : vector<16xf32> to vector<1x16xf32>
          tpu.vector_store %arg13[%swap3A_371, %swap3A_372], %swap3A_375 {strides = array<i32>} : memref<80x64xf32, #tpu.memory_space<vmem>>, vector<1x16xf32>,
          %slice3A_376 = vector.extract_strided_slice %get3A_144 {offsets = [5], sizes = [1], strides = [1]} : vector<16xf32> to vector<1xf32>
          %squeeze3A_377 = vector.extract %slice3A_376[0] : f32 from vector<1xf32>
          %broadcast_in_dim3A_378 = vector.broadcast %squeeze3A_377 : f32 to vector<16xf32>
          %mul3A_379 = arith.constant 16 : i32
          %mul3A_380 = arith.muli %scan3A_138, %mul3A_379 : i32
          %add3A_381 = arith.constant 5 : i32
          %add3A_382 = arith.addi %mul3A_380, %add3A_381 : i32
          %get3A_383 = arith.index_cast %add3A_382 : i32 to index
          %get3A_384 = arith.constant 0 : index
          %get3A_385 = tpu.vector_load %arg11[%get3A_383, %get3A_384] {strides = array<i32>} : memref<80x64xf32, #tpu.memory_space<vmem>>, vector<1x16xf32>,
          %get3A_386 = vector.shape_cast %get3A_385 : vector<1x16xf32> to vector<16xf32>
          %mul3A_387 = arith.mulf %get3A_386, %broadcast_in_dim3A_378 : vector<16xf32>
          %swap3A_388 = arith.index_cast %add3A_382 : i32 to index
          %swap3A_389 = arith.constant 0 : index
          %swap3A_390 = tpu.vector_load %arg13[%swap3A_388, %swap3A_389] {strides = array<i32>} : memref<80x64xf32, #tpu.memory_space<vmem>>, vector<1x16xf32>,
          %swap3A_391 = vector.shape_cast %swap3A_390 : vector<1x16xf32> to vector<16xf32>
          %swap3A_392 = vector.shape_cast %mul3A_387 : vector<16xf32> to vector<1x16xf32>
          tpu.vector_store %arg13[%swap3A_388, %swap3A_389], %swap3A_392 {strides = array<i32>} : memref<80x64xf32, #tpu.memory_space<vmem>>, vector<1x16xf32>,
          %get3A_393 = arith.index_cast %add3A_382 : i32 to index
          %get3A_394 = arith.constant 16 : index
          %get3A_395 = tpu.vector_load %arg11[%get3A_393, %get3A_394] {strides = array<i32>} : memref<80x64xf32, #tpu.memory_space<vmem>>, vector<1x16xf32>,
          %get3A_396 = vector.shape_cast %get3A_395 : vector<1x16xf32> to vector<16xf32>
          %mul3A_397 = arith.mulf %get3A_396, %broadcast_in_dim3A_378 : vector<16xf32>
          %swap3A_398 = arith.index_cast %add3A_382 : i32 to index
          %swap3A_399 = arith.constant 16 : index
          %swap3A_400 = tpu.vector_load %arg13[%swap3A_398, %swap3A_399] {strides = array<i32>} : memref<80x64xf32, #tpu.memory_space<vmem>>, vector<1x16xf32>,
          %swap3A_401 = vector.shape_cast %swap3A_400 : vector<1x16xf32> to vector<16xf32>
          %swap3A_402 = vector.shape_cast %mul3A_397 : vector<16xf32> to vector<1x16xf32>
          tpu.vector_store %arg13[%swap3A_398, %swap3A_399], %swap3A_402 {strides = array<i32>} : memref<80x64xf32, #tpu.memory_space<vmem>>, vector<1x16xf32>,
          %get3A_403 = arith.index_cast %add3A_382 : i32 to index
          %get3A_404 = arith.constant 32 : index
          %get3A_405 = tpu.vector_load %arg11[%get3A_403, %get3A_404] {strides = array<i32>} : memref<80x64xf32, #tpu.memory_space<vmem>>, vector<1x16xf32>,
          %get3A_406 = vector.shape_cast %get3A_405 : vector<1x16xf32> to vector<16xf32>
          %mul3A_407 = arith.mulf %get3A_406, %broadcast_in_dim3A_378 : vector<16xf32>
          %swap3A_408 = arith.index_cast %add3A_382 : i32 to index
          %swap3A_409 = arith.constant 32 : index
          %swap3A_410 = tpu.vector_load %arg13[%swap3A_408, %swap3A_409] {strides = array<i32>} : memref<80x64xf32, #tpu.memory_space<vmem>>, vector<1x16xf32>,
          %swap3A_411 = vector.shape_cast %swap3A_410 : vector<1x16xf32> to vector<16xf32>
          %swap3A_412 = vector.shape_cast %mul3A_407 : vector<16xf32> to vector<1x16xf32>
          tpu.vector_store %arg13[%swap3A_408, %swap3A_409], %swap3A_412 {strides = array<i32>} : memref<80x64xf32, #tpu.memory_space<vmem>>, vector<1x16xf32>,
          %get3A_413 = arith.index_cast %add3A_382 : i32 to index
          %get3A_414 = arith.constant 48 : index
          %get3A_415 = tpu.vector_load %arg11[%get3A_413, %get3A_414] {strides = array<i32>} : memref<80x64xf32, #tpu.memory_space<vmem>>, vector<1x16xf32>,
          %get3A_416 = vector.shape_cast %get3A_415 : vector<1x16xf32> to vector<16xf32>
          %mul3A_417 = arith.mulf %get3A_416, %broadcast_in_dim3A_378 : vector<16xf32>
          %swap3A_418 = arith.index_cast %add3A_382 : i32 to index
          %swap3A_419 = arith.constant 48 : index
          %swap3A_420 = tpu.vector_load %arg13[%swap3A_418, %swap3A_419] {strides = array<i32>} : memref<80x64xf32, #tpu.memory_space<vmem>>, vector<1x16xf32>,
          %swap3A_421 = vector.shape_cast %swap3A_420 : vector<1x16xf32> to vector<16xf32>
          %swap3A_422 = vector.shape_cast %mul3A_417 : vector<16xf32> to vector<1x16xf32>
          tpu.vector_store %arg13[%swap3A_418, %swap3A_419], %swap3A_422 {strides = array<i32>} : memref<80x64xf32, #tpu.memory_space<vmem>>, vector<1x16xf32>,
          %slice3A_423 = vector.extract_strided_slice %get3A_144 {offsets = [6], sizes = [1], strides = [1]} : vector<16xf32> to vector<1xf32>
          %squeeze3A_424 = vector.extract %slice3A_423[0] : f32 from vector<1xf32>
          %broadcast_in_dim3A_425 = vector.broadcast %squeeze3A_424 : f32 to vector<16xf32>
          %mul3A_426 = arith.constant 16 : i32
          %mul3A_427 = arith.muli %scan3A_138, %mul3A_426 : i32
          %add3A_428 = arith.constant 6 : i32
          %add3A_429 = arith.addi %mul3A_427, %add3A_428 : i32
          %get3A_430 = arith.index_cast %add3A_429 : i32 to index
          %get3A_431 = arith.constant 0 : index
          %get3A_432 = tpu.vector_load %arg11[%get3A_430, %get3A_431] {strides = array<i32>} : memref<80x64xf32, #tpu.memory_space<vmem>>, vector<1x16xf32>,
          %get3A_433 = vector.shape_cast %get3A_432 : vector<1x16xf32> to vector<16xf32>
          %mul3A_434 = arith.mulf %get3A_433, %broadcast_in_dim3A_425 : vector<16xf32>
          %swap3A_435 = arith.index_cast %add3A_429 : i32 to index
          %swap3A_436 = arith.constant 0 : index
          %swap3A_437 = tpu.vector_load %arg13[%swap3A_435, %swap3A_436] {strides = array<i32>} : memref<80x64xf32, #tpu.memory_space<vmem>>, vector<1x16xf32>,
          %swap3A_438 = vector.shape_cast %swap3A_437 : vector<1x16xf32> to vector<16xf32>
          %swap3A_439 = vector.shape_cast %mul3A_434 : vector<16xf32> to vector<1x16xf32>
          tpu.vector_store %arg13[%swap3A_435, %swap3A_436], %swap3A_439 {strides = array<i32>} : memref<80x64xf32, #tpu.memory_space<vmem>>, vector<1x16xf32>,
          %get3A_440 = arith.index_cast %add3A_429 : i32 to index
          %get3A_441 = arith.constant 16 : index
          %get3A_442 = tpu.vector_load %arg11[%get3A_440, %get3A_441] {strides = array<i32>} : memref<80x64xf32, #tpu.memory_space<vmem>>, vector<1x16xf32>,
          %get3A_443 = vector.shape_cast %get3A_442 : vector<1x16xf32> to vector<16xf32>
          %mul3A_444 = arith.mulf %get3A_443, %broadcast_in_dim3A_425 : vector<16xf32>
          %swap3A_445 = arith.index_cast %add3A_429 : i32 to index
          %swap3A_446 = arith.constant 16 : index
          %swap3A_447 = tpu.vector_load %arg13[%swap3A_445, %swap3A_446] {strides = array<i32>} : memref<80x64xf32, #tpu.memory_space<vmem>>, vector<1x16xf32>,
          %swap3A_448 = vector.shape_cast %swap3A_447 : vector<1x16xf32> to vector<16xf32>
          %swap3A_449 = vector.shape_cast %mul3A_444 : vector<16xf32> to vector<1x16xf32>
          tpu.vector_store %arg13[%swap3A_445, %swap3A_446], %swap3A_449 {strides = array<i32>} : memref<80x64xf32, #tpu.memory_space<vmem>>, vector<1x16xf32>,
          %get3A_450 = arith.index_cast %add3A_429 : i32 to index
          %get3A_451 = arith.constant 32 : index
          %get3A_452 = tpu.vector_load %arg11[%get3A_450, %get3A_451] {strides = array<i32>} : memref<80x64xf32, #tpu.memory_space<vmem>>, vector<1x16xf32>,
          %get3A_453 = vector.shape_cast %get3A_452 : vector<1x16xf32> to vector<16xf32>
          %mul3A_454 = arith.mulf %get3A_453, %broadcast_in_dim3A_425 : vector<16xf32>
          %swap3A_455 = arith.index_cast %add3A_429 : i32 to index
          %swap3A_456 = arith.constant 32 : index
          %swap3A_457 = tpu.vector_load %arg13[%swap3A_455, %swap3A_456] {strides = array<i32>} : memref<80x64xf32, #tpu.memory_space<vmem>>, vector<1x16xf32>,
          %swap3A_458 = vector.shape_cast %swap3A_457 : vector<1x16xf32> to vector<16xf32>
          %swap3A_459 = vector.shape_cast %mul3A_454 : vector<16xf32> to vector<1x16xf32>
          tpu.vector_store %arg13[%swap3A_455, %swap3A_456], %swap3A_459 {strides = array<i32>} : memref<80x64xf32, #tpu.memory_space<vmem>>, vector<1x16xf32>,
          %get3A_460 = arith.index_cast %add3A_429 : i32 to index
          %get3A_461 = arith.constant 48 : index
          %get3A_462 = tpu.vector_load %arg11[%get3A_460, %get3A_461] {strides = array<i32>} : memref<80x64xf32, #tpu.memory_space<vmem>>, vector<1x16xf32>,
          %get3A_463 = vector.shape_cast %get3A_462 : vector<1x16xf32> to vector<16xf32>
          %mul3A_464 = arith.mulf %get3A_463, %broadcast_in_dim3A_425 : vector<16xf32>
          %swap3A_465 = arith.index_cast %add3A_429 : i32 to index
          %swap3A_466 = arith.constant 48 : index
          %swap3A_467 = tpu.vector_load %arg13[%swap3A_465, %swap3A_466] {strides = array<i32>} : memref<80x64xf32, #tpu.memory_space<vmem>>, vector<1x16xf32>,
          %swap3A_468 = vector.shape_cast %swap3A_467 : vector<1x16xf32> to vector<16xf32>
          %swap3A_469 = vector.shape_cast %mul3A_464 : vector<16xf32> to vector<1x16xf32>
          tpu.vector_store %arg13[%swap3A_465, %swap3A_466], %swap3A_469 {strides = array<i32>} : memref<80x64xf32, #tpu.memory_space<vmem>>, vector<1x16xf32>,
          %slice3A_470 = vector.extract_strided_slice %get3A_144 {offsets = [7], sizes = [1], strides = [1]} : vector<16xf32> to vector<1xf32>
          %squeeze3A_471 = vector.extract %slice3A_470[0] : f32 from vector<1xf32>
          %broadcast_in_dim3A_472 = vector.broadcast %squeeze3A_471 : f32 to vector<16xf32>
          %mul3A_473 = arith.constant 16 : i32
          %mul3A_474 = arith.muli %scan3A_138, %mul3A_473 : i32
          %add3A_475 = arith.constant 7 : i32
          %add3A_476 = arith.addi %mul3A_474, %add3A_475 : i32
          %get3A_477 = arith.index_cast %add3A_476 : i32 to index
          %get3A_478 = arith.constant 0 : index
          %get3A_479 = tpu.vector_load %arg11[%get3A_477, %get3A_478] {strides = array<i32>} : memref<80x64xf32, #tpu.memory_space<vmem>>, vector<1x16xf32>,
          %get3A_480 = vector.shape_cast %get3A_479 : vector<1x16xf32> to vector<16xf32>
          %mul3A_481 = arith.mulf %get3A_480, %broadcast_in_dim3A_472 : vector<16xf32>
          %swap3A_482 = arith.index_cast %add3A_476 : i32 to index
          %swap3A_483 = arith.constant 0 : index
          %swap3A_484 = tpu.vector_load %arg13[%swap3A_482, %swap3A_483] {strides = array<i32>} : memref<80x64xf32, #tpu.memory_space<vmem>>, vector<1x16xf32>,
          %swap3A_485 = vector.shape_cast %swap3A_484 : vector<1x16xf32> to vector<16xf32>
          %swap3A_486 = vector.shape_cast %mul3A_481 : vector<16xf32> to vector<1x16xf32>
          tpu.vector_store %arg13[%swap3A_482, %swap3A_483], %swap3A_486 {strides = array<i32>} : memref<80x64xf32, #tpu.memory_space<vmem>>, vector<1x16xf32>,
          %get3A_487 = arith.index_cast %add3A_476 : i32 to index
          %get3A_488 = arith.constant 16 : index
          %get3A_489 = tpu.vector_load %arg11[%get3A_487, %get3A_488] {strides = array<i32>} : memref<80x64xf32, #tpu.memory_space<vmem>>, vector<1x16xf32>,
          %get3A_490 = vector.shape_cast %get3A_489 : vector<1x16xf32> to vector<16xf32>
          %mul3A_491 = arith.mulf %get3A_490, %broadcast_in_dim3A_472 : vector<16xf32>
          %swap3A_492 = arith.index_cast %add3A_476 : i32 to index
          %swap3A_493 = arith.constant 16 : index
          %swap3A_494 = tpu.vector_load %arg13[%swap3A_492, %swap3A_493] {strides = array<i32>} : memref<80x64xf32, #tpu.memory_space<vmem>>, vector<1x16xf32>,
          %swap3A_495 = vector.shape_cast %swap3A_494 : vector<1x16xf32> to vector<16xf32>
          %swap3A_496 = vector.shape_cast %mul3A_491 : vector<16xf32> to vector<1x16xf32>
          tpu.vector_store %arg13[%swap3A_492, %swap3A_493], %swap3A_496 {strides = array<i32>} : memref<80x64xf32, #tpu.memory_space<vmem>>, vector<1x16xf32>,
          %get3A_497 = arith.index_cast %add3A_476 : i32 to index
          %get3A_498 = arith.constant 32 : index
          %get3A_499 = tpu.vector_load %arg11[%get3A_497, %get3A_498] {strides = array<i32>} : memref<80x64xf32, #tpu.memory_space<vmem>>, vector<1x16xf32>,
          %get3A_500 = vector.shape_cast %get3A_499 : vector<1x16xf32> to vector<16xf32>
          %mul3A_501 = arith.mulf %get3A_500, %broadcast_in_dim3A_472 : vector<16xf32>
          %swap3A_502 = arith.index_cast %add3A_476 : i32 to index
          %swap3A_503 = arith.constant 32 : index
          %swap3A_504 = tpu.vector_load %arg13[%swap3A_502, %swap3A_503] {strides = array<i32>} : memref<80x64xf32, #tpu.memory_space<vmem>>, vector<1x16xf32>,
          %swap3A_505 = vector.shape_cast %swap3A_504 : vector<1x16xf32> to vector<16xf32>
          %swap3A_506 = vector.shape_cast %mul3A_501 : vector<16xf32> to vector<1x16xf32>
          tpu.vector_store %arg13[%swap3A_502, %swap3A_503], %swap3A_506 {strides = array<i32>} : memref<80x64xf32, #tpu.memory_space<vmem>>, vector<1x16xf32>,
          %get3A_507 = arith.index_cast %add3A_476 : i32 to index
          %get3A_508 = arith.constant 48 : index
          %get3A_509 = tpu.vector_load %arg11[%get3A_507, %get3A_508] {strides = array<i32>} : memref<80x64xf32, #tpu.memory_space<vmem>>, vector<1x16xf32>,
          %get3A_510 = vector.shape_cast %get3A_509 : vector<1x16xf32> to vector<16xf32>
          %mul3A_511 = arith.mulf %get3A_510, %broadcast_in_dim3A_472 : vector<16xf32>
          %swap3A_512 = arith.index_cast %add3A_476 : i32 to index
          %swap3A_513 = arith.constant 48 : index
          %swap3A_514 = tpu.vector_load %arg13[%swap3A_512, %swap3A_513] {strides = array<i32>} : memref<80x64xf32, #tpu.memory_space<vmem>>, vector<1x16xf32>,
          %swap3A_515 = vector.shape_cast %swap3A_514 : vector<1x16xf32> to vector<16xf32>
          %swap3A_516 = vector.shape_cast %mul3A_511 : vector<16xf32> to vector<1x16xf32>
          tpu.vector_store %arg13[%swap3A_512, %swap3A_513], %swap3A_516 {strides = array<i32>} : memref<80x64xf32, #tpu.memory_space<vmem>>, vector<1x16xf32>,
          %slice3A_517 = vector.extract_strided_slice %get3A_144 {offsets = [8], sizes = [1], strides = [1]} : vector<16xf32> to vector<1xf32>
          %squeeze3A_518 = vector.extract %slice3A_517[0] : f32 from vector<1xf32>
          %broadcast_in_dim3A_519 = vector.broadcast %squeeze3A_518 : f32 to vector<16xf32>
          %mul3A_520 = arith.constant 16 : i32
          %mul3A_521 = arith.muli %scan3A_138, %mul3A_520 : i32
          %add3A_522 = arith.constant 8 : i32
          %add3A_523 = arith.addi %mul3A_521, %add3A_522 : i32
          %get3A_524 = arith.index_cast %add3A_523 : i32 to index
          %get3A_525 = arith.constant 0 : index
          %get3A_526 = tpu.vector_load %arg11[%get3A_524, %get3A_525] {strides = array<i32>} : memref<80x64xf32, #tpu.memory_space<vmem>>, vector<1x16xf32>,
          %get3A_527 = vector.shape_cast %get3A_526 : vector<1x16xf32> to vector<16xf32>
          %mul3A_528 = arith.mulf %get3A_527, %broadcast_in_dim3A_519 : vector<16xf32>
          %swap3A_529 = arith.index_cast %add3A_523 : i32 to index
          %swap3A_530 = arith.constant 0 : index
          %swap3A_531 = tpu.vector_load %arg13[%swap3A_529, %swap3A_530] {strides = array<i32>} : memref<80x64xf32, #tpu.memory_space<vmem>>, vector<1x16xf32>,
          %swap3A_532 = vector.shape_cast %swap3A_531 : vector<1x16xf32> to vector<16xf32>
          %swap3A_533 = vector.shape_cast %mul3A_528 : vector<16xf32> to vector<1x16xf32>
          tpu.vector_store %arg13[%swap3A_529, %swap3A_530], %swap3A_533 {strides = array<i32>} : memref<80x64xf32, #tpu.memory_space<vmem>>, vector<1x16xf32>,
          %get3A_534 = arith.index_cast %add3A_523 : i32 to index
          %get3A_535 = arith.constant 16 : index
          %get3A_536 = tpu.vector_load %arg11[%get3A_534, %get3A_535] {strides = array<i32>} : memref<80x64xf32, #tpu.memory_space<vmem>>, vector<1x16xf32>,
          %get3A_537 = vector.shape_cast %get3A_536 : vector<1x16xf32> to vector<16xf32>
          %mul3A_538 = arith.mulf %get3A_537, %broadcast_in_dim3A_519 : vector<16xf32>
          %swap3A_539 = arith.index_cast %add3A_523 : i32 to index
          %swap3A_540 = arith.constant 16 : index
          %swap3A_541 = tpu.vector_load %arg13[%swap3A_539, %swap3A_540] {strides = array<i32>} : memref<80x64xf32, #tpu.memory_space<vmem>>, vector<1x16xf32>,
          %swap3A_542 = vector.shape_cast %swap3A_541 : vector<1x16xf32> to vector<16xf32>
          %swap3A_543 = vector.shape_cast %mul3A_538 : vector<16xf32> to vector<1x16xf32>
          tpu.vector_store %arg13[%swap3A_539, %swap3A_540], %swap3A_543 {strides = array<i32>} : memref<80x64xf32, #tpu.memory_space<vmem>>, vector<1x16xf32>,
          %get3A_544 = arith.index_cast %add3A_523 : i32 to index
          %get3A_545 = arith.constant 32 : index
          %get3A_546 = tpu.vector_load %arg11[%get3A_544, %get3A_545] {strides = array<i32>} : memref<80x64xf32, #tpu.memory_space<vmem>>, vector<1x16xf32>,
          %get3A_547 = vector.shape_cast %get3A_546 : vector<1x16xf32> to vector<16xf32>
          %mul3A_548 = arith.mulf %get3A_547, %broadcast_in_dim3A_519 : vector<16xf32>
          %swap3A_549 = arith.index_cast %add3A_523 : i32 to index
          %swap3A_550 = arith.constant 32 : index
          %swap3A_551 = tpu.vector_load %arg13[%swap3A_549, %swap3A_550] {strides = array<i32>} : memref<80x64xf32, #tpu.memory_space<vmem>>, vector<1x16xf32>,
          %swap3A_552 = vector.shape_cast %swap3A_551 : vector<1x16xf32> to vector<16xf32>
          %swap3A_553 = vector.shape_cast %mul3A_548 : vector<16xf32> to vector<1x16xf32>
          tpu.vector_store %arg13[%swap3A_549, %swap3A_550], %swap3A_553 {strides = array<i32>} : memref<80x64xf32, #tpu.memory_space<vmem>>, vector<1x16xf32>,
          %get3A_554 = arith.index_cast %add3A_523 : i32 to index
          %get3A_555 = arith.constant 48 : index
          %get3A_556 = tpu.vector_load %arg11[%get3A_554, %get3A_555] {strides = array<i32>} : memref<80x64xf32, #tpu.memory_space<vmem>>, vector<1x16xf32>,
          %get3A_557 = vector.shape_cast %get3A_556 : vector<1x16xf32> to vector<16xf32>
          %mul3A_558 = arith.mulf %get3A_557, %broadcast_in_dim3A_519 : vector<16xf32>
          %swap3A_559 = arith.index_cast %add3A_523 : i32 to index
          %swap3A_560 = arith.constant 48 : index
          %swap3A_561 = tpu.vector_load %arg13[%swap3A_559, %swap3A_560] {strides = array<i32>} : memref<80x64xf32, #tpu.memory_space<vmem>>, vector<1x16xf32>,
          %swap3A_562 = vector.shape_cast %swap3A_561 : vector<1x16xf32> to vector<16xf32>
          %swap3A_563 = vector.shape_cast %mul3A_558 : vector<16xf32> to vector<1x16xf32>
          tpu.vector_store %arg13[%swap3A_559, %swap3A_560], %swap3A_563 {strides = array<i32>} : memref<80x64xf32, #tpu.memory_space<vmem>>, vector<1x16xf32>,
          %slice3A_564 = vector.extract_strided_slice %get3A_144 {offsets = [9], sizes = [1], strides = [1]} : vector<16xf32> to vector<1xf32>
          %squeeze3A_565 = vector.extract %slice3A_564[0] : f32 from vector<1xf32>
          %broadcast_in_dim3A_566 = vector.broadcast %squeeze3A_565 : f32 to vector<16xf32>
          %mul3A_567 = arith.constant 16 : i32
          %mul3A_568 = arith.muli %scan3A_138, %mul3A_567 : i32
          %add3A_569 = arith.constant 9 : i32
          %add3A_570 = arith.addi %mul3A_568, %add3A_569 : i32
          %get3A_571 = arith.index_cast %add3A_570 : i32 to index
          %get3A_572 = arith.constant 0 : index
          %get3A_573 = tpu.vector_load %arg11[%get3A_571, %get3A_572] {strides = array<i32>} : memref<80x64xf32, #tpu.memory_space<vmem>>, vector<1x16xf32>,
          %get3A_574 = vector.shape_cast %get3A_573 : vector<1x16xf32> to vector<16xf32>
          %mul3A_575 = arith.mulf %get3A_574, %broadcast_in_dim3A_566 : vector<16xf32>
          %swap3A_576 = arith.index_cast %add3A_570 : i32 to index
          %swap3A_577 = arith.constant 0 : index
          %swap3A_578 = tpu.vector_load %arg13[%swap3A_576, %swap3A_577] {strides = array<i32>} : memref<80x64xf32, #tpu.memory_space<vmem>>, vector<1x16xf32>,
          %swap3A_579 = vector.shape_cast %swap3A_578 : vector<1x16xf32> to vector<16xf32>
          %swap3A_580 = vector.shape_cast %mul3A_575 : vector<16xf32> to vector<1x16xf32>
          tpu.vector_store %arg13[%swap3A_576, %swap3A_577], %swap3A_580 {strides = array<i32>} : memref<80x64xf32, #tpu.memory_space<vmem>>, vector<1x16xf32>,
          %get3A_581 = arith.index_cast %add3A_570 : i32 to index
          %get3A_582 = arith.constant 16 : index
          %get3A_583 = tpu.vector_load %arg11[%get3A_581, %get3A_582] {strides = array<i32>} : memref<80x64xf32, #tpu.memory_space<vmem>>, vector<1x16xf32>,
          %get3A_584 = vector.shape_cast %get3A_583 : vector<1x16xf32> to vector<16xf32>
          %mul3A_585 = arith.mulf %get3A_584, %broadcast_in_dim3A_566 : vector<16xf32>
          %swap3A_586 = arith.index_cast %add3A_570 : i32 to index
          %swap3A_587 = arith.constant 16 : index
          %swap3A_588 = tpu.vector_load %arg13[%swap3A_586, %swap3A_587] {strides = array<i32>} : memref<80x64xf32, #tpu.memory_space<vmem>>, vector<1x16xf32>,
          %swap3A_589 = vector.shape_cast %swap3A_588 : vector<1x16xf32> to vector<16xf32>
          %swap3A_590 = vector.shape_cast %mul3A_585 : vector<16xf32> to vector<1x16xf32>
          tpu.vector_store %arg13[%swap3A_586, %swap3A_587], %swap3A_590 {strides = array<i32>} : memref<80x64xf32, #tpu.memory_space<vmem>>, vector<1x16xf32>,
          %get3A_591 = arith.index_cast %add3A_570 : i32 to index
          %get3A_592 = arith.constant 32 : index
          %get3A_593 = tpu.vector_load %arg11[%get3A_591, %get3A_592] {strides = array<i32>} : memref<80x64xf32, #tpu.memory_space<vmem>>, vector<1x16xf32>,
          %get3A_594 = vector.shape_cast %get3A_593 : vector<1x16xf32> to vector<16xf32>
          %mul3A_595 = arith.mulf %get3A_594, %broadcast_in_dim3A_566 : vector<16xf32>
          %swap3A_596 = arith.index_cast %add3A_570 : i32 to index
          %swap3A_597 = arith.constant 32 : index
          %swap3A_598 = tpu.vector_load %arg13[%swap3A_596, %swap3A_597] {strides = array<i32>} : memref<80x64xf32, #tpu.memory_space<vmem>>, vector<1x16xf32>,
          %swap3A_599 = vector.shape_cast %swap3A_598 : vector<1x16xf32> to vector<16xf32>
          %swap3A_600 = vector.shape_cast %mul3A_595 : vector<16xf32> to vector<1x16xf32>
          tpu.vector_store %arg13[%swap3A_596, %swap3A_597], %swap3A_600 {strides = array<i32>} : memref<80x64xf32, #tpu.memory_space<vmem>>, vector<1x16xf32>,
          %get3A_601 = arith.index_cast %add3A_570 : i32 to index
          %get3A_602 = arith.constant 48 : index
          %get3A_603 = tpu.vector_load %arg11[%get3A_601, %get3A_602] {strides = array<i32>} : memref<80x64xf32, #tpu.memory_space<vmem>>, vector<1x16xf32>,
          %get3A_604 = vector.shape_cast %get3A_603 : vector<1x16xf32> to vector<16xf32>
          %mul3A_605 = arith.mulf %get3A_604, %broadcast_in_dim3A_566 : vector<16xf32>
          %swap3A_606 = arith.index_cast %add3A_570 : i32 to index
          %swap3A_607 = arith.constant 48 : index
          %swap3A_608 = tpu.vector_load %arg13[%swap3A_606, %swap3A_607] {strides = array<i32>} : memref<80x64xf32, #tpu.memory_space<vmem>>, vector<1x16xf32>,
          %swap3A_609 = vector.shape_cast %swap3A_608 : vector<1x16xf32> to vector<16xf32>
          %swap3A_610 = vector.shape_cast %mul3A_605 : vector<16xf32> to vector<1x16xf32>
          tpu.vector_store %arg13[%swap3A_606, %swap3A_607], %swap3A_610 {strides = array<i32>} : memref<80x64xf32, #tpu.memory_space<vmem>>, vector<1x16xf32>,
          %slice3A_611 = vector.extract_strided_slice %get3A_144 {offsets = [10], sizes = [1], strides = [1]} : vector<16xf32> to vector<1xf32>
          %squeeze3A_612 = vector.extract %slice3A_611[0] : f32 from vector<1xf32>
          %broadcast_in_dim3A_613 = vector.broadcast %squeeze3A_612 : f32 to vector<16xf32>
          %mul3A_614 = arith.constant 16 : i32
          %mul3A_615 = arith.muli %scan3A_138, %mul3A_614 : i32
          %add3A_616 = arith.constant 10 : i32
          %add3A_617 = arith.addi %mul3A_615, %add3A_616 : i32
          %get3A_618 = arith.index_cast %add3A_617 : i32 to index
          %get3A_619 = arith.constant 0 : index
          %get3A_620 = tpu.vector_load %arg11[%get3A_618, %get3A_619] {strides = array<i32>} : memref<80x64xf32, #tpu.memory_space<vmem>>, vector<1x16xf32>,
          %get3A_621 = vector.shape_cast %get3A_620 : vector<1x16xf32> to vector<16xf32>
          %mul3A_622 = arith.mulf %get3A_621, %broadcast_in_dim3A_613 : vector<16xf32>
          %swap3A_623 = arith.index_cast %add3A_617 : i32 to index
          %swap3A_624 = arith.constant 0 : index
          %swap3A_625 = tpu.vector_load %arg13[%swap3A_623, %swap3A_624] {strides = array<i32>} : memref<80x64xf32, #tpu.memory_space<vmem>>, vector<1x16xf32>,
          %swap3A_626 = vector.shape_cast %swap3A_625 : vector<1x16xf32> to vector<16xf32>
          %swap3A_627 = vector.shape_cast %mul3A_622 : vector<16xf32> to vector<1x16xf32>
          tpu.vector_store %arg13[%swap3A_623, %swap3A_624], %swap3A_627 {strides = array<i32>} : memref<80x64xf32, #tpu.memory_space<vmem>>, vector<1x16xf32>,
          %get3A_628 = arith.index_cast %add3A_617 : i32 to index
          %get3A_629 = arith.constant 16 : index
          %get3A_630 = tpu.vector_load %arg11[%get3A_628, %get3A_629] {strides = array<i32>} : memref<80x64xf32, #tpu.memory_space<vmem>>, vector<1x16xf32>,
          %get3A_631 = vector.shape_cast %get3A_630 : vector<1x16xf32> to vector<16xf32>
          %mul3A_632 = arith.mulf %get3A_631, %broadcast_in_dim3A_613 : vector<16xf32>
          %swap3A_633 = arith.index_cast %add3A_617 : i32 to index
          %swap3A_634 = arith.constant 16 : index
          %swap3A_635 = tpu.vector_load %arg13[%swap3A_633, %swap3A_634] {strides = array<i32>} : memref<80x64xf32, #tpu.memory_space<vmem>>, vector<1x16xf32>,
          %swap3A_636 = vector.shape_cast %swap3A_635 : vector<1x16xf32> to vector<16xf32>
          %swap3A_637 = vector.shape_cast %mul3A_632 : vector<16xf32> to vector<1x16xf32>
          tpu.vector_store %arg13[%swap3A_633, %swap3A_634], %swap3A_637 {strides = array<i32>} : memref<80x64xf32, #tpu.memory_space<vmem>>, vector<1x16xf32>,
          %get3A_638 = arith.index_cast %add3A_617 : i32 to index
          %get3A_639 = arith.constant 32 : index
          %get3A_640 = tpu.vector_load %arg11[%get3A_638, %get3A_639] {strides = array<i32>} : memref<80x64xf32, #tpu.memory_space<vmem>>, vector<1x16xf32>,
          %get3A_641 = vector.shape_cast %get3A_640 : vector<1x16xf32> to vector<16xf32>
          %mul3A_642 = arith.mulf %get3A_641, %broadcast_in_dim3A_613 : vector<16xf32>
          %swap3A_643 = arith.index_cast %add3A_617 : i32 to index
          %swap3A_644 = arith.constant 32 : index
          %swap3A_645 = tpu.vector_load %arg13[%swap3A_643, %swap3A_644] {strides = array<i32>} : memref<80x64xf32, #tpu.memory_space<vmem>>, vector<1x16xf32>,
          %swap3A_646 = vector.shape_cast %swap3A_645 : vector<1x16xf32> to vector<16xf32>
          %swap3A_647 = vector.shape_cast %mul3A_642 : vector<16xf32> to vector<1x16xf32>
          tpu.vector_store %arg13[%swap3A_643, %swap3A_644], %swap3A_647 {strides = array<i32>} : memref<80x64xf32, #tpu.memory_space<vmem>>, vector<1x16xf32>,
          %get3A_648 = arith.index_cast %add3A_617 : i32 to index
          %get3A_649 = arith.constant 48 : index
          %get3A_650 = tpu.vector_load %arg11[%get3A_648, %get3A_649] {strides = array<i32>} : memref<80x64xf32, #tpu.memory_space<vmem>>, vector<1x16xf32>,
          %get3A_651 = vector.shape_cast %get3A_650 : vector<1x16xf32> to vector<16xf32>
          %mul3A_652 = arith.mulf %get3A_651, %broadcast_in_dim3A_613 : vector<16xf32>
          %swap3A_653 = arith.index_cast %add3A_617 : i32 to index
          %swap3A_654 = arith.constant 48 : index
          %swap3A_655 = tpu.vector_load %arg13[%swap3A_653, %swap3A_654] {strides = array<i32>} : memref<80x64xf32, #tpu.memory_space<vmem>>, vector<1x16xf32>,
          %swap3A_656 = vector.shape_cast %swap3A_655 : vector<1x16xf32> to vector<16xf32>
          %swap3A_657 = vector.shape_cast %mul3A_652 : vector<16xf32> to vector<1x16xf32>
          tpu.vector_store %arg13[%swap3A_653, %swap3A_654], %swap3A_657 {strides = array<i32>} : memref<80x64xf32, #tpu.memory_space<vmem>>, vector<1x16xf32>,
          %slice3A_658 = vector.extract_strided_slice %get3A_144 {offsets = [11], sizes = [1], strides = [1]} : vector<16xf32> to vector<1xf32>
          %squeeze3A_659 = vector.extract %slice3A_658[0] : f32 from vector<1xf32>
          %broadcast_in_dim3A_660 = vector.broadcast %squeeze3A_659 : f32 to vector<16xf32>
          %mul3A_661 = arith.constant 16 : i32
          %mul3A_662 = arith.muli %scan3A_138, %mul3A_661 : i32
          %add3A_663 = arith.constant 11 : i32
          %add3A_664 = arith.addi %mul3A_662, %add3A_663 : i32
          %get3A_665 = arith.index_cast %add3A_664 : i32 to index
          %get3A_666 = arith.constant 0 : index
          %get3A_667 = tpu.vector_load %arg11[%get3A_665, %get3A_666] {strides = array<i32>} : memref<80x64xf32, #tpu.memory_space<vmem>>, vector<1x16xf32>,
          %get3A_668 = vector.shape_cast %get3A_667 : vector<1x16xf32> to vector<16xf32>
          %mul3A_669 = arith.mulf %get3A_668, %broadcast_in_dim3A_660 : vector<16xf32>
          %swap3A_670 = arith.index_cast %add3A_664 : i32 to index
          %swap3A_671 = arith.constant 0 : index
          %swap3A_672 = tpu.vector_load %arg13[%swap3A_670, %swap3A_671] {strides = array<i32>} : memref<80x64xf32, #tpu.memory_space<vmem>>, vector<1x16xf32>,
          %swap3A_673 = vector.shape_cast %swap3A_672 : vector<1x16xf32> to vector<16xf32>
          %swap3A_674 = vector.shape_cast %mul3A_669 : vector<16xf32> to vector<1x16xf32>
          tpu.vector_store %arg13[%swap3A_670, %swap3A_671], %swap3A_674 {strides = array<i32>} : memref<80x64xf32, #tpu.memory_space<vmem>>, vector<1x16xf32>,
          %get3A_675 = arith.index_cast %add3A_664 : i32 to index
          %get3A_676 = arith.constant 16 : index
          %get3A_677 = tpu.vector_load %arg11[%get3A_675, %get3A_676] {strides = array<i32>} : memref<80x64xf32, #tpu.memory_space<vmem>>, vector<1x16xf32>,
          %get3A_678 = vector.shape_cast %get3A_677 : vector<1x16xf32> to vector<16xf32>
          %mul3A_679 = arith.mulf %get3A_678, %broadcast_in_dim3A_660 : vector<16xf32>
          %swap3A_680 = arith.index_cast %add3A_664 : i32 to index
          %swap3A_681 = arith.constant 16 : index
          %swap3A_682 = tpu.vector_load %arg13[%swap3A_680, %swap3A_681] {strides = array<i32>} : memref<80x64xf32, #tpu.memory_space<vmem>>, vector<1x16xf32>,
          %swap3A_683 = vector.shape_cast %swap3A_682 : vector<1x16xf32> to vector<16xf32>
          %swap3A_684 = vector.shape_cast %mul3A_679 : vector<16xf32> to vector<1x16xf32>
          tpu.vector_store %arg13[%swap3A_680, %swap3A_681], %swap3A_684 {strides = array<i32>} : memref<80x64xf32, #tpu.memory_space<vmem>>, vector<1x16xf32>,
          %get3A_685 = arith.index_cast %add3A_664 : i32 to index
          %get3A_686 = arith.constant 32 : index
          %get3A_687 = tpu.vector_load %arg11[%get3A_685, %get3A_686] {strides = array<i32>} : memref<80x64xf32, #tpu.memory_space<vmem>>, vector<1x16xf32>,
          %get3A_688 = vector.shape_cast %get3A_687 : vector<1x16xf32> to vector<16xf32>
          %mul3A_689 = arith.mulf %get3A_688, %broadcast_in_dim3A_660 : vector<16xf32>
          %swap3A_690 = arith.index_cast %add3A_664 : i32 to index
          %swap3A_691 = arith.constant 32 : index
          %swap3A_692 = tpu.vector_load %arg13[%swap3A_690, %swap3A_691] {strides = array<i32>} : memref<80x64xf32, #tpu.memory_space<vmem>>, vector<1x16xf32>,
          %swap3A_693 = vector.shape_cast %swap3A_692 : vector<1x16xf32> to vector<16xf32>
          %swap3A_694 = vector.shape_cast %mul3A_689 : vector<16xf32> to vector<1x16xf32>
          tpu.vector_store %arg13[%swap3A_690, %swap3A_691], %swap3A_694 {strides = array<i32>} : memref<80x64xf32, #tpu.memory_space<vmem>>, vector<1x16xf32>,
          %get3A_695 = arith.index_cast %add3A_664 : i32 to index
          %get3A_696 = arith.constant 48 : index
          %get3A_697 = tpu.vector_load %arg11[%get3A_695, %get3A_696] {strides = array<i32>} : memref<80x64xf32, #tpu.memory_space<vmem>>, vector<1x16xf32>,
          %get3A_698 = vector.shape_cast %get3A_697 : vector<1x16xf32> to vector<16xf32>
          %mul3A_699 = arith.mulf %get3A_698, %broadcast_in_dim3A_660 : vector<16xf32>
          %swap3A_700 = arith.index_cast %add3A_664 : i32 to index
          %swap3A_701 = arith.constant 48 : index
          %swap3A_702 = tpu.vector_load %arg13[%swap3A_700, %swap3A_701] {strides = array<i32>} : memref<80x64xf32, #tpu.memory_space<vmem>>, vector<1x16xf32>,
          %swap3A_703 = vector.shape_cast %swap3A_702 : vector<1x16xf32> to vector<16xf32>
          %swap3A_704 = vector.shape_cast %mul3A_699 : vector<16xf32> to vector<1x16xf32>
          tpu.vector_store %arg13[%swap3A_700, %swap3A_701], %swap3A_704 {strides = array<i32>} : memref<80x64xf32, #tpu.memory_space<vmem>>, vector<1x16xf32>,
          %slice3A_705 = vector.extract_strided_slice %get3A_144 {offsets = [12], sizes = [1], strides = [1]} : vector<16xf32> to vector<1xf32>
          %squeeze3A_706 = vector.extract %slice3A_705[0] : f32 from vector<1xf32>
          %broadcast_in_dim3A_707 = vector.broadcast %squeeze3A_706 : f32 to vector<16xf32>
          %mul3A_708 = arith.constant 16 : i32
          %mul3A_709 = arith.muli %scan3A_138, %mul3A_708 : i32
          %add3A_710 = arith.constant 12 : i32
          %add3A_711 = arith.addi %mul3A_709, %add3A_710 : i32
          %get3A_712 = arith.index_cast %add3A_711 : i32 to index
          %get3A_713 = arith.constant 0 : index
          %get3A_714 = tpu.vector_load %arg11[%get3A_712, %get3A_713] {strides = array<i32>} : memref<80x64xf32, #tpu.memory_space<vmem>>, vector<1x16xf32>,
          %get3A_715 = vector.shape_cast %get3A_714 : vector<1x16xf32> to vector<16xf32>
          %mul3A_716 = arith.mulf %get3A_715, %broadcast_in_dim3A_707 : vector<16xf32>
          %swap3A_717 = arith.index_cast %add3A_711 : i32 to index
          %swap3A_718 = arith.constant 0 : index
          %swap3A_719 = tpu.vector_load %arg13[%swap3A_717, %swap3A_718] {strides = array<i32>} : memref<80x64xf32, #tpu.memory_space<vmem>>, vector<1x16xf32>,
          %swap3A_720 = vector.shape_cast %swap3A_719 : vector<1x16xf32> to vector<16xf32>
          %swap3A_721 = vector.shape_cast %mul3A_716 : vector<16xf32> to vector<1x16xf32>
          tpu.vector_store %arg13[%swap3A_717, %swap3A_718], %swap3A_721 {strides = array<i32>} : memref<80x64xf32, #tpu.memory_space<vmem>>, vector<1x16xf32>,
          %get3A_722 = arith.index_cast %add3A_711 : i32 to index
          %get3A_723 = arith.constant 16 : index
          %get3A_724 = tpu.vector_load %arg11[%get3A_722, %get3A_723] {strides = array<i32>} : memref<80x64xf32, #tpu.memory_space<vmem>>, vector<1x16xf32>,
          %get3A_725 = vector.shape_cast %get3A_724 : vector<1x16xf32> to vector<16xf32>
          %mul3A_726 = arith.mulf %get3A_725, %broadcast_in_dim3A_707 : vector<16xf32>
          %swap3A_727 = arith.index_cast %add3A_711 : i32 to index
          %swap3A_728 = arith.constant 16 : index
          %swap3A_729 = tpu.vector_load %arg13[%swap3A_727, %swap3A_728] {strides = array<i32>} : memref<80x64xf32, #tpu.memory_space<vmem>>, vector<1x16xf32>,
          %swap3A_730 = vector.shape_cast %swap3A_729 : vector<1x16xf32> to vector<16xf32>
          %swap3A_731 = vector.shape_cast %mul3A_726 : vector<16xf32> to vector<1x16xf32>
          tpu.vector_store %arg13[%swap3A_727, %swap3A_728], %swap3A_731 {strides = array<i32>} : memref<80x64xf32, #tpu.memory_space<vmem>>, vector<1x16xf32>,
          %get3A_732 = arith.index_cast %add3A_711 : i32 to index
          %get3A_733 = arith.constant 32 : index
          %get3A_734 = tpu.vector_load %arg11[%get3A_732, %get3A_733] {strides = array<i32>} : memref<80x64xf32, #tpu.memory_space<vmem>>, vector<1x16xf32>,
          %get3A_735 = vector.shape_cast %get3A_734 : vector<1x16xf32> to vector<16xf32>
          %mul3A_736 = arith.mulf %get3A_735, %broadcast_in_dim3A_707 : vector<16xf32>
          %swap3A_737 = arith.index_cast %add3A_711 : i32 to index
          %swap3A_738 = arith.constant 32 : index
          %swap3A_739 = tpu.vector_load %arg13[%swap3A_737, %swap3A_738] {strides = array<i32>} : memref<80x64xf32, #tpu.memory_space<vmem>>, vector<1x16xf32>,
          %swap3A_740 = vector.shape_cast %swap3A_739 : vector<1x16xf32> to vector<16xf32>
          %swap3A_741 = vector.shape_cast %mul3A_736 : vector<16xf32> to vector<1x16xf32>
          tpu.vector_store %arg13[%swap3A_737, %swap3A_738], %swap3A_741 {strides = array<i32>} : memref<80x64xf32, #tpu.memory_space<vmem>>, vector<1x16xf32>,
          %get3A_742 = arith.index_cast %add3A_711 : i32 to index
          %get3A_743 = arith.constant 48 : index
          %get3A_744 = tpu.vector_load %arg11[%get3A_742, %get3A_743] {strides = array<i32>} : memref<80x64xf32, #tpu.memory_space<vmem>>, vector<1x16xf32>,
          %get3A_745 = vector.shape_cast %get3A_744 : vector<1x16xf32> to vector<16xf32>
          %mul3A_746 = arith.mulf %get3A_745, %broadcast_in_dim3A_707 : vector<16xf32>
          %swap3A_747 = arith.index_cast %add3A_711 : i32 to index
          %swap3A_748 = arith.constant 48 : index
          %swap3A_749 = tpu.vector_load %arg13[%swap3A_747, %swap3A_748] {strides = array<i32>} : memref<80x64xf32, #tpu.memory_space<vmem>>, vector<1x16xf32>,
          %swap3A_750 = vector.shape_cast %swap3A_749 : vector<1x16xf32> to vector<16xf32>
          %swap3A_751 = vector.shape_cast %mul3A_746 : vector<16xf32> to vector<1x16xf32>
          tpu.vector_store %arg13[%swap3A_747, %swap3A_748], %swap3A_751 {strides = array<i32>} : memref<80x64xf32, #tpu.memory_space<vmem>>, vector<1x16xf32>,
          %slice3A_752 = vector.extract_strided_slice %get3A_144 {offsets = [13], sizes = [1], strides = [1]} : vector<16xf32> to vector<1xf32>
          %squeeze3A_753 = vector.extract %slice3A_752[0] : f32 from vector<1xf32>
          %broadcast_in_dim3A_754 = vector.broadcast %squeeze3A_753 : f32 to vector<16xf32>
          %mul3A_755 = arith.constant 16 : i32
          %mul3A_756 = arith.muli %scan3A_138, %mul3A_755 : i32
          %add3A_757 = arith.constant 13 : i32
          %add3A_758 = arith.addi %mul3A_756, %add3A_757 : i32
          %get3A_759 = arith.index_cast %add3A_758 : i32 to index
          %get3A_760 = arith.constant 0 : index
          %get3A_761 = tpu.vector_load %arg11[%get3A_759, %get3A_760] {strides = array<i32>} : memref<80x64xf32, #tpu.memory_space<vmem>>, vector<1x16xf32>,
          %get3A_762 = vector.shape_cast %get3A_761 : vector<1x16xf32> to vector<16xf32>
          %mul3A_763 = arith.mulf %get3A_762, %broadcast_in_dim3A_754 : vector<16xf32>
          %swap3A_764 = arith.index_cast %add3A_758 : i32 to index
          %swap3A_765 = arith.constant 0 : index
          %swap3A_766 = tpu.vector_load %arg13[%swap3A_764, %swap3A_765] {strides = array<i32>} : memref<80x64xf32, #tpu.memory_space<vmem>>, vector<1x16xf32>,
          %swap3A_767 = vector.shape_cast %swap3A_766 : vector<1x16xf32> to vector<16xf32>
          %swap3A_768 = vector.shape_cast %mul3A_763 : vector<16xf32> to vector<1x16xf32>
          tpu.vector_store %arg13[%swap3A_764, %swap3A_765], %swap3A_768 {strides = array<i32>} : memref<80x64xf32, #tpu.memory_space<vmem>>, vector<1x16xf32>,
          %get3A_769 = arith.index_cast %add3A_758 : i32 to index
          %get3A_770 = arith.constant 16 : index
          %get3A_771 = tpu.vector_load %arg11[%get3A_769, %get3A_770] {strides = array<i32>} : memref<80x64xf32, #tpu.memory_space<vmem>>, vector<1x16xf32>,
          %get3A_772 = vector.shape_cast %get3A_771 : vector<1x16xf32> to vector<16xf32>
          %mul3A_773 = arith.mulf %get3A_772, %broadcast_in_dim3A_754 : vector<16xf32>
          %swap3A_774 = arith.index_cast %add3A_758 : i32 to index
          %swap3A_775 = arith.constant 16 : index
          %swap3A_776 = tpu.vector_load %arg13[%swap3A_774, %swap3A_775] {strides = array<i32>} : memref<80x64xf32, #tpu.memory_space<vmem>>, vector<1x16xf32>,
          %swap3A_777 = vector.shape_cast %swap3A_776 : vector<1x16xf32> to vector<16xf32>
          %swap3A_778 = vector.shape_cast %mul3A_773 : vector<16xf32> to vector<1x16xf32>
          tpu.vector_store %arg13[%swap3A_774, %swap3A_775], %swap3A_778 {strides = array<i32>} : memref<80x64xf32, #tpu.memory_space<vmem>>, vector<1x16xf32>,
          %get3A_779 = arith.index_cast %add3A_758 : i32 to index
          %get3A_780 = arith.constant 32 : index
          %get3A_781 = tpu.vector_load %arg11[%get3A_779, %get3A_780] {strides = array<i32>} : memref<80x64xf32, #tpu.memory_space<vmem>>, vector<1x16xf32>,
          %get3A_782 = vector.shape_cast %get3A_781 : vector<1x16xf32> to vector<16xf32>
          %mul3A_783 = arith.mulf %get3A_782, %broadcast_in_dim3A_754 : vector<16xf32>
          %swap3A_784 = arith.index_cast %add3A_758 : i32 to index
          %swap3A_785 = arith.constant 32 : index
          %swap3A_786 = tpu.vector_load %arg13[%swap3A_784, %swap3A_785] {strides = array<i32>} : memref<80x64xf32, #tpu.memory_space<vmem>>, vector<1x16xf32>,
          %swap3A_787 = vector.shape_cast %swap3A_786 : vector<1x16xf32> to vector<16xf32>
          %swap3A_788 = vector.shape_cast %mul3A_783 : vector<16xf32> to vector<1x16xf32>
          tpu.vector_store %arg13[%swap3A_784, %swap3A_785], %swap3A_788 {strides = array<i32>} : memref<80x64xf32, #tpu.memory_space<vmem>>, vector<1x16xf32>,
          %get3A_789 = arith.index_cast %add3A_758 : i32 to index
          %get3A_790 = arith.constant 48 : index
          %get3A_791 = tpu.vector_load %arg11[%get3A_789, %get3A_790] {strides = array<i32>} : memref<80x64xf32, #tpu.memory_space<vmem>>, vector<1x16xf32>,
          %get3A_792 = vector.shape_cast %get3A_791 : vector<1x16xf32> to vector<16xf32>
          %mul3A_793 = arith.mulf %get3A_792, %broadcast_in_dim3A_754 : vector<16xf32>
          %swap3A_794 = arith.index_cast %add3A_758 : i32 to index
          %swap3A_795 = arith.constant 48 : index
          %swap3A_796 = tpu.vector_load %arg13[%swap3A_794, %swap3A_795] {strides = array<i32>} : memref<80x64xf32, #tpu.memory_space<vmem>>, vector<1x16xf32>,
          %swap3A_797 = vector.shape_cast %swap3A_796 : vector<1x16xf32> to vector<16xf32>
          %swap3A_798 = vector.shape_cast %mul3A_793 : vector<16xf32> to vector<1x16xf32>
          tpu.vector_store %arg13[%swap3A_794, %swap3A_795], %swap3A_798 {strides = array<i32>} : memref<80x64xf32, #tpu.memory_space<vmem>>, vector<1x16xf32>,
          %slice3A_799 = vector.extract_strided_slice %get3A_144 {offsets = [14], sizes = [1], strides = [1]} : vector<16xf32> to vector<1xf32>
          %squeeze3A_800 = vector.extract %slice3A_799[0] : f32 from vector<1xf32>
          %broadcast_in_dim3A_801 = vector.broadcast %squeeze3A_800 : f32 to vector<16xf32>
          %mul3A_802 = arith.constant 16 : i32
          %mul3A_803 = arith.muli %scan3A_138, %mul3A_802 : i32
          %add3A_804 = arith.constant 14 : i32
          %add3A_805 = arith.addi %mul3A_803, %add3A_804 : i32
          %get3A_806 = arith.index_cast %add3A_805 : i32 to index
          %get3A_807 = arith.constant 0 : index
          %get3A_808 = tpu.vector_load %arg11[%get3A_806, %get3A_807] {strides = array<i32>} : memref<80x64xf32, #tpu.memory_space<vmem>>, vector<1x16xf32>,
          %get3A_809 = vector.shape_cast %get3A_808 : vector<1x16xf32> to vector<16xf32>
          %mul3A_810 = arith.mulf %get3A_809, %broadcast_in_dim3A_801 : vector<16xf32>
          %swap3A_811 = arith.index_cast %add3A_805 : i32 to index
          %swap3A_812 = arith.constant 0 : index
          %swap3A_813 = tpu.vector_load %arg13[%swap3A_811, %swap3A_812] {strides = array<i32>} : memref<80x64xf32, #tpu.memory_space<vmem>>, vector<1x16xf32>,
          %swap3A_814 = vector.shape_cast %swap3A_813 : vector<1x16xf32> to vector<16xf32>
          %swap3A_815 = vector.shape_cast %mul3A_810 : vector<16xf32> to vector<1x16xf32>
          tpu.vector_store %arg13[%swap3A_811, %swap3A_812], %swap3A_815 {strides = array<i32>} : memref<80x64xf32, #tpu.memory_space<vmem>>, vector<1x16xf32>,
          %get3A_816 = arith.index_cast %add3A_805 : i32 to index
          %get3A_817 = arith.constant 16 : index
          %get3A_818 = tpu.vector_load %arg11[%get3A_816, %get3A_817] {strides = array<i32>} : memref<80x64xf32, #tpu.memory_space<vmem>>, vector<1x16xf32>,
          %get3A_819 = vector.shape_cast %get3A_818 : vector<1x16xf32> to vector<16xf32>
          %mul3A_820 = arith.mulf %get3A_819, %broadcast_in_dim3A_801 : vector<16xf32>
          %swap3A_821 = arith.index_cast %add3A_805 : i32 to index
          %swap3A_822 = arith.constant 16 : index
          %swap3A_823 = tpu.vector_load %arg13[%swap3A_821, %swap3A_822] {strides = array<i32>} : memref<80x64xf32, #tpu.memory_space<vmem>>, vector<1x16xf32>,
          %swap3A_824 = vector.shape_cast %swap3A_823 : vector<1x16xf32> to vector<16xf32>
          %swap3A_825 = vector.shape_cast %mul3A_820 : vector<16xf32> to vector<1x16xf32>
          tpu.vector_store %arg13[%swap3A_821, %swap3A_822], %swap3A_825 {strides = array<i32>} : memref<80x64xf32, #tpu.memory_space<vmem>>, vector<1x16xf32>,
          %get3A_826 = arith.index_cast %add3A_805 : i32 to index
          %get3A_827 = arith.constant 32 : index
          %get3A_828 = tpu.vector_load %arg11[%get3A_826, %get3A_827] {strides = array<i32>} : memref<80x64xf32, #tpu.memory_space<vmem>>, vector<1x16xf32>,
          %get3A_829 = vector.shape_cast %get3A_828 : vector<1x16xf32> to vector<16xf32>
          %mul3A_830 = arith.mulf %get3A_829, %broadcast_in_dim3A_801 : vector<16xf32>
          %swap3A_831 = arith.index_cast %add3A_805 : i32 to index
          %swap3A_832 = arith.constant 32 : index
          %swap3A_833 = tpu.vector_load %arg13[%swap3A_831, %swap3A_832] {strides = array<i32>} : memref<80x64xf32, #tpu.memory_space<vmem>>, vector<1x16xf32>,
          %swap3A_834 = vector.shape_cast %swap3A_833 : vector<1x16xf32> to vector<16xf32>
          %swap3A_835 = vector.shape_cast %mul3A_830 : vector<16xf32> to vector<1x16xf32>
          tpu.vector_store %arg13[%swap3A_831, %swap3A_832], %swap3A_835 {strides = array<i32>} : memref<80x64xf32, #tpu.memory_space<vmem>>, vector<1x16xf32>,
          %get3A_836 = arith.index_cast %add3A_805 : i32 to index
          %get3A_837 = arith.constant 48 : index
          %get3A_838 = tpu.vector_load %arg11[%get3A_836, %get3A_837] {strides = array<i32>} : memref<80x64xf32, #tpu.memory_space<vmem>>, vector<1x16xf32>,
          %get3A_839 = vector.shape_cast %get3A_838 : vector<1x16xf32> to vector<16xf32>
          %mul3A_840 = arith.mulf %get3A_839, %broadcast_in_dim3A_801 : vector<16xf32>
          %swap3A_841 = arith.index_cast %add3A_805 : i32 to index
          %swap3A_842 = arith.constant 48 : index
          %swap3A_843 = tpu.vector_load %arg13[%swap3A_841, %swap3A_842] {strides = array<i32>} : memref<80x64xf32, #tpu.memory_space<vmem>>, vector<1x16xf32>,
          %swap3A_844 = vector.shape_cast %swap3A_843 : vector<1x16xf32> to vector<16xf32>
          %swap3A_845 = vector.shape_cast %mul3A_840 : vector<16xf32> to vector<1x16xf32>
          tpu.vector_store %arg13[%swap3A_841, %swap3A_842], %swap3A_845 {strides = array<i32>} : memref<80x64xf32, #tpu.memory_space<vmem>>, vector<1x16xf32>,
          %slice3A_846 = vector.extract_strided_slice %get3A_144 {offsets = [15], sizes = [1], strides = [1]} : vector<16xf32> to vector<1xf32>
          %squeeze3A_847 = vector.extract %slice3A_846[0] : f32 from vector<1xf32>
          %broadcast_in_dim3A_848 = vector.broadcast %squeeze3A_847 : f32 to vector<16xf32>
          %mul3A_849 = arith.constant 16 : i32
          %mul3A_850 = arith.muli %scan3A_138, %mul3A_849 : i32
          %add3A_851 = arith.constant 15 : i32
          %add3A_852 = arith.addi %mul3A_850, %add3A_851 : i32
          %get3A_853 = arith.index_cast %add3A_852 : i32 to index
          %get3A_854 = arith.constant 0 : index
          %get3A_855 = tpu.vector_load %arg11[%get3A_853, %get3A_854] {strides = array<i32>} : memref<80x64xf32, #tpu.memory_space<vmem>>, vector<1x16xf32>,
          %get3A_856 = vector.shape_cast %get3A_855 : vector<1x16xf32> to vector<16xf32>
          %mul3A_857 = arith.mulf %get3A_856, %broadcast_in_dim3A_848 : vector<16xf32>
          %swap3A_858 = arith.index_cast %add3A_852 : i32 to index
          %swap3A_859 = arith.constant 0 : index
          %swap3A_860 = tpu.vector_load %arg13[%swap3A_858, %swap3A_859] {strides = array<i32>} : memref<80x64xf32, #tpu.memory_space<vmem>>, vector<1x16xf32>,
          %swap3A_861 = vector.shape_cast %swap3A_860 : vector<1x16xf32> to vector<16xf32>
          %swap3A_862 = vector.shape_cast %mul3A_857 : vector<16xf32> to vector<1x16xf32>
          tpu.vector_store %arg13[%swap3A_858, %swap3A_859], %swap3A_862 {strides = array<i32>} : memref<80x64xf32, #tpu.memory_space<vmem>>, vector<1x16xf32>,
          %get3A_863 = arith.index_cast %add3A_852 : i32 to index
          %get3A_864 = arith.constant 16 : index
          %get3A_865 = tpu.vector_load %arg11[%get3A_863, %get3A_864] {strides = array<i32>} : memref<80x64xf32, #tpu.memory_space<vmem>>, vector<1x16xf32>,
          %get3A_866 = vector.shape_cast %get3A_865 : vector<1x16xf32> to vector<16xf32>
          %mul3A_867 = arith.mulf %get3A_866, %broadcast_in_dim3A_848 : vector<16xf32>
          %swap3A_868 = arith.index_cast %add3A_852 : i32 to index
          %swap3A_869 = arith.constant 16 : index
          %swap3A_870 = tpu.vector_load %arg13[%swap3A_868, %swap3A_869] {strides = array<i32>} : memref<80x64xf32, #tpu.memory_space<vmem>>, vector<1x16xf32>,
          %swap3A_871 = vector.shape_cast %swap3A_870 : vector<1x16xf32> to vector<16xf32>
          %swap3A_872 = vector.shape_cast %mul3A_867 : vector<16xf32> to vector<1x16xf32>
          tpu.vector_store %arg13[%swap3A_868, %swap3A_869], %swap3A_872 {strides = array<i32>} : memref<80x64xf32, #tpu.memory_space<vmem>>, vector<1x16xf32>,
          %get3A_873 = arith.index_cast %add3A_852 : i32 to index
          %get3A_874 = arith.constant 32 : index
          %get3A_875 = tpu.vector_load %arg11[%get3A_873, %get3A_874] {strides = array<i32>} : memref<80x64xf32, #tpu.memory_space<vmem>>, vector<1x16xf32>,
          %get3A_876 = vector.shape_cast %get3A_875 : vector<1x16xf32> to vector<16xf32>
          %mul3A_877 = arith.mulf %get3A_876, %broadcast_in_dim3A_848 : vector<16xf32>
          %swap3A_878 = arith.index_cast %add3A_852 : i32 to index
          %swap3A_879 = arith.constant 32 : index
          %swap3A_880 = tpu.vector_load %arg13[%swap3A_878, %swap3A_879] {strides = array<i32>} : memref<80x64xf32, #tpu.memory_space<vmem>>, vector<1x16xf32>,
          %swap3A_881 = vector.shape_cast %swap3A_880 : vector<1x16xf32> to vector<16xf32>
          %swap3A_882 = vector.shape_cast %mul3A_877 : vector<16xf32> to vector<1x16xf32>
          tpu.vector_store %arg13[%swap3A_878, %swap3A_879], %swap3A_882 {strides = array<i32>} : memref<80x64xf32, #tpu.memory_space<vmem>>, vector<1x16xf32>,
          %get3A_883 = arith.index_cast %add3A_852 : i32 to index
          %get3A_884 = arith.constant 48 : index
          %get3A_885 = tpu.vector_load %arg11[%get3A_883, %get3A_884] {strides = array<i32>} : memref<80x64xf32, #tpu.memory_space<vmem>>, vector<1x16xf32>,
          %get3A_886 = vector.shape_cast %get3A_885 : vector<1x16xf32> to vector<16xf32>
          %mul3A_887 = arith.mulf %get3A_886, %broadcast_in_dim3A_848 : vector<16xf32>
          %swap3A_888 = arith.index_cast %add3A_852 : i32 to index
          %swap3A_889 = arith.constant 48 : index
          %swap3A_890 = tpu.vector_load %arg13[%swap3A_888, %swap3A_889] {strides = array<i32>} : memref<80x64xf32, #tpu.memory_space<vmem>>, vector<1x16xf32>,
          %swap3A_891 = vector.shape_cast %swap3A_890 : vector<1x16xf32> to vector<16xf32>
          %swap3A_892 = vector.shape_cast %mul3A_887 : vector<16xf32> to vector<1x16xf32>
          tpu.vector_store %arg13[%swap3A_888, %swap3A_889], %swap3A_892 {strides = array<i32>} : memref<80x64xf32, #tpu.memory_space<vmem>>, vector<1x16xf32>,
          %scan3A_893 = arith.constant 0 : i32
          scf.yield %scan3A_893 : i32
        }
        %scan3A_121 = arith.constant 5 : i32
        %add3A_122 = arith.constant 3 : i32
        %add3A_123 = arith.addi %mul3A_63, %add3A_122 : i32
        %lt3A_124 = arith.constant 50 : i32
        %lt3A_125 = arith.cmpi slt, %add3A_123, %lt3A_124 : i32
        %convert_element_type3A_126 = arith.extui %lt3A_125 : i1 to i32
        %cond3A_127 = arith.constant 0 : i32
        %cond3A_128 = arith.cmpi ne, %convert_element_type3A_126, %cond3A_127 : i32
        scf.if %cond3A_128 {
          %add3A_138 = arith.constant 3 : i32
          %add3A_139 = arith.addi %mul3A_63, %add3A_138 : i32
          %dma_start3A_140 = arith.constant 0 : i32
          %dma_start3A_141 = tpu.memref_slice %arg7[%add3A_139, %dma_start3A_140] : memref<50x80xi32, #tpu.memory_space<vmem>> -> memref<1x80xi32, #tpu.memory_space<vmem>>
          %dma_start3A_142 = tpu.memref_squeeze %dma_start3A_141 : memref<1x80xi32, #tpu.memory_space<vmem>> -> memref<80xi32, #tpu.memory_space<vmem>>
          %dma_start3A_143 = arith.constant 0 : i32
          %dma_start3A_144 = arith.constant 0 : i32
          %dma_start3A_145 = tpu.memref_slice %arg2[%arg0, %dma_start3A_143, %dma_start3A_144] : memref<2x10000x64xf32, #tpu.memory_space<hbm>> -> memref<1x10000x64xf32, #tpu.memory_space<hbm>>
          %dma_start3A_146 = tpu.memref_squeeze %dma_start3A_145 : memref<1x10000x64xf32, #tpu.memory_space<hbm>> -> memref<10000x64xf32, #tpu.memory_space<hbm>>
          %dma_start3A_147 = arith.constant 0 : i32
          %dma_start3A_148 = arith.constant 0 : i32
          %dma_start3A_149 = tpu.memref_slice %dma_start3A_146[%dma_start3A_147, %dma_start3A_148] : memref<10000x64xf32, #tpu.memory_space<hbm>> -> memref<10000x64xf32, #tpu.memory_space<hbm>>
          tpu.enqueue_indirect_dma source(%dma_start3A_149 : memref<10000x64xf32, #tpu.memory_space<hbm>>) target(%arg11 : memref<80x64xf32, #tpu.memory_space<vmem>>) offsets(%dma_start3A_142 : memref<80xi32, #tpu.memory_space<vmem>>) semaphore(%arg16 : memref<!tpu.dma_semaphore, #tpu.memory_space<semaphore_mem>>)
        } else {
        }
        %add3A_129 = arith.constant 1 : i32
        %add3A_130 = arith.addi %mul3A_63, %add3A_129 : i32
        %dma_start3A_131 = arith.constant 0 : i32
        %dma_start3A_132 = tpu.memref_slice %arg8[%add3A_130, %dma_start3A_131] : memref<50x80xi32, #tpu.memory_space<vmem>> -> memref<1x80xi32, #tpu.memory_space<vmem>>
        %dma_start3A_133 = tpu.memref_squeeze %dma_start3A_132 : memref<1x80xi32, #tpu.memory_space<vmem>> -> memref<80xi32, #tpu.memory_space<vmem>>
        %dma_start3A_134 = arith.constant 0 : i32
        %dma_start3A_135 = arith.constant 0 : i32
        %dma_start3A_136 = tpu.memref_slice %arg14[%dma_start3A_134, %dma_start3A_135] : memref<10000x64xf32, #tpu.memory_space<vmem_shared>> -> memref<10000x64xf32, #tpu.memory_space<vmem_shared>>
        tpu.enqueue_indirect_dma source(%arg13 : memref<80x64xf32, #tpu.memory_space<vmem>>) target(%dma_start3A_136 : memref<10000x64xf32, #tpu.memory_space<vmem_shared>>) offsets(%dma_start3A_133 : memref<80xi32, #tpu.memory_space<vmem>>) semaphore(%arg18 : memref<!tpu.dma_semaphore, #tpu.memory_space<semaphore_mem>>) {add = true}
        %scan3A_137 = arith.constant 0 : i32
        scf.yield %scan3A_137 : i32
      }
      %scan3A_45 = arith.constant 25 : i32
      %dma_wait3A = arith.constant 0 : i32
      %dma_wait3A_46 = arith.constant 0 : i32
      %dma_wait3A_47 = tpu.memref_slice %arg8[%dma_wait3A, %dma_wait3A_46] : memref<50x80xi32, #tpu.memory_space<vmem>> -> memref<1x80xi32, #tpu.memory_space<vmem>>
      %dma_wait3A_48 = tpu.memref_squeeze %dma_wait3A_47 : memref<1x80xi32, #tpu.memory_space<vmem>> -> memref<80xi32, #tpu.memory_space<vmem>>
      %dma_wait3A_49 = arith.constant 0 : i32
      %dma_wait3A_50 = arith.constant 0 : i32
      %dma_wait3A_51 = tpu.memref_slice %arg14[%dma_wait3A_49, %dma_wait3A_50] : memref<10000x64xf32, #tpu.memory_space<vmem_shared>> -> memref<10000x64xf32, #tpu.memory_space<vmem_shared>>
      tpu.wait_indirect_dma semaphore(%arg17 : memref<!tpu.dma_semaphore, #tpu.memory_space<semaphore_mem>>) src(%arg12 : memref<80x64xf32, #tpu.memory_space<vmem>>) dst(%dma_wait3A_51 : memref<10000x64xf32, #tpu.memory_space<vmem_shared>>)
      %dma_wait3A_52 = arith.constant 0 : i32
      %dma_wait3A_53 = arith.constant 0 : i32
      %dma_wait3A_54 = tpu.memref_slice %arg8[%dma_wait3A_52, %dma_wait3A_53] : memref<50x80xi32, #tpu.memory_space<vmem>> -> memref<1x80xi32, #tpu.memory_space<vmem>>
      %dma_wait3A_55 = tpu.memref_squeeze %dma_wait3A_54 : memref<1x80xi32, #tpu.memory_space<vmem>> -> memref<80xi32, #tpu.memory_space<vmem>>
      %dma_wait3A_56 = arith.constant 0 : i32
      %dma_wait3A_57 = arith.constant 0 : i32
      %dma_wait3A_58 = tpu.memref_slice %arg14[%dma_wait3A_56, %dma_wait3A_57] : memref<10000x64xf32, #tpu.memory_space<vmem_shared>> -> memref<10000x64xf32, #tpu.memory_space<vmem_shared>>
      tpu.wait_indirect_dma semaphore(%arg18 : memref<!tpu.dma_semaphore, #tpu.memory_space<semaphore_mem>>) src(%arg13 : memref<80x64xf32, #tpu.memory_space<vmem>>) dst(%dma_wait3A_58 : memref<10000x64xf32, #tpu.memory_space<vmem_shared>>)
      %scan3A_59 = arith.constant 0 : i32
      scf.yield %scan3A_59 : i32
    }
    %scan3A_8 = arith.constant 5 : i32
    %barrier3A_9 = arith.constant 0 : index
    tpu.barrier barrier_id(%barrier3A_9)
    "tpu.region"() ({
      %run_scoped3A = tpu.sem_alloc : memref<!tpu.dma_semaphore, #tpu.memory_space<semaphore_mem>>
      %dma_start3A = arith.constant 0 : i32
      %dma_start3A_15 = arith.constant 0 : i32
      %dma_start3A_16 = tpu.memref_slice %arg6[%arg0, %dma_start3A, %dma_start3A_15] : memref<2x10000x64xf32, #tpu.memory_space<hbm>> -> memref<1x10000x64xf32, #tpu.memory_space<hbm>>
      %dma_start3A_17 = tpu.memref_squeeze %dma_start3A_16 : memref<1x10000x64xf32, #tpu.memory_space<hbm>> -> memref<10000x64xf32, #tpu.memory_space<hbm>>
      %dma_start3A_18 = arith.constant 0 : i32
      %dma_start3A_19 = tpu.memref_slice %dma_start3A_17[%mul3A_0, %dma_start3A_18] : memref<10000x64xf32, #tpu.memory_space<hbm>> -> memref<624x64xf32, #tpu.memory_space<hbm>>
      %dma_start3A_20 = arith.constant 0 : i32
      %dma_start3A_21 = tpu.memref_slice %arg14[%mul3A_0, %dma_start3A_20] : memref<10000x64xf32, #tpu.memory_space<vmem_shared>> -> memref<624x64xf32, #tpu.memory_space<vmem_shared>>
      tpu.enqueue_dma source(%dma_start3A_21 : memref<624x64xf32, #tpu.memory_space<vmem_shared>>) target(%dma_start3A_19 : memref<624x64xf32, #tpu.memory_space<hbm>>) target_semaphore(%run_scoped3A : memref<!tpu.dma_semaphore, #tpu.memory_space<semaphore_mem>>)
      %dma_wait3A = arith.constant 0 : i32
      %dma_wait3A_22 = arith.constant 0 : i32
      %dma_wait3A_23 = tpu.memref_slice %arg6[%arg0, %dma_wait3A, %dma_wait3A_22] : memref<2x10000x64xf32, #tpu.memory_space<hbm>> -> memref<1x10000x64xf32, #tpu.memory_space<hbm>>
      %dma_wait3A_24 = tpu.memref_squeeze %dma_wait3A_23 : memref<1x10000x64xf32, #tpu.memory_space<hbm>> -> memref<10000x64xf32, #tpu.memory_space<hbm>>
      %dma_wait3A_25 = arith.constant 0 : i32
      %dma_wait3A_26 = tpu.memref_slice %dma_wait3A_24[%mul3A_0, %dma_wait3A_25] : memref<10000x64xf32, #tpu.memory_space<hbm>> -> memref<624x64xf32, #tpu.memory_space<hbm>>
      %dma_wait3A_27 = arith.constant 0 : i32
      %dma_wait3A_28 = tpu.memref_slice %arg14[%mul3A_0, %dma_wait3A_27] : memref<10000x64xf32, #tpu.memory_space<vmem_shared>> -> memref<624x64xf32, #tpu.memory_space<vmem_shared>>
      tpu.wait_dma2 semaphore(%run_scoped3A : memref<!tpu.dma_semaphore, #tpu.memory_space<semaphore_mem>>) src(%dma_wait3A_28 : memref<624x64xf32, #tpu.memory_space<vmem_shared>>) dst(%dma_wait3A_26 : memref<624x64xf32, #tpu.memory_space<hbm>>)
      tpu.yield
    }) : () -> ()
    %eq3A_10 = arith.constant 15 : i32
    %eq3A_11 = arith.cmpi eq, %arg1, %eq3A_10 : i32
    %convert_element_type3A_12 = arith.extui %eq3A_11 : i1 to i32
    %cond3A_13 = arith.constant 0 : i32
    %cond3A_14 = arith.cmpi ne, %convert_element_type3A_12, %cond3A_13 : i32
    scf.if %cond3A_14 {
      "tpu.region"() ({
        %run_scoped3A = tpu.sem_alloc : memref<!tpu.dma_semaphore, #tpu.memory_space<semaphore_mem>>
        %dma_start3A = arith.constant 0 : i32
        %dma_start3A_15 = arith.constant 0 : i32
        %dma_start3A_16 = tpu.memref_slice %arg6[%arg0, %dma_start3A, %dma_start3A_15] : memref<2x10000x64xf32, #tpu.memory_space<hbm>> -> memref<1x10000x64xf32, #tpu.memory_space<hbm>>
        %dma_start3A_17 = tpu.memref_squeeze %dma_start3A_16 : memref<1x10000x64xf32, #tpu.memory_space<hbm>> -> memref<10000x64xf32, #tpu.memory_space<hbm>>
        %dma_start3A_18 = arith.constant 9984 : i32
        %dma_start3A_19 = arith.constant 0 : i32
        %dma_start3A_20 = tpu.memref_slice %dma_start3A_17[%dma_start3A_18, %dma_start3A_19] : memref<10000x64xf32, #tpu.memory_space<hbm>> -> memref<16x64xf32, #tpu.memory_space<hbm>>
        %dma_start3A_21 = arith.constant 9984 : i32
        %dma_start3A_22 = arith.constant 0 : i32
        %dma_start3A_23 = tpu.memref_slice %arg14[%dma_start3A_21, %dma_start3A_22] : memref<10000x64xf32, #tpu.memory_space<vmem_shared>> -> memref<16x64xf32, #tpu.memory_space<vmem_shared>>
        tpu.enqueue_dma source(%dma_start3A_23 : memref<16x64xf32, #tpu.memory_space<vmem_shared>>) target(%dma_start3A_20 : memref<16x64xf32, #tpu.memory_space<hbm>>) target_semaphore(%run_scoped3A : memref<!tpu.dma_semaphore, #tpu.memory_space<semaphore_mem>>)
        %dma_wait3A = arith.constant 0 : i32
        %dma_wait3A_24 = arith.constant 0 : i32
        %dma_wait3A_25 = tpu.memref_slice %arg6[%arg0, %dma_wait3A, %dma_wait3A_24] : memref<2x10000x64xf32, #tpu.memory_space<hbm>> -> memref<1x10000x64xf32, #tpu.memory_space<hbm>>
        %dma_wait3A_26 = tpu.memref_squeeze %dma_wait3A_25 : memref<1x10000x64xf32, #tpu.memory_space<hbm>> -> memref<10000x64xf32, #tpu.memory_space<hbm>>
        %dma_wait3A_27 = arith.constant 9984 : i32
        %dma_wait3A_28 = arith.constant 0 : i32
        %dma_wait3A_29 = tpu.memref_slice %dma_wait3A_26[%dma_wait3A_27, %dma_wait3A_28] : memref<10000x64xf32, #tpu.memory_space<hbm>> -> memref<16x64xf32, #tpu.memory_space<hbm>>
        %dma_wait3A_30 = arith.constant 9984 : i32
        %dma_wait3A_31 = arith.constant 0 : i32
        %dma_wait3A_32 = tpu.memref_slice %arg14[%dma_wait3A_30, %dma_wait3A_31] : memref<10000x64xf32, #tpu.memory_space<vmem_shared>> -> memref<16x64xf32, #tpu.memory_space<vmem_shared>>
        tpu.wait_dma2 semaphore(%run_scoped3A : memref<!tpu.dma_semaphore, #tpu.memory_space<semaphore_mem>>) src(%dma_wait3A_32 : memref<16x64xf32, #tpu.memory_space<vmem_shared>>) dst(%dma_wait3A_29 : memref<16x64xf32, #tpu.memory_space<hbm>>)
        tpu.yield
      }) : () -> ()
    } else {
    }
    return
  }
}

module attributes {stable_mosaic.version = 14 : i64} {
  func.func @_mm_bias_body(%arg0: i32, %arg1: memref<1000x128xf32, #tpu.memory_space<vmem>>, %arg2: memref<128x128xf32, #tpu.memory_space<vmem>>, %arg3: memref<1x128xf32, #tpu.memory_space<vmem>>, %arg4: memref<2x1000x64xf32, #tpu.memory_space<vmem>>) attributes {dimension_semantics = [#tpu.dimension_semantics<arbitrary>], iteration_bounds = array<i64: 10>, scalar_prefetch = 0 : i64, scratch_operands = 0 : i64, tpu.core_type = #tpu.core_type<tc>, window_params = [{transform_indices = @transform_0, window_bounds = array<i64: 1000, 128>}, {pipeline_mode = #tpu.pipeline_mode<synchronous>, transform_indices = @transform_1, window_bounds = array<i64: 128, 128>}, {pipeline_mode = #tpu.pipeline_mode<synchronous>, transform_indices = @transform_2, window_bounds = array<i64: 1, 128>}, {transform_indices = @transform_3, window_bounds = array<i64: 2, 1000, 64>}]} {
    %get3A = arith.constant 0 : index
    %get3A_0 = arith.constant 0 : index
    %get3A_1 = vector.load %arg1[%get3A, %get3A_0] : memref<1000x128xf32, #tpu.memory_space<vmem>>, vector<1000x128xf32>
    %convert_element_type3A = arith.truncf %get3A_1 : vector<1000x128xf32> to vector<1000x128xbf16>
    %get3A_2 = arith.constant 0 : index
    %get3A_3 = arith.constant 0 : index
    %get3A_4 = vector.load %arg2[%get3A_2, %get3A_3] : memref<128x128xf32, #tpu.memory_space<vmem>>, vector<128x128xf32>
    %convert_element_type3A_5 = arith.truncf %get3A_4 : vector<128x128xf32> to vector<128x128xbf16>
    %dot_general3A = arith.constant dense<0.000000e+00> : vector<1000x128xf32>
    %dot_general3A_6 = tpu.matmul %convert_element_type3A, %convert_element_type3A_5, %dot_general3A {dimension_numbers = #tpu.dot_dimension_numbers<[1], [0], [0], [1], [0, 0, 1, 1], [], []>, transpose_lhs_hint = false} : vector<1000x128xbf16>, vector<128x128xbf16>, vector<1000x128xf32> -> vector<1000x128xf32>
    %get3A_7 = arith.constant 0 : index
    %get3A_8 = arith.constant 0 : index
    %get3A_9 = vector.load %arg3[%get3A_7, %get3A_8] : memref<1x128xf32, #tpu.memory_space<vmem>>, vector<1x128xf32>
    %add3A = vector.broadcast %get3A_9 : vector<1x128xf32> to vector<1000x128xf32>
    %add3A_10 = arith.addf %dot_general3A_6, %add3A : vector<1000x128xf32>
    %slice3A = vector.extract_strided_slice %add3A_10 {offsets = [0, 0], sizes = [1000, 64], strides = [1, 1]} : vector<1000x128xf32> to vector<1000x64xf32>
    %swap3A = arith.constant 0 : index
    %swap3A_11 = arith.constant 0 : index
    %swap3A_12 = arith.constant 0 : index
    %swap3A_13 = vector.load %arg4[%swap3A, %swap3A_11, %swap3A_12] : memref<2x1000x64xf32, #tpu.memory_space<vmem>>, vector<1x1000x64xf32>
    %swap3A_14 = vector.shape_cast %swap3A_13 : vector<1x1000x64xf32> to vector<1000x64xf32>
    %swap3A_15 = vector.shape_cast %slice3A : vector<1000x64xf32> to vector<1x1000x64xf32>
    tpu.vector_store %arg4[%swap3A, %swap3A_11, %swap3A_12], %swap3A_15 {strides = array<i32>} : memref<2x1000x64xf32, #tpu.memory_space<vmem>>, vector<1x1000x64xf32>,
    %slice3A_16 = vector.extract_strided_slice %add3A_10 {offsets = [0, 64], sizes = [1000, 64], strides = [1, 1]} : vector<1000x128xf32> to vector<1000x64xf32>
    %swap3A_17 = arith.constant 1 : index
    %swap3A_18 = arith.constant 0 : index
    %swap3A_19 = arith.constant 0 : index
    %swap3A_20 = vector.load %arg4[%swap3A_17, %swap3A_18, %swap3A_19] : memref<2x1000x64xf32, #tpu.memory_space<vmem>>, vector<1x1000x64xf32>
    %swap3A_21 = vector.shape_cast %swap3A_20 : vector<1x1000x64xf32> to vector<1000x64xf32>
    %swap3A_22 = vector.shape_cast %slice3A_16 : vector<1000x64xf32> to vector<1x1000x64xf32>
    tpu.vector_store %arg4[%swap3A_17, %swap3A_18, %swap3A_19], %swap3A_22 {strides = array<i32>} : memref<2x1000x64xf32, #tpu.memory_space<vmem>>, vector<1x1000x64xf32>,
    return
  }
  func.func @transform_0(%arg0: i32) -> (i32, i32) {
    %c0_i32 = arith.constant 0 : i32
    %c0_i32_0 = arith.constant 0 : i32
    return %arg0, %c0_i32 : i32, i32
  }
  func.func @transform_1(%arg0: i32) -> (i32, i32) {
    %c0_i32 = arith.constant 0 : i32
    %c0_i32_0 = arith.constant 0 : i32
    %c0_i32_1 = arith.constant 0 : i32
    return %c0_i32, %c0_i32_0 : i32, i32
  }
  func.func @transform_2(%arg0: i32) -> (i32, i32) {
    %c0_i32 = arith.constant 0 : i32
    %c0_i32_0 = arith.constant 0 : i32
    %c0_i32_1 = arith.constant 0 : i32
    return %c0_i32, %c0_i32_0 : i32, i32
  }
  func.func @transform_3(%arg0: i32) -> (i32, i32, i32) {
    %c0_i32 = arith.constant 0 : i32
    %c0_i32_0 = arith.constant 0 : i32
    %c0_i32_1 = arith.constant 0 : i32
    return %c0_i32, %arg0, %c0_i32_0 : i32, i32, i32
  }
}

module attributes {stable_mosaic.version = 14 : i64} {
  func.func @_head_body(%arg0: i32, %arg1: i32, %arg2: memref<2x1000x64xf32, #tpu.memory_space<vmem>>, %arg3: memref<1x128xf32, #tpu.memory_space<vmem>>, %arg4: memref<1x128xf32, #tpu.memory_space<vmem>>, %arg5: memref<128x256xf32, #tpu.memory_space<vmem>>, %arg6: memref<1x256xf32, #tpu.memory_space<vmem>>, %arg7: memref<1x256xf32, #tpu.memory_space<vmem>>, %arg8: memref<1x256xf32, #tpu.memory_space<vmem>>, %arg9: memref<256x64xf32, #tpu.memory_space<vmem>>, %arg10: memref<1x64xf32, #tpu.memory_space<vmem>>, %arg11: memref<256x64xf32, #tpu.memory_space<vmem>>, %arg12: memref<1x64xf32, #tpu.memory_space<vmem>>, %arg13: memref<1000x64xf32, #tpu.memory_space<vmem>>, %arg14: memref<1000x64xf32, #tpu.memory_space<vmem>>, %arg15: memref<10000x128xf32, #tpu.memory_space<vmem>>, %arg16: memref<10000x256xf32, #tpu.memory_space<vmem>>, %arg17: memref<2x128xf32, #tpu.memory_space<vmem>>, %arg18: memref<2x256xf32, #tpu.memory_space<vmem>>) attributes {dimension_semantics = [#tpu.dimension_semantics<arbitrary>, #tpu.dimension_semantics<arbitrary>], iteration_bounds = array<i64: 3, 10>, scalar_prefetch = 0 : i64, scratch_operands = 4 : i64, tpu.core_type = #tpu.core_type<tc>, window_params = [{transform_indices = @transform_0, window_bounds = array<i64: 2, 1000, 64>}, {pipeline_mode = #tpu.pipeline_mode<synchronous>, transform_indices = @transform_1, window_bounds = array<i64: 1, 128>}, {pipeline_mode = #tpu.pipeline_mode<synchronous>, transform_indices = @transform_2, window_bounds = array<i64: 1, 128>}, {pipeline_mode = #tpu.pipeline_mode<synchronous>, transform_indices = @transform_3, window_bounds = array<i64: 128, 256>}, {pipeline_mode = #tpu.pipeline_mode<synchronous>, transform_indices = @transform_4, window_bounds = array<i64: 1, 256>}, {pipeline_mode = #tpu.pipeline_mode<synchronous>, transform_indices = @transform_5, window_bounds = array<i64: 1, 256>}, {pipeline_mode = #tpu.pipeline_mode<synchronous>, transform_indices = @transform_6, window_bounds = array<i64: 1, 256>}, {pipeline_mode = #tpu.pipeline_mode<synchronous>, transform_indices = @transform_7, window_bounds = array<i64: 256, 64>}, {pipeline_mode = #tpu.pipeline_mode<synchronous>, transform_indices = @transform_8, window_bounds = array<i64: 1, 64>}, {pipeline_mode = #tpu.pipeline_mode<synchronous>, transform_indices = @transform_9, window_bounds = array<i64: 256, 64>}, {pipeline_mode = #tpu.pipeline_mode<synchronous>, transform_indices = @transform_10, window_bounds = array<i64: 1, 64>}, {transform_indices = @transform_11, window_bounds = array<i64: 1000, 64>}, {transform_indices = @transform_12, window_bounds = array<i64: 1000, 64>}]} {
    %mul3A = arith.constant 1000 : i32
    %mul3A_0 = arith.muli %arg1, %mul3A : i32
    %eq3A = arith.constant 0 : i32
    %eq3A_1 = arith.cmpi eq, %arg0, %eq3A : i32
    %convert_element_type3A = arith.extui %eq3A_1 : i1 to i32
    %cond3A = arith.constant 0 : i32
    %cond3A_2 = arith.cmpi ne, %convert_element_type3A, %cond3A : i32
    scf.if %cond3A_2 {
      %get3A = arith.constant 0 : index
      %get3A_13 = arith.constant 0 : index
      %get3A_14 = arith.constant 0 : index
      %get3A_15 = vector.load %arg2[%get3A, %get3A_13, %get3A_14] : memref<2x1000x64xf32, #tpu.memory_space<vmem>>, vector<1x1000x64xf32>
      %get3A_16 = vector.shape_cast %get3A_15 : vector<1x1000x64xf32> to vector<1000x64xf32>
      %get3A_17 = arith.constant 1 : index
      %get3A_18 = arith.constant 0 : index
      %get3A_19 = arith.constant 0 : index
      %get3A_20 = vector.load %arg2[%get3A_17, %get3A_18, %get3A_19] : memref<2x1000x64xf32, #tpu.memory_space<vmem>>, vector<1x1000x64xf32>
      %get3A_21 = vector.shape_cast %get3A_20 : vector<1x1000x64xf32> to vector<1000x64xf32>
      %concatenate3A = tpu.concatenate %get3A_16, %get3A_21 in 1 : vector<1000x64xf32>, vector<1000x64xf32> -> vector<1000x128xf32>
      %swap3A = arith.index_cast %mul3A_0 : i32 to index
      %swap3A_22 = arith.constant 0 : index
      %swap3A_23 = vector.load %arg15[%swap3A, %swap3A_22] : memref<10000x128xf32, #tpu.memory_space<vmem>>, vector<1000x128xf32>
      tpu.vector_store %arg15[%swap3A, %swap3A_22], %concatenate3A {strides = array<i32>} : memref<10000x128xf32, #tpu.memory_space<vmem>>, vector<1000x128xf32>,
      %reduce_sum3A = arith.constant dense<0.000000e+00> : vector<128xf32>
      %reduce_sum3A_24 = vector.multi_reduction <add>, %concatenate3A, %reduce_sum3A [0] : vector<1000x128xf32> to vector<128xf32>
      %broadcast_in_dim3A = vector.shape_cast %reduce_sum3A_24 : vector<128xf32> to vector<1x128xf32>
      %mul3A_25 = arith.mulf %concatenate3A, %concatenate3A : vector<1000x128xf32>
      %reduce_sum3A_26 = arith.constant dense<0.000000e+00> : vector<128xf32>
      %reduce_sum3A_27 = vector.multi_reduction <add>, %mul3A_25, %reduce_sum3A_26 [0] : vector<1000x128xf32> to vector<128xf32>
      %broadcast_in_dim3A_28 = vector.shape_cast %reduce_sum3A_27 : vector<128xf32> to vector<1x128xf32>
      %concatenate3A_29 = tpu.concatenate %broadcast_in_dim3A, %broadcast_in_dim3A_28 in 0 : vector<1x128xf32>, vector<1x128xf32> -> vector<2x128xf32>
      %eq3A_30 = arith.constant 0 : i32
      %eq3A_31 = arith.cmpi eq, %arg1, %eq3A_30 : i32
      %convert_element_type3A_32 = arith.extui %eq3A_31 : i1 to i32
      %cond3A_33 = arith.constant 0 : i32
      %cond3A_34 = arith.cmpi ne, %convert_element_type3A_32, %cond3A_33 : i32
      scf.if %cond3A_34 {
        %swap3A_39 = arith.constant 0 : index
        %swap3A_40 = arith.constant 0 : index
        %swap3A_41 = vector.load %arg17[%swap3A_39, %swap3A_40] : memref<2x128xf32, #tpu.memory_space<vmem>>, vector<2x128xf32>
        tpu.vector_store %arg17[%swap3A_39, %swap3A_40], %concatenate3A_29 {strides = array<i32>} : memref<2x128xf32, #tpu.memory_space<vmem>>, vector<2x128xf32>,
      } else {
      }
      %ne3A = arith.constant 0 : i32
      %ne3A_35 = arith.cmpi ne, %arg1, %ne3A : i32
      %convert_element_type3A_36 = arith.extui %ne3A_35 : i1 to i32
      %cond3A_37 = arith.constant 0 : i32
      %cond3A_38 = arith.cmpi ne, %convert_element_type3A_36, %cond3A_37 : i32
      scf.if %cond3A_38 {
        %get3A_39 = arith.constant 0 : index
        %get3A_40 = arith.constant 0 : index
        %get3A_41 = vector.load %arg17[%get3A_39, %get3A_40] : memref<2x128xf32, #tpu.memory_space<vmem>>, vector<2x128xf32>
        %add3A = arith.addf %get3A_41, %concatenate3A_29 : vector<2x128xf32>
        %swap3A_42 = arith.constant 0 : index
        %swap3A_43 = arith.constant 0 : index
        %swap3A_44 = vector.load %arg17[%swap3A_42, %swap3A_43] : memref<2x128xf32, #tpu.memory_space<vmem>>, vector<2x128xf32>
        tpu.vector_store %arg17[%swap3A_42, %swap3A_43], %add3A {strides = array<i32>} : memref<2x128xf32, #tpu.memory_space<vmem>>, vector<2x128xf32>,
      } else {
      }
    } else {
    }
    %eq3A_3 = arith.constant 1 : i32
    %eq3A_4 = arith.cmpi eq, %arg0, %eq3A_3 : i32
    %convert_element_type3A_5 = arith.extui %eq3A_4 : i1 to i32
    %cond3A_6 = arith.constant 0 : i32
    %cond3A_7 = arith.cmpi ne, %convert_element_type3A_5, %cond3A_6 : i32
    scf.if %cond3A_7 {
      %get3A = arith.constant 0 : index
      %get3A_13 = arith.constant 0 : index
      %get3A_14 = vector.load %arg17[%get3A, %get3A_13] : memref<2x128xf32, #tpu.memory_space<vmem>>, vector<2x128xf32>
      %slice3A = vector.extract_strided_slice %get3A_14 {offsets = [0, 0], sizes = [1, 128], strides = [1, 1]} : vector<2x128xf32> to vector<1x128xf32>
      %mul3A_15 = arith.constant 9.99999974E-5 : f32
      %mul3A_16 = vector.broadcast %mul3A_15 : f32 to vector<1x128xf32>
      %mul3A_17 = arith.mulf %slice3A, %mul3A_16 : vector<1x128xf32>
      %slice3A_18 = vector.extract_strided_slice %get3A_14 {offsets = [1, 0], sizes = [1, 128], strides = [1, 1]} : vector<2x128xf32> to vector<1x128xf32>
      %mul3A_19 = arith.constant 9.99999974E-5 : f32
      %mul3A_20 = vector.broadcast %mul3A_19 : f32 to vector<1x128xf32>
      %mul3A_21 = arith.mulf %slice3A_18, %mul3A_20 : vector<1x128xf32>
      %mul3A_22 = arith.mulf %mul3A_17, %mul3A_17 : vector<1x128xf32>
      %sub3A = arith.subf %mul3A_21, %mul3A_22 : vector<1x128xf32>
      %add3A = arith.constant 9.99999974E-6 : f32
      %add3A_23 = vector.broadcast %add3A : f32 to vector<1x128xf32>
      %add3A_24 = arith.addf %sub3A, %add3A_23 : vector<1x128xf32>
      %rsqrt3A = math.rsqrt %add3A_24 : vector<1x128xf32>
      %get3A_25 = arith.index_cast %mul3A_0 : i32 to index
      %get3A_26 = arith.constant 0 : index
      %get3A_27 = vector.load %arg15[%get3A_25, %get3A_26] : memref<10000x128xf32, #tpu.memory_space<vmem>>, vector<1000x128xf32>
      %sub3A_28 = vector.broadcast %mul3A_17 : vector<1x128xf32> to vector<1000x128xf32>
      %sub3A_29 = arith.subf %get3A_27, %sub3A_28 : vector<1000x128xf32>
      %mul3A_30 = vector.broadcast %rsqrt3A : vector<1x128xf32> to vector<1000x128xf32>
      %mul3A_31 = arith.mulf %sub3A_29, %mul3A_30 : vector<1000x128xf32>
      %get3A_32 = arith.constant 0 : index
      %get3A_33 = arith.constant 0 : index
      %get3A_34 = vector.load %arg3[%get3A_32, %get3A_33] : memref<1x128xf32, #tpu.memory_space<vmem>>, vector<1x128xf32>
      %mul3A_35 = vector.broadcast %get3A_34 : vector<1x128xf32> to vector<1000x128xf32>
      %mul3A_36 = arith.mulf %mul3A_31, %mul3A_35 : vector<1000x128xf32>
      %get3A_37 = arith.constant 0 : index
      %get3A_38 = arith.constant 0 : index
      %get3A_39 = vector.load %arg4[%get3A_37, %get3A_38] : memref<1x128xf32, #tpu.memory_space<vmem>>, vector<1x128xf32>
      %add3A_40 = vector.broadcast %get3A_39 : vector<1x128xf32> to vector<1000x128xf32>
      %add3A_41 = arith.addf %mul3A_36, %add3A_40 : vector<1000x128xf32>
      %custom_jvp_call3A = arith.constant 0.000000e+00 : f32
      %max3A = vector.broadcast %custom_jvp_call3A : f32 to vector<1000x128xf32>
      %max3A_42 = arith.maximumf %add3A_41, %max3A : vector<1000x128xf32>
      %sub3A_43 = vector.broadcast %custom_jvp_call3A : f32 to vector<1000x128xf32>
      %sub3A_44 = arith.subf %add3A_41, %sub3A_43 : vector<1000x128xf32>
      %ne3A = arith.cmpf one, %sub3A_44, %sub3A_44 : vector<1000x128xf32>
      %add3A_45 = vector.broadcast %custom_jvp_call3A : f32 to vector<1000x128xf32>
      %add3A_46 = arith.addf %add3A_41, %add3A_45 : vector<1000x128xf32>
      %abs3A = math.absf %sub3A_44 : vector<1000x128xf32>
      %neg3A = arith.constant 0.000000e+00 : f32
      %neg3A_47 = vector.broadcast %neg3A : f32 to vector<1000x128xf32>
      %neg3A_48 = arith.subf %neg3A_47, %abs3A : vector<1000x128xf32>
      %exp3A = math.exp %neg3A_48 : vector<1000x128xf32>
      %log1p3A = math.log1p %exp3A : vector<1000x128xf32>
      %add3A_49 = arith.addf %max3A_42, %log1p3A : vector<1000x128xf32>
      %select_n3A = arith.select %ne3A, %add3A_46, %add3A_49 : vector<1000x128xi1>, vector<1000x128xf32>
      %convert_element_type3A_50 = arith.truncf %select_n3A : vector<1000x128xf32> to vector<1000x128xbf16>
      %get3A_51 = arith.constant 0 : index
      %get3A_52 = arith.constant 0 : index
      %get3A_53 = vector.load %arg5[%get3A_51, %get3A_52] : memref<128x256xf32, #tpu.memory_space<vmem>>, vector<128x256xf32>
      %convert_element_type3A_54 = arith.truncf %get3A_53 : vector<128x256xf32> to vector<128x256xbf16>
      %dot_general3A = arith.constant dense<0.000000e+00> : vector<1000x256xf32>
      %dot_general3A_55 = tpu.matmul %convert_element_type3A_50, %convert_element_type3A_54, %dot_general3A {dimension_numbers = #tpu.dot_dimension_numbers<[1], [0], [0], [1], [0, 0, 1, 1], [], []>, transpose_lhs_hint = false} : vector<1000x128xbf16>, vector<128x256xbf16>, vector<1000x256xf32> -> vector<1000x256xf32>
      %get3A_56 = arith.constant 0 : index
      %get3A_57 = arith.constant 0 : index
      %get3A_58 = vector.load %arg6[%get3A_56, %get3A_57] : memref<1x256xf32, #tpu.memory_space<vmem>>, vector<1x256xf32>
      %add3A_59 = vector.broadcast %get3A_58 : vector<1x256xf32> to vector<1000x256xf32>
      %add3A_60 = arith.addf %dot_general3A_55, %add3A_59 : vector<1000x256xf32>
      %swap3A = arith.index_cast %mul3A_0 : i32 to index
      %swap3A_61 = arith.constant 0 : index
      %swap3A_62 = vector.load %arg16[%swap3A, %swap3A_61] : memref<10000x256xf32, #tpu.memory_space<vmem>>, vector<1000x256xf32>
      tpu.vector_store %arg16[%swap3A, %swap3A_61], %add3A_60 {strides = array<i32>} : memref<10000x256xf32, #tpu.memory_space<vmem>>, vector<1000x256xf32>,
      %reduce_sum3A = arith.constant dense<0.000000e+00> : vector<256xf32>
      %reduce_sum3A_63 = vector.multi_reduction <add>, %add3A_60, %reduce_sum3A [0] : vector<1000x256xf32> to vector<256xf32>
      %broadcast_in_dim3A = vector.shape_cast %reduce_sum3A_63 : vector<256xf32> to vector<1x256xf32>
      %mul3A_64 = arith.mulf %add3A_60, %add3A_60 : vector<1000x256xf32>
      %reduce_sum3A_65 = arith.constant dense<0.000000e+00> : vector<256xf32>
      %reduce_sum3A_66 = vector.multi_reduction <add>, %mul3A_64, %reduce_sum3A_65 [0] : vector<1000x256xf32> to vector<256xf32>
      %broadcast_in_dim3A_67 = vector.shape_cast %reduce_sum3A_66 : vector<256xf32> to vector<1x256xf32>
      %concatenate3A = tpu.concatenate %broadcast_in_dim3A, %broadcast_in_dim3A_67 in 0 : vector<1x256xf32>, vector<1x256xf32> -> vector<2x256xf32>
      %eq3A_68 = arith.constant 0 : i32
      %eq3A_69 = arith.cmpi eq, %arg1, %eq3A_68 : i32
      %convert_element_type3A_70 = arith.extui %eq3A_69 : i1 to i32
      %cond3A_71 = arith.constant 0 : i32
      %cond3A_72 = arith.cmpi ne, %convert_element_type3A_70, %cond3A_71 : i32
      scf.if %cond3A_72 {
        %swap3A_78 = arith.constant 0 : index
        %swap3A_79 = arith.constant 0 : index
        %swap3A_80 = vector.load %arg18[%swap3A_78, %swap3A_79] : memref<2x256xf32, #tpu.memory_space<vmem>>, vector<2x256xf32>
        tpu.vector_store %arg18[%swap3A_78, %swap3A_79], %concatenate3A {strides = array<i32>} : memref<2x256xf32, #tpu.memory_space<vmem>>, vector<2x256xf32>,
      } else {
      }
      %ne3A_73 = arith.constant 0 : i32
      %ne3A_74 = arith.cmpi ne, %arg1, %ne3A_73 : i32
      %convert_element_type3A_75 = arith.extui %ne3A_74 : i1 to i32
      %cond3A_76 = arith.constant 0 : i32
      %cond3A_77 = arith.cmpi ne, %convert_element_type3A_75, %cond3A_76 : i32
      scf.if %cond3A_77 {
        %get3A_78 = arith.constant 0 : index
        %get3A_79 = arith.constant 0 : index
        %get3A_80 = vector.load %arg18[%get3A_78, %get3A_79] : memref<2x256xf32, #tpu.memory_space<vmem>>, vector<2x256xf32>
        %add3A_81 = arith.addf %get3A_80, %concatenate3A : vector<2x256xf32>
        %swap3A_82 = arith.constant 0 : index
        %swap3A_83 = arith.constant 0 : index
        %swap3A_84 = vector.load %arg18[%swap3A_82, %swap3A_83] : memref<2x256xf32, #tpu.memory_space<vmem>>, vector<2x256xf32>
        tpu.vector_store %arg18[%swap3A_82, %swap3A_83], %add3A_81 {strides = array<i32>} : memref<2x256xf32, #tpu.memory_space<vmem>>, vector<2x256xf32>,
      } else {
      }
    } else {
    }
    %eq3A_8 = arith.constant 2 : i32
    %eq3A_9 = arith.cmpi eq, %arg0, %eq3A_8 : i32
    %convert_element_type3A_10 = arith.extui %eq3A_9 : i1 to i32
    %cond3A_11 = arith.constant 0 : i32
    %cond3A_12 = arith.cmpi ne, %convert_element_type3A_10, %cond3A_11 : i32
    scf.if %cond3A_12 {
      %get3A = arith.constant 0 : index
      %get3A_13 = arith.constant 0 : index
      %get3A_14 = vector.load %arg18[%get3A, %get3A_13] : memref<2x256xf32, #tpu.memory_space<vmem>>, vector<2x256xf32>
      %slice3A = vector.extract_strided_slice %get3A_14 {offsets = [0, 0], sizes = [1, 256], strides = [1, 1]} : vector<2x256xf32> to vector<1x256xf32>
      %mul3A_15 = arith.constant 9.99999974E-5 : f32
      %mul3A_16 = vector.broadcast %mul3A_15 : f32 to vector<1x256xf32>
      %mul3A_17 = arith.mulf %slice3A, %mul3A_16 : vector<1x256xf32>
      %slice3A_18 = vector.extract_strided_slice %get3A_14 {offsets = [1, 0], sizes = [1, 256], strides = [1, 1]} : vector<2x256xf32> to vector<1x256xf32>
      %mul3A_19 = arith.constant 9.99999974E-5 : f32
      %mul3A_20 = vector.broadcast %mul3A_19 : f32 to vector<1x256xf32>
      %mul3A_21 = arith.mulf %slice3A_18, %mul3A_20 : vector<1x256xf32>
      %mul3A_22 = arith.mulf %mul3A_17, %mul3A_17 : vector<1x256xf32>
      %sub3A = arith.subf %mul3A_21, %mul3A_22 : vector<1x256xf32>
      %add3A = arith.constant 9.99999974E-6 : f32
      %add3A_23 = vector.broadcast %add3A : f32 to vector<1x256xf32>
      %add3A_24 = arith.addf %sub3A, %add3A_23 : vector<1x256xf32>
      %rsqrt3A = math.rsqrt %add3A_24 : vector<1x256xf32>
      %get3A_25 = arith.index_cast %mul3A_0 : i32 to index
      %get3A_26 = arith.constant 0 : index
      %get3A_27 = vector.load %arg16[%get3A_25, %get3A_26] : memref<10000x256xf32, #tpu.memory_space<vmem>>, vector<1000x256xf32>
      %sub3A_28 = vector.broadcast %mul3A_17 : vector<1x256xf32> to vector<1000x256xf32>
      %sub3A_29 = arith.subf %get3A_27, %sub3A_28 : vector<1000x256xf32>
      %mul3A_30 = vector.broadcast %rsqrt3A : vector<1x256xf32> to vector<1000x256xf32>
      %mul3A_31 = arith.mulf %sub3A_29, %mul3A_30 : vector<1000x256xf32>
      %get3A_32 = arith.constant 0 : index
      %get3A_33 = arith.constant 0 : index
      %get3A_34 = vector.load %arg7[%get3A_32, %get3A_33] : memref<1x256xf32, #tpu.memory_space<vmem>>, vector<1x256xf32>
      %mul3A_35 = vector.broadcast %get3A_34 : vector<1x256xf32> to vector<1000x256xf32>
      %mul3A_36 = arith.mulf %mul3A_31, %mul3A_35 : vector<1000x256xf32>
      %get3A_37 = arith.constant 0 : index
      %get3A_38 = arith.constant 0 : index
      %get3A_39 = vector.load %arg8[%get3A_37, %get3A_38] : memref<1x256xf32, #tpu.memory_space<vmem>>, vector<1x256xf32>
      %add3A_40 = vector.broadcast %get3A_39 : vector<1x256xf32> to vector<1000x256xf32>
      %add3A_41 = arith.addf %mul3A_36, %add3A_40 : vector<1000x256xf32>
      %custom_jvp_call3A = arith.constant 0.000000e+00 : f32
      %max3A = vector.broadcast %custom_jvp_call3A : f32 to vector<1000x256xf32>
      %max3A_42 = arith.maximumf %add3A_41, %max3A : vector<1000x256xf32>
      %sub3A_43 = vector.broadcast %custom_jvp_call3A : f32 to vector<1000x256xf32>
      %sub3A_44 = arith.subf %add3A_41, %sub3A_43 : vector<1000x256xf32>
      %ne3A = arith.cmpf one, %sub3A_44, %sub3A_44 : vector<1000x256xf32>
      %add3A_45 = vector.broadcast %custom_jvp_call3A : f32 to vector<1000x256xf32>
      %add3A_46 = arith.addf %add3A_41, %add3A_45 : vector<1000x256xf32>
      %abs3A = math.absf %sub3A_44 : vector<1000x256xf32>
      %neg3A = arith.constant 0.000000e+00 : f32
      %neg3A_47 = vector.broadcast %neg3A : f32 to vector<1000x256xf32>
      %neg3A_48 = arith.subf %neg3A_47, %abs3A : vector<1000x256xf32>
      %exp3A = math.exp %neg3A_48 : vector<1000x256xf32>
      %log1p3A = math.log1p %exp3A : vector<1000x256xf32>
      %add3A_49 = arith.addf %max3A_42, %log1p3A : vector<1000x256xf32>
      %select_n3A = arith.select %ne3A, %add3A_46, %add3A_49 : vector<1000x256xi1>, vector<1000x256xf32>
      %convert_element_type3A_50 = arith.truncf %select_n3A : vector<1000x256xf32> to vector<1000x256xbf16>
      %get3A_51 = arith.constant 0 : index
      %get3A_52 = arith.constant 0 : index
      %get3A_53 = vector.load %arg9[%get3A_51, %get3A_52] : memref<256x64xf32, #tpu.memory_space<vmem>>, vector<256x64xf32>
      %convert_element_type3A_54 = arith.truncf %get3A_53 : vector<256x64xf32> to vector<256x64xbf16>
      %dot_general3A = arith.constant dense<0.000000e+00> : vector<1000x64xf32>
      %dot_general3A_55 = tpu.matmul %convert_element_type3A_50, %convert_element_type3A_54, %dot_general3A {dimension_numbers = #tpu.dot_dimension_numbers<[1], [0], [0], [1], [0, 0, 1, 1], [], []>, transpose_lhs_hint = false} : vector<1000x256xbf16>, vector<256x64xbf16>, vector<1000x64xf32> -> vector<1000x64xf32>
      %get3A_56 = arith.constant 0 : index
      %get3A_57 = arith.constant 0 : index
      %get3A_58 = vector.load %arg10[%get3A_56, %get3A_57] : memref<1x64xf32, #tpu.memory_space<vmem>>, vector<1x64xf32>
      %add3A_59 = vector.broadcast %get3A_58 : vector<1x64xf32> to vector<1000x64xf32>
      %add3A_60 = arith.addf %dot_general3A_55, %add3A_59 : vector<1000x64xf32>
      %swap3A = arith.constant 0 : index
      %swap3A_61 = arith.constant 0 : index
      %swap3A_62 = vector.load %arg13[%swap3A, %swap3A_61] : memref<1000x64xf32, #tpu.memory_space<vmem>>, vector<1000x64xf32>
      tpu.vector_store %arg13[%swap3A, %swap3A_61], %add3A_60 {strides = array<i32>} : memref<1000x64xf32, #tpu.memory_space<vmem>>, vector<1000x64xf32>,
      %get3A_63 = arith.constant 0 : index
      %get3A_64 = arith.constant 0 : index
      %get3A_65 = vector.load %arg11[%get3A_63, %get3A_64] : memref<256x64xf32, #tpu.memory_space<vmem>>, vector<256x64xf32>
      %convert_element_type3A_66 = arith.truncf %get3A_65 : vector<256x64xf32> to vector<256x64xbf16>
      %dot_general3A_67 = arith.constant dense<0.000000e+00> : vector<1000x64xf32>
      %dot_general3A_68 = tpu.matmul %convert_element_type3A_50, %convert_element_type3A_66, %dot_general3A_67 {dimension_numbers = #tpu.dot_dimension_numbers<[1], [0], [0], [1], [0, 0, 1, 1], [], []>, transpose_lhs_hint = false} : vector<1000x256xbf16>, vector<256x64xbf16>, vector<1000x64xf32> -> vector<1000x64xf32>
      %get3A_69 = arith.constant 0 : index
      %get3A_70 = arith.constant 0 : index
      %get3A_71 = vector.load %arg12[%get3A_69, %get3A_70] : memref<1x64xf32, #tpu.memory_space<vmem>>, vector<1x64xf32>
      %add3A_72 = vector.broadcast %get3A_71 : vector<1x64xf32> to vector<1000x64xf32>
      %add3A_73 = arith.addf %dot_general3A_68, %add3A_72 : vector<1000x64xf32>
      %swap3A_74 = arith.constant 0 : index
      %swap3A_75 = arith.constant 0 : index
      %swap3A_76 = vector.load %arg14[%swap3A_74, %swap3A_75] : memref<1000x64xf32, #tpu.memory_space<vmem>>, vector<1000x64xf32>
      tpu.vector_store %arg14[%swap3A_74, %swap3A_75], %add3A_73 {strides = array<i32>} : memref<1000x64xf32, #tpu.memory_space<vmem>>, vector<1000x64xf32>,
    } else {
    }
    return
  }
  func.func @transform_0(%arg0: i32, %arg1: i32) -> (i32, i32, i32) {
    %eq3A = arith.constant 0 : i32
    %eq3A_0 = arith.cmpi eq, %arg0, %eq3A : i32
    %jit3A = arith.constant 0 : i32
    %select_n3A = arith.select %eq3A_0, %arg1, %jit3A : i32
    %c0_i32 = arith.constant 0 : i32
    %c0_i32_1 = arith.constant 0 : i32
    %c0_i32_2 = arith.constant 0 : i32
    return %c0_i32, %select_n3A, %c0_i32_1 : i32, i32, i32
  }
  func.func @transform_1(%arg0: i32, %arg1: i32) -> (i32, i32) {
    %c0_i32 = arith.constant 0 : i32
    %c0_i32_0 = arith.constant 0 : i32
    %c0_i32_1 = arith.constant 0 : i32
    return %c0_i32, %c0_i32_0 : i32, i32
  }
  func.func @transform_2(%arg0: i32, %arg1: i32) -> (i32, i32) {
    %c0_i32 = arith.constant 0 : i32
    %c0_i32_0 = arith.constant 0 : i32
    %c0_i32_1 = arith.constant 0 : i32
    return %c0_i32, %c0_i32_0 : i32, i32
  }
  func.func @transform_3(%arg0: i32, %arg1: i32) -> (i32, i32) {
    %c0_i32 = arith.constant 0 : i32
    %c0_i32_0 = arith.constant 0 : i32
    %c0_i32_1 = arith.constant 0 : i32
    return %c0_i32, %c0_i32_0 : i32, i32
  }
  func.func @transform_4(%arg0: i32, %arg1: i32) -> (i32, i32) {
    %c0_i32 = arith.constant 0 : i32
    %c0_i32_0 = arith.constant 0 : i32
    %c0_i32_1 = arith.constant 0 : i32
    return %c0_i32, %c0_i32_0 : i32, i32
  }
  func.func @transform_5(%arg0: i32, %arg1: i32) -> (i32, i32) {
    %c0_i32 = arith.constant 0 : i32
    %c0_i32_0 = arith.constant 0 : i32
    %c0_i32_1 = arith.constant 0 : i32
    return %c0_i32, %c0_i32_0 : i32, i32
  }
  func.func @transform_6(%arg0: i32, %arg1: i32) -> (i32, i32) {
    %c0_i32 = arith.constant 0 : i32
    %c0_i32_0 = arith.constant 0 : i32
    %c0_i32_1 = arith.constant 0 : i32
    return %c0_i32, %c0_i32_0 : i32, i32
  }
  func.func @transform_7(%arg0: i32, %arg1: i32) -> (i32, i32) {
    %c0_i32 = arith.constant 0 : i32
    %c0_i32_0 = arith.constant 0 : i32
    %c0_i32_1 = arith.constant 0 : i32
    return %c0_i32, %c0_i32_0 : i32, i32
  }
  func.func @transform_8(%arg0: i32, %arg1: i32) -> (i32, i32) {
    %c0_i32 = arith.constant 0 : i32
    %c0_i32_0 = arith.constant 0 : i32
    %c0_i32_1 = arith.constant 0 : i32
    return %c0_i32, %c0_i32_0 : i32, i32
  }
  func.func @transform_9(%arg0: i32, %arg1: i32) -> (i32, i32) {
    %c0_i32 = arith.constant 0 : i32
    %c0_i32_0 = arith.constant 0 : i32
    %c0_i32_1 = arith.constant 0 : i32
    return %c0_i32, %c0_i32_0 : i32, i32
  }
  func.func @transform_10(%arg0: i32, %arg1: i32) -> (i32, i32) {
    %c0_i32 = arith.constant 0 : i32
    %c0_i32_0 = arith.constant 0 : i32
    %c0_i32_1 = arith.constant 0 : i32
    return %c0_i32, %c0_i32_0 : i32, i32
  }
  func.func @transform_11(%arg0: i32, %arg1: i32) -> (i32, i32) {
    %c0_i32 = arith.constant 0 : i32
    %c0_i32_0 = arith.constant 0 : i32
    return %arg1, %c0_i32 : i32, i32
  }
  func.func @transform_12(%arg0: i32, %arg1: i32) -> (i32, i32) {
    %c0_i32 = arith.constant 0 : i32
    %c0_i32_0 = arith.constant 0 : i32
    return %arg1, %c0_i32 : i32, i32
  }
}

</mosaic_0001>

<sc_bundles>
// kernel: kernel.5.cloned.1.call-start
scs
__scs_entry_jumppad:
0x0: {  	(pc) =	sbr.rel $0x88, $3  }
0x1: {  	(tag) =	ssettag $0x0;
	lr =	simm.s32 $0x1  }
0x2: {  	[smem:$0x3F92] =	sst lr;
	_ =	strace $0xD0000000  }
0x3: {  	_ = 	snop  }
0x4: {  	_ = 	snop  }
0x5: {  	_ = 	snop  }
0x6: {  	_ = 	snop  }
0x7: {  	_ = 	snop  }
__scs_overlays_trampoline_lowered:
0x8: {  	[smem:$0x3FA1] =	sst s0  }
0x9: {  	[smem:$0x3FA2] =	sst s1  }
0xa: {  	[smem:$0x3FA3] =	sst s2  }
0xb: {  	[smem:$0x3FA4] =	sst s3  }
0xc: {  	[smem:$0x3FA5] =	sst s4  }
0xd: {  	[smem:$0x3FA6] =	sst s5  }
0xe: {  	[smem:$0x3FA7] =	sst s6  }
0xf: {  	[smem:$0x3FA8] =	sst s7  }
0x10: {  	[smem:$0x3FA9] =	sst s8  }
0x11: {  	[smem:$0x3FAA] =	sst s9;
	s0 =	simm.s32 @!p0 $0x0  }
0x12: {  	s1 =	sld [smem:$0x3F90];
	s0 =	simm.s32 @p0 $0x1  }
0x13: {  	[smem:$0x3FAB] =	sst s0;
	s0 =	simm.s32 @!p1 $0x0  }
0x14: {  	s2 =	sld [smem:$0x3F8F];
	s0 =	simm.s32 @p1 $0x1  }
0x15: {  	[smem:$0x3FAC] =	sst s0;
	s0 =	simm.s32 @!p2 $0x0  }
0x16: {  	s3 =	sld [smem:$0x3FDB];
	s0 =	simm.s32 @p2 $0x1  }
0x17: {  	s4 =	simm.s32 $0x1BF5;
	[smem:$0x3FAE] =	sst s0  }
0x18: {  	s0 =	sld [smem:$0x3F91];
	_ =	swait.ge [sflag:s4], $0x0  }
0x19: {  	s7 =	sld [smem:$0x3F92]  }
0x1a: {  	s8 =	sadd.s32 $0xFFFFE003, lr  }
0x1b: {  	s9 =	sadd.s32 $0xFFFFFEF7, lr;
	s5 =	simm.s32 $0xFFFFFFFF;
	p2 =	slt.u32 s8, $0xFFFFF086  }
0x1c: {  	p1 =	slt.u32 s9, $0xF7A;
	s5 =	simm.s32 @!p2 $0x0  }
0x1d: {  	s5 =	simm.s32 @p1 $0x1;
	p0 =	seq.s32 s7, s2  }
0x1e: {  	s7 =	smul.u32 @!p0 $0xF7A, s2;
	p2 =	seq.s32 @!p0 s5, $0x0  }
0x1f: {  	s9 =	smul.u32 $0xF7A, s1;
	s8 =	simm.s32 @!p0 $0x1BF5;
	p2 =	por !p2, p0  }
0x20: {  	[sflag:s8] =	ssyncset.s32 @!p0 $0xFFFFF086;
	s6 =	sadd.s32 @!p0 s3, s7;
	s7 =	simm.s32 @!p0 $0x108  }
0x21: {  	s3 =	sadd.s32 s3, s9;
	s6 =	sadd.s32 @!p0 $0x88, s6;
	s7 =	simm.s32 @p2 $0x1082  }
0x22: {  	[simem:s7], [sflag:s8] =	dma.local @!p0 [hbm:s6], $0xF7A  }
0x23: {  	s9 =	sor.u32 $0xD0000000, s2;
	s6 =	simm.s32 $0x108;
	_ =	swait.ge @!p0 [sflag:s8], $0x0  }
0x24: {  	s3 =	sadd.s32 $0x88, s3;
	s6 =	simm.s32 @!p1 $0x1082;
	[sflag:s4] =	ssyncset.s32 $0xFFFFF086  }
0x25: {  	[simem:s6], [sflag:s4] =	dma.local [hbm:s3], $0xF7A  }
0x26: {  	[smem:$0x3F92] =	sst s1;
	(tag) =	ssettag s2;
	_ =	strace s9  }
0x27: {  	s1 =	sld [smem:$0x3FA2]  }
0x28: {  	s2 =	sld [smem:$0x3FA3]  }
0x29: {  	s4 =	sld [smem:$0x3FA5]  }
0x2a: {  	p0 =	seq.s32 s5, $0x0;
	s5 =	sld [smem:$0x3FA6]  }
0x2b: {  	s6 =	sld [smem:$0x3FA7]  }
0x2c: {  	s7 =	sld [smem:$0x3FA8]  }
0x2d: {  	s3 =	simm.s32 $0x108;
	s8 =	sld [smem:$0x3FA9]  }
0x2e: {  	s3 =	simm.s32 @!p0 $0x1082;
	s9 =	sld [smem:$0x3FAA]  }
0x2f: {  	lr =	sadd.s32 s0, s3;
	s0 =	sld [smem:$0x3FA1]  }
0x30: {  	s3 =	sld [smem:$0x3FA4]  }
0x31: {  	[smem:$0x3FAD] =	sst s10  }
0x32: {  	s10 =	sld [smem:$0x3FAB];
	_ =	sdelay $0x3  }
0x33: {  	p0 =	seq.s32 s10, $0x1;
	s10 =	sld [smem:$0x3FAD];
	_ =	sdelay $0x3  }
0x34: {  	[smem:$0x3FAD] =	sst s10  }
0x35: {  	s10 =	sld [smem:$0x3FAC];
	_ =	sdelay $0x3  }
0x36: {  	p1 =	seq.s32 s10, $0x1;
	s10 =	sld [smem:$0x3FAD];
	_ =	sdelay $0x3  }
0x37: {  	[smem:$0x3FAD] =	sst s10  }
0x38: {  	s10 =	sld [smem:$0x3FAE]  }
0x39: {  	_ = 	snop;
	(pc) =	sbr.ind lr, $3  }
0x3a: {  	_ = 	snop  }
0x3b: {  	_ = 	snop  }
0x3c: {  	p2 =	seq.s32 s10, $0x1;
	s10 =	sld [smem:$0x3FAD]  }
0x3d: {  	_ =	shalt  }
0x3e: {  	_ =	shalt  }
0x3f: {  	_ =	shalt  }
0x40: {  	_ =	shalt  }
0x41: {  	_ =	shalt  }
0x42: {  	_ =	shalt  }
0x43: {  	_ =	shalt  }
0x44: {  	_ =	shalt  }
0x45: {  	_ =	shalt  }
0x46: {  	_ =	shalt  }
0x47: {  	_ =	shalt  }
0x48: {  	_ =	shalt  }
0x49: {  	_ =	shalt  }
0x4a: {  	_ =	shalt  }
0x4b: {  	_ =	shalt  }
0x4c: {  	_ =	shalt  }
0x4d: {  	_ =	shalt  }
0x4e: {  	_ =	shalt  }
0x4f: {  	_ =	shalt  }
0x50: {  	_ =	shalt  }
0x51: {  	_ =	shalt  }
0x52: {  	_ =	shalt  }
0x53: {  	_ =	shalt  }
0x54: {  	_ =	shalt  }
0x55: {  	_ =	shalt  }
0x56: {  	_ =	shalt  }
0x57: {  	_ =	shalt  }
0x58: {  	_ =	shalt  }
0x59: {  	_ =	shalt  }
0x5a: {  	_ =	shalt  }
0x5b: {  	_ =	shalt  }
0x5c: {  	_ =	shalt  }
0x5d: {  	_ =	shalt  }
0x5e: {  	_ =	shalt  }
0x5f: {  	_ =	shalt  }
0x60: {  	_ =	shalt  }
0x61: {  	_ =	shalt  }
0x62: {  	_ =	shalt  }
0x63: {  	_ =	shalt  }
0x64: {  	_ =	shalt  }
0x65: {  	_ =	shalt  }
0x66: {  	_ =	shalt  }
0x67: {  	_ =	shalt  }
0x68: {  	_ =	shalt  }
0x69: {  	_ =	shalt  }
0x6a: {  	_ =	shalt  }
0x6b: {  	_ =	shalt  }
0x6c: {  	_ =	shalt  }
0x6d: {  	_ =	shalt  }
0x6e: {  	_ =	shalt  }
0x6f: {  	_ =	shalt  }
0x70: {  	_ =	shalt  }
0x71: {  	_ =	shalt  }
0x72: {  	_ =	shalt  }
0x73: {  	_ =	shalt  }
0x74: {  	_ =	shalt  }
0x75: {  	_ =	shalt  }
0x76: {  	_ =	shalt  }
0x77: {  	_ =	shalt  }
0x78: {  	_ =	shalt  }
0x79: {  	_ =	shalt  }
0x7a: {  	_ =	shalt  }
0x7b: {  	_ =	shalt  }
0x7c: {  	_ =	shalt  }
0x7d: {  	_ =	shalt  }
0x7e: {  	_ =	shalt  }
0x7f: {  	_ =	shalt  }
0x80: {  	_ =	shalt  }
0x81: {  	_ =	shalt  }
0x82: {  	_ =	shalt  }
0x83: {  	_ =	shalt  }
0x84: {  	_ =	shalt  }
0x85: {  	_ =	shalt  }
0x86: {  	_ =	shalt  }
0x87: {  	_ =	shalt  }
.Lfunc_end0:
.L_simem_size_0:
called_computation_lowered:
.L_overlay_start_0:
0x88: {  	s2 =	sld [smem:$0x3FD9]  }
0x89: {  	s3 =	sld [smem:$0x3FFE];
	_ =	sdelay $0x1  }
0x8a: {  	s1 =	srdreg.scid  }
0x8b: {  	s0 =	sand.u32 $0x1, s1  }
0x8c: {  	s14 =	sshll.u32 s0, $0xA;
	s2 =	sadd.s32 s3, s2  }
0x8d: {  	s2 =	sadd.s32 s2, s14  }
0x8e: {  	[smem:$0x3FB9] =	sst s2  }
0x8f: {  	_ = 	snop  }
0x90: {  	s2 =	sld [smem:$0x3FD0];
	_ =	sdelay $0x2  }
0x91: {  	s4 =	simm.s32 $0xA;
	s5 =	simm.s32 $0x10;
	s15 =	sld [smem:$0x3FC7]  }
0x92: {  	[smem:s5], [sflag:s4] =	dma.local [hbm:s2], $0x1  }
0x93: {  	_ =	swait.eq [sflag:s4], $0x1  }
0x94: {  	[sflag:s4] =	ssyncset.done $0x0  }
0x95: {  	s16 =	sld [smem:$0x10];
	[sflag:s4] =	ssyncadd.s32 $0xFFFFFFFF  }
0x96: {  	s17 =	sld [smem:$0x11];
	(tm) =	ssettm $0x1  }
0x97: {  	s18 =	sld [smem:$0x3FFB];
	_ =	sdelay $0x3  }
0x98: {  	_ =	strace s18  }
0x99: {  	s5 =	sld [smem:$0x3FFC];
	_ =	sdelay $0x3  }
0x9a: {  	_ =	strace s5  }
0x9b: {  	s5 =	sld [smem:$0x3FFD];
	_ =	sdelay $0x3  }
0x9c: {  	_ =	strace s5  }
0x9d: {  	_ =	strace $0x8FFFFFFF  }
0x9e: {  	s19 =	sld [smem:$0x3FDB];
	_ =	sdelay $0x1  }
0x9f: {  	s6 =	simm.s32 $_scs_section_size  }
0xa0: {  	s7 =	simm.s32 $_size__tile_overlayer_lowered;
	s8 =	simm.s32 $_tile_overlayer_lowered  }
0xa1: {  	s22 =	simm.s32 $0x1BFF;
	s21 =	sshll.u32 s8, $0x1;
	s5 =	sadd.s32 s6, s19  }
0xa2: {  	s9 =	simm.s32 $0x0;
	s20 =	sshll.u32 s7, $0x1;
	s7 =	sadd.s32 s21, s5  }
0xa3: {  	[timem:s9], [sflag:s22] =	dma.local [hbm:s7], s20  }
0xa4: {  	_ =	swait.ge [sflag:s22], s20  }
0xa5: {  	s6 =	ssub.s32 $0x0, s20;
	[sflag:s22] =	ssyncset.done $0x0  }
0xa6: {  	[sflag:s22] =	ssyncadd.s32 s6;
	_ =	sdelay $0x1  }
0xa7: {  	s23 =	simm.s32 $0x1B8B  }
0xa8: {  	_ =	swait.ge [sflag:s23], $0x1  }
0xa9: {  	[sflag:s23] =	ssyncset.done $0x0  }
0xaa: {  	s25 =	simm.s32 $0x1B8E;
	s24 =	sld [smem:$0x3FFE];
	[sflag:s23] =	ssyncadd.s32 $0xFFFFFFFF  }
0xab: {  	s26 =	simm.s32 $execute0_lowered;
	[smem:$0x3FD2] =	sst s25  }
0xac: {  	s7 =	sshll.u32 s26, $0x1;
	_ =	strace $0x80000046;
	[dreg:$0x1] =	wrdreg $0xFFFFFFFF  }
0xad: {  	s28 =	simm.s32 $_size_execute0_lowered;
	s5 =	sadd.s32 s5, s7;
	[dreg:$0x0] =	wrdreg $0x0  }
0xae: {  	s7 =	sshll.u32 s28, $0x1;
	[dreg:$0x2] =	wrdreg s5  }
0xaf: {  	[dreg:$0x3] =	wrdreg s7  }
0xb0: {  	[dreg:$0x4] =	wrdreg $0xC0  }
0xb1: {  	_ =	task [dreg:s9], $0x5FFFF  }
0xb2: {  	[dreg:$0x1] =	wrdreg $0xFFFFFFFF  }
0xb3: {  	[dreg:$0x0] =	wrdreg $0x60  }
0xb4: {  	[dreg:$0x2] =	wrdreg s24  }
0xb5: {  	[dreg:$0x3] =	wrdreg s17  }
0xb6: {  	[dreg:$0x4] =	wrdreg s15  }
0xb7: {  	[dreg:$0x5] =	wrdreg s16  }
0xb8: {  	[dreg:$0x6] =	wrdreg $0x7EE00  }
0xb9: {  	[dreg:$0x7] =	wrdreg $0x9  }
0xba: {  	_ =	task.clear_ibuf [dreg:s9], $0x8FFFF;
	_ =	strace $0x90000046  }
0xbb: {  	s29 =	simm.s32 $0x9;
	_ =	strace $0x80000048  }
0xbc: {  	_ =	swait.ge [sflag:s29], $0x1  }
0xbd: {  	[sflag:s29] =	ssyncadd.s32 $0xFFFFFFFF  }
0xbe: {  	_ =	strace $0x90000048  }
0xbf: {  	_ =	sfence  }
0xc0: {  	s30 =	sld [smem:$0x0];
	_ =	sdelay $0x2  }
0xc1: {  	s31 =	sshll.u32 s1, $0xD;
	s1 =	sshrl.u32 s1, $0x2  }
0xc2: {  	s3 =	sand.u32 $0x4000, s31;
	s1 =	sadd.s32 s1, s30  }
0xc3: {  	s0 =	sor.u32 s3, s0;
	s1 =	sshll.u32 s1, $0x11  }
0xc4: {  	s0 =	sor.u32 s1, s0  }
0xc5: {  	s0 =	sadd.s32 $0x8F2B, s0  }
0xc6: {  	[sflag:s0] =	ssyncadd.remote.s32 $0x1  }
0xc7: {  	_ =	sfence.sel $0xFFFF  }
0xc8: {  	[dreg:$0x0] =	wrdreg $0xFFFFFFFF;
	(pc) =	sbr.abs _section_cstart, $3  }
0xc9: {  	[dreg:$0x1] =	wrdreg $0xFFFFFFFF  }
0xca: {  	_ =	task.clear_ibuf [dreg:s9], $0x2FFFF;
	_ =	strace $0x9FFFFFFF  }
0xcb: {  	(tm) =	ssettm $0x7FFFFFFF  }
tec
execute0_lowered:
.L_overlay_start_1:
0x0: {  	(tag) =	ssettag $0x1  }
0x1: {  	s0 =	rddreg [dreg:$0x0]  }
0x2: {  	s1 =	rddreg [dreg:$0x1]  }
0x3: {  	s2 =	rddreg [dreg:$0x2]  }
0x4: {  	s4 =	rddreg [dreg:$0x3]  }
0x5: {  	s3 =	rddreg [dreg:$0x4]  }
0x6: {  	s5 =	srdreg.scid;
	s13 =	stileid.u32;
	s15 =	simm.s32 $0x5  }
0x7: {  	s17 =	simm.s32 $0xFA0;
	s18 =	simm.s32 $0x50;
	s19 =	simm.s32 $0x2EE0  }
0x8: {  	s20 =	simm.s32 $0x42E0;
	s21 =	simm.s32 $0x1;
	s22 =	simm.s32 $0x56E0  }
0x9: {  	s23 =	simm.s32 $0x2;
	s24 =	simm.s32 $0x6AE0;
	s25 =	simm.s32 $0x3  }
0xa: {  	s6 =	sand.u32 $0x1, s5;
	s5 =	simm.s32 $0x0;
	s8 =	smul.u32 $0x9C00, s13  }
0xb: {  	s30 =	sshll.u32 s13, $0x6;
	s10 =	smul.u32 $0x4E20, s13;
	p0 =	sne.s32 s13, $0xF  }
0xc: {  	s7 =	smul.u32 $0x13880, s6;
	[smem:$0x7FF] =	sst s5;
	s6 =	ssub.s32 $0x2, s6  }
0xd: {  	_ =	strace $0x80000047;
	s9 =	sshrl.u32 s6, $0x1;
	s26 =	sshrl.u32 s8, $0x3  }
0xe: {  	s28 =	sadd.s32 s8, s3;
	s8 =	sor.u32 $0x1C05, s30;
	s0 =	sadd.s32 s7, s0  }
.Ltmp0:
0xf: {  	s6 =	ssub.s32 s6, s9;
	[dreg:$0x6] =	wrdreg s26;
	(pc) =	sbr.rel .LBB2_1-.Ltmp0, $4  }
0x10: {  	s29 =	sadd.s32 s4, s26;
	s9 =	sadd.s32 $0x9C000, s3;
	s4 =	sadd.s32 $0x13800, s4  }
0x11: {  	s14 =	sshrl.u32 s28, $0x3;
	s26 =	simm.s32 $0x4;
	[dreg:$0x7] =	wrdreg s29  }
0x12: {  	[dreg:$0x8] =	wrdreg s4;
	s11 =	sadd.s32 $0x2000, s0;
	s31 =	smax.u32 s6, $0x1  }
0x13: {  	s12 =	sadd.s32 $0x29200, s0;
	s16 =	sshrl.u32 @!p0 s9, $0x3;
	[dreg:$0x9] =	wrdreg s31  }
.LBB2_10:
0x14: {  	[bflag:$0x0] =	sbarrier.arrive $0xFFFF  }
0x15: {  	s0 =	rddreg [dreg:$0x6]  }
0x16: {  	s0 =	sadd.s32 s0, s12  }
0x17: {  	[hbm:s0], [sflag:s8] =	dma.local [spmem:s14], $0x1380  }
0x18: {  	_ =	swait.ge [sflag:s15], $0x1380  }
0x19: {  	[sflag:s15] =	ssyncset.done $0x0  }
0x1a: {  	s0 =	sadd.s32 @!p0 $0x13800, s12;
	[sflag:s15] =	ssyncadd.s32 $0xFFFFEC80  }
0x1b: {  	[hbm:s0], [sflag:s8] =	dma.local @!p0 [spmem:s16], $0x80  }
0x1c: {  	s0 =	simm.s32 @!p0 $0x5  }
0x1d: {  	_ =	swait.ge @!p0 [sflag:s0], $0x80  }
0x1e: {  	s5 =	sadd.s32 $0x1, s5;
	s4 =	rddreg [dreg:$0x9]  }
0x1f: {  	p1 =	sne.s32 s5, s4  }
.Ltmp1:
0x20: {  	_ = 	snop;
	(pc) =	sbr.rel @!p1 .LBB2_11-.Ltmp1, $3  }
0x21: {  	_ =	sdelay $0x1  }
0x22: {  	[sflag:s0] =	ssyncset.done @!p0 $0x0  }
0x23: {  	[sflag:s0] =	ssyncadd.s32 @!p0 $0xFFFFFF80  }
.LBB2_1:
0x24: {  	s0 =	rddreg [dreg:$0x7]  }
0x25: {  	[spmem:s14], [sflag:s8] =	dma.local [hbm:s0], $0x1380  }
0x26: {  	_ =	swait.ge [sflag:s15], $0x1380  }
0x27: {  	[sflag:s15] =	ssyncset.done $0x0  }
0x28: {  	s0 =	rddreg [dreg:$0x8];
	[sflag:s15] =	ssyncadd.s32 $0xFFFFEC80  }
0x29: {  	[spmem:s16], [sflag:s8] =	dma.local @!p0 [hbm:s0], $0x80  }
0x2a: {  	s0 =	simm.s32 @!p0 $0x5  }
.Ltmp2:
0x2b: {  	_ =	swait.ge @!p0 [sflag:s0], $0x80;
	(pc) =	sbr.rel .LBB2_2-.Ltmp2, $4  }
0x2c: {  	[sflag:s0] =	ssyncset.done @!p0 $0x0  }
0x2d: {  	[sflag:s0] =	ssyncadd.s32 @!p0 $0xFFFFFF80  }
0x2e: {  	[bflag:$0x0] =	sbarrier.arrive $0xFFFF  }
0x2f: {  	s28 =	simm.s32 $0x0  }
.LBB2_9:
0x30: {  	[spmem:s3] =	stream.indirect.scatter.add.f32 [tilespmem:s24], [sflag:$0x4], $0x40, s0, s18, $0xb8;
	[tilespmem:$0x11B20] =	vst v63  }
0x31: {  	s28 =	sadd.s32 $0x1, s28  }
0x32: {  	_ =	swait.ge [sflag:s25], $0x1400;
	p1 =	sne.s32 s28, $0x5  }
.Ltmp3:
0x33: {  	[sflag:s25] =	ssyncset.done $0x0;
	(pc) =	sbr.rel @!p1 .LBB2_10-.Ltmp3, $4  }
0x34: {  	[sflag:s25] =	ssyncadd.s32 $0xFFFFEC00  }
0x35: {  	_ =	swait.ge [sflag:s26], $0x1400  }
0x36: {  	[sflag:s26] =	ssyncset.done $0x0  }
0x37: {  	[sflag:s26] =	ssyncadd.s32 $0xFFFFEC00  }
.LBB2_2:
0x38: {  	s0 =	smul.u32 $0xFA0, s28;
	_ =	sdelay $0x1  }
0x39: {  	s0 =	sadd.s32 s10, s0  }
0x3a: {  	s0 =	sshrl.u32 s0, $0x3  }
0x3b: {  	s4 =	sadd.s32 s1, s0  }
0x3c: {  	s29 =	simm.s32 $0x0;
	s6 =	sadd.s32 $0x9C40, s4  }
0x3d: {  	[tilespmem:s29], [sflag:$0x5] =	stream.linear.gather [hbm4b:s6+s29], $0xFA0, $0x38;
	[tilespmem:$0x11B20] =	vst v63  }
0x3e: {  	_ =	swait.ge [sflag:s15], $0xFA0  }
0x3f: {  	[sflag:s15] =	ssyncset.done $0x0  }
0x40: {  	[sflag:s15] =	ssyncadd.s32 $0xFFFFF060  }
0x41: {  	[tilespmem:s17], [sflag:$0x5] =	stream.linear.gather [hbm4b:s4+s29], $0xFA0, $0x38;
	[tilespmem:$0x11B20] =	vst v63  }
0x42: {  	_ =	swait.ge [sflag:s15], $0xFA0  }
0x43: {  	[sflag:s15] =	ssyncset.done $0x0  }
0x44: {  	s30 =	simm.s32 $0x1F40;
	s0 =	sadd.s32 s2, s0;
	[sflag:s15] =	ssyncadd.s32 $0xFFFFF060  }
0x45: {  	[tilespmem:s30], [sflag:$0x5] =	stream.linear.gather [hbm4b:s0+s29], $0xFA0, $0x38;
	[tilespmem:$0x11B20] =	vst v63  }
0x46: {  	_ =	swait.ge [sflag:s15], $0xFA0  }
0x47: {  	[sflag:s15] =	ssyncset.done $0x0  }
0x48: {  	[sflag:s15] =	ssyncadd.s32 $0xFFFFF060  }
0x49: {  	[tilespmem:s19], [sflag:$0x1] =	stream.indirect.gather [hbm4b:s11+s18], $0x40, s29, s18, $0xb8;
	[tilespmem:$0x11B20] =	vst v63  }
0x4a: {  	s13 =	simm.s32 $0x1F90  }
0x4b: {  	[tilespmem:s20], [sflag:$0x2] =	stream.indirect.gather [hbm4b:s11+s18], $0x40, s18, s18, $0xb8;
	[tilespmem:$0x11B20] =	vst v63  }
.LBB2_3:
0x4c: {  	_ =	swait.ge [sflag:s21], $0x1400  }
0x4d: {  	p1 =	seq.s32 s29, $0x0;
	[sflag:s21] =	ssyncset.done $0x0  }
0x4e: {  	s0 =	simm.s32 @!p1 $0x3;
	[sflag:s21] =	ssyncadd.s32 $0xFFFFEC00  }
0x4f: {  	_ =	swait.ge @!p1 [sflag:s0], $0x1400  }
0x50: {  	[sflag:s0] =	ssyncset.done @!p1 $0x0  }
0x51: {  	s4 =	simm.s32 $0x3F0;
	[sflag:s0] =	ssyncadd.s32 @!p1 $0xFFFFEC00  }
0x52: {  	v24 =	vld [tilespmem:s4+$0x2AF0]  }
0x53: {  	v25 =	vld [tilespmem:s4+$0x2B00]  }
0x54: {  	v23 =	vld [tilespmem:s4+$0x2B10]  }
0x55: {  	v22 =	vld [tilespmem:s4+$0x2B20]  }
0x56: {  	v20 =	vld [tilespmem:s4+$0x2B30]  }
0x57: {  	v21 =	vld [tilespmem:s4+$0x2B40]  }
0x58: {  	v19 =	vld [tilespmem:s4+$0x2B50]  }
0x59: {  	v18 =	vld [tilespmem:s4+$0x2B60]  }
0x5a: {  	v16 =	vld [tilespmem:s4+$0x2B70]  }
0x5b: {  	v17 =	vld [tilespmem:s4+$0x2B80]  }
0x5c: {  	v15 =	vld [tilespmem:s4+$0x2B90]  }
0x5d: {  	v14 =	vld [tilespmem:s4+$0x2BA0]  }
0x5e: {  	v12 =	vld [tilespmem:s4+$0x2BB0]  }
0x5f: {  	v13 =	vld [tilespmem:s4+$0x2BC0]  }
0x60: {  	v10 =	vld [tilespmem:s4+$0x2BD0]  }
0x61: {  	v11 =	vld [tilespmem:s4+$0x2BE0]  }
0x62: {  	v8 =	vld [tilespmem:s4+$0x2BF0]  }
0x63: {  	v9 =	vld [tilespmem:s4+$0x2C00]  }
0x64: {  	v7 =	vld [tilespmem:s4+$0x2C10]  }
0x65: {  	v6 =	vld [tilespmem:s4+$0x2C20]  }
0x66: {  	v4 =	vld [tilespmem:s4+$0x2C30]  }
0x67: {  	v5 =	vld [tilespmem:s4+$0x2C40]  }
0x68: {  	v3 =	vld [tilespmem:s4+$0x2C50]  }
0x69: {  	v2 =	vld [tilespmem:s4+$0x2C60]  }
0x6a: {  	v1 =	vld [tilespmem:s4+$0x2C70]  }
0x6b: {  	s7 =	simm.s32 $0x1FC0;
	s9 =	smov.u32 s30;
	s0 =	smul.u32 $0x280, s29;
	v0 =	vld [tilespmem:s30+$0x0]  }
.LBB2_4:
0x6c: {  	p2 =	sne.s32 s7, $0x4FC0;
	v26 =	vld [tilespmem:s4+$0x2C80]  }
0x6d: {  	v27 =	vld [tilespmem:s4+$0x2C90]  }
0x6e: {  	v28 =	vld [tilespmem:s4+$0x2CA0]  }
0x6f: {  	v29 =	vld [tilespmem:s4+$0x2CB0]  }
0x70: {  	v30 =	vbroadcast v0, $0x0;
	v31 =	vbroadcast v0, $0x1;
	v32 =	vld [tilespmem:s4+$0x2CC0]  }
0x71: {  	v33 =	vbroadcast v0, $0x2;
	v34 =	vbroadcast v0, $0x3;
	v35 =	vld [tilespmem:s4+$0x2CD0]  }
0x72: {  	v24 =	vmul.f32 v30, v24;
	v25 =	vmul.f32 v25, v30;
	v36 =	vld [tilespmem:s4+$0x2CE0]  }
0x73: {  	v23 =	vmul.f32 v23, v30;
	v22 =	vmul.f32 v22, v30;
	v30 =	vld [tilespmem:s4+$0x2CF0]  }
0x74: {  	v20 =	vmul.f32 v20, v31;
	v21 =	vmul.f32 v21, v31;
	[tilespmem:s4+$0x52F0] =	vst v24;
	v24 =	vld [tilespmem:s4+$0x2D00]  }
0x75: {  	v19 =	vmul.f32 v19, v31;
	v18 =	vmul.f32 v18, v31;
	[tilespmem:s4+$0x5300] =	vst v25;
	v25 =	vld [tilespmem:s4+$0x2D10]  }
0x76: {  	v16 =	vmul.f32 v16, v33;
	v17 =	vmul.f32 v17, v33;
	[tilespmem:s4+$0x5310] =	vst v23;
	v23 =	vld [tilespmem:s4+$0x2D20]  }
0x77: {  	v15 =	vmul.f32 v15, v33;
	v14 =	vmul.f32 v14, v33;
	[tilespmem:s4+$0x5320] =	vst v22;
	v22 =	vld [tilespmem:s4+$0x2D30]  }
0x78: {  	v12 =	vmul.f32 v12, v34;
	v13 =	vmul.f32 v13, v34;
	[tilespmem:s4+$0x5330] =	vst v20;
	v20 =	vld [tilespmem:s4+$0x2D40]  }
0x79: {  	v10 =	vmul.f32 v10, v34;
	v11 =	vmul.f32 v11, v34;
	[tilespmem:s4+$0x5340] =	vst v21;
	v21 =	vld [tilespmem:s4+$0x2D50]  }
0x7a: {  	v31 =	vbroadcast v0, $0x5;
	[tilespmem:s4+$0x5350] =	vst v19;
	v19 =	vbroadcast v0, $0x4;
	v33 =	vld [tilespmem:s4+$0x2D60]  }
0x7b: {  	v34 =	vbroadcast v0, $0x7;
	[tilespmem:s4+$0x5360] =	vst v18;
	v18 =	vbroadcast v0, $0x6;
	v37 =	vld [tilespmem:s4+$0x2D70]  }
0x7c: {  	[tilespmem:s4+$0x5370] =	vst v16;
	v8 =	vmul.f32 v8, v19;
	v9 =	vmul.f32 v9, v19;
	v16 =	vld [tilespmem:s4+$0x2D80]  }
0x7d: {  	v7 =	vmul.f32 v7, v19;
	v6 =	vmul.f32 v6, v19;
	[tilespmem:s4+$0x5380] =	vst v17;
	v17 =	vld [tilespmem:s4+$0x2D90]  }
0x7e: {  	v4 =	vmul.f32 v4, v31;
	v5 =	vmul.f32 v5, v31;
	[tilespmem:s4+$0x5390] =	vst v15;
	v15 =	vld [tilespmem:s4+$0x2DA0]  }
0x7f: {  	v3 =	vmul.f32 v3, v31;
	v2 =	vmul.f32 v2, v31;
	[tilespmem:s4+$0x53A0] =	vst v14;
	v14 =	vld [tilespmem:s4+$0x2DB0]  }
0x80: {  	v1 =	vmul.f32 v1, v18;
	[tilespmem:s4+$0x53B0] =	vst v12;
	v12 =	vmul.f32 v26, v18;
	v19 =	vld [tilespmem:s4+$0x2DC0]  }
0x81: {  	[tilespmem:s4+$0x53C0] =	vst v13;
	v13 =	vmul.f32 v27, v18;
	v18 =	vmul.f32 v28, v18;
	v26 =	vld [tilespmem:s4+$0x2DD0]  }
0x82: {  	v27 =	vmul.f32 v32, v34;
	[tilespmem:s4+$0x53D0] =	vst v10;
	v10 =	vmul.f32 v29, v34;
	v28 =	vld [tilespmem:s4+$0x2DE0]  }
0x83: {  	v29 =	vmul.f32 v36, v34;
	[tilespmem:s4+$0x53E0] =	vst v11;
	v11 =	vmul.f32 v35, v34;
	v31 =	vld [tilespmem:s4+$0x2DF0]  }
0x84: {  	v32 =	vbroadcast v0, $0x9;
	[tilespmem:s4+$0x53F0] =	vst v8;
	v8 =	vbroadcast v0, $0x8;
	v34 =	vld [tilespmem:s4+$0x2E00]  }
0x85: {  	v35 =	vbroadcast v0, $0xB;
	[tilespmem:s4+$0x5400] =	vst v9;
	v9 =	vbroadcast v0, $0xA;
	v36 =	vld [tilespmem:s4+$0x2E10]  }
0x86: {  	[tilespmem:s4+$0x5410] =	vst v7;
	v7 =	vmul.f32 v30, v8;
	v24 =	vmul.f32 v24, v8;
	v30 =	vld [tilespmem:s4+$0x2E20]  }
0x87: {  	[tilespmem:s4+$0x5420] =	vst v6;
	v6 =	vmul.f32 v25, v8;
	v8 =	vmul.f32 v23, v8;
	v23 =	vld [tilespmem:s4+$0x2E30]  }
0x88: {  	v20 =	vmul.f32 v20, v32;
	[tilespmem:s4+$0x5430] =	vst v4;
	v4 =	vmul.f32 v22, v32;
	v22 =	vld [tilespmem:s4+$0x2E40]  }
0x89: {  	[tilespmem:s4+$0x5440] =	vst v5;
	v5 =	vmul.f32 v21, v32;
	v21 =	vmul.f32 v33, v32;
	v25 =	vld [tilespmem:s4+$0x2E50]  }
0x8a: {  	v16 =	vmul.f32 v16, v9;
	[tilespmem:s4+$0x5450] =	vst v3;
	v3 =	vmul.f32 v37, v9;
	v32 =	vld [tilespmem:s4+$0x2E60]  }
0x8b: {  	[tilespmem:s4+$0x5460] =	vst v2;
	v2 =	vmul.f32 v17, v9;
	v9 =	vmul.f32 v15, v9;
	v15 =	vld [tilespmem:s4+$0x2E70]  }
0x8c: {  	[tilespmem:s4+$0x5470] =	vst v1;
	v1 =	vmul.f32 v14, v35;
	v14 =	vmul.f32 v19, v35;
	v17 =	vld [tilespmem:s4+$0x2E80]  }
0x8d: {  	[tilespmem:s4+$0x5480] =	vst v12;
	v12 =	vmul.f32 v26, v35;
	v26 =	vmul.f32 v28, v35;
	v19 =	vld [tilespmem:s4+$0x2E90]  }
0x8e: {  	v28 =	vbroadcast v0, $0xD;
	[tilespmem:s4+$0x5490] =	vst v13;
	v13 =	vbroadcast v0, $0xC;
	v33 =	vld [tilespmem:s4+$0x2EA0]  }
0x8f: {  	[tilespmem:s4+$0x54A0] =	vst v18;
	v18 =	vbroadcast v0, $0xE;
	v0 =	vbroadcast v0, $0xF;
	v35 =	vld [tilespmem:s4+$0x2EB0]  }
0x90: {  	[tilespmem:s4+$0x54B0] =	vst v10;
	v10 =	vmul.f32 v31, v13;
	v31 =	vmul.f32 v34, v13;
	v34 =	vld [tilespmem:s4+$0x2EC0]  }
0x91: {  	[tilespmem:s4+$0x54C0] =	vst v27;
	v27 =	vmul.f32 v36, v13;
	v13 =	vmul.f32 v30, v13;
	v30 =	vld [tilespmem:s4+$0x2ED0]  }
0x92: {  	v36 =	vmul.f32 v22, v28;
	[tilespmem:s4+$0x54D0] =	vst v11;
	v11 =	vmul.f32 v23, v28;
	v22 =	vld [tilespmem:s4+$0x2EE0]  }
0x93: {  	[tilespmem:s4+$0x54E0] =	vst v29;
	v29 =	vmul.f32 v25, v28;
	v28 =	vmul.f32 v32, v28  }
0x94: {  	v32 =	vmul.f32 v17, v18;
	[tilespmem:s4+$0x54F0] =	vst v7;
	v7 =	vmul.f32 v15, v18  }
0x95: {  	v37 =	vmul.f32 v19, v18;
	v33 =	vmul.f32 v33, v18;
	[tilespmem:s4+$0x5500] =	vst v24  }
0x96: {  	v35 =	vmul.f32 v35, v0;
	v34 =	vmul.f32 v34, v0;
	[tilespmem:s4+$0x5510] =	vst v6  }
0x97: {  	v30 =	vmul.f32 v30, v0;
	[tilespmem:s4+$0x5520] =	vst v8;
	v0 =	vmul.f32 v22, v0  }
0x98: {  	[tilespmem:s4+$0x5530] =	vst v4  }
0x99: {  	[tilespmem:s4+$0x5540] =	vst v20  }
0x9a: {  	s31 =	sshra.s32 s7, $0x2;
	[tilespmem:s4+$0x5550] =	vst v5  }
0x9b: {  	v24 =	vld [tilespmem:s31+$0x2AF0];
	[tilespmem:s4+$0x5560] =	vst v21  }
0x9c: {  	v25 =	vld [tilespmem:s31+$0x2B00];
	[tilespmem:s4+$0x5570] =	vst v3  }
0x9d: {  	v23 =	vld [tilespmem:s31+$0x2B10];
	[tilespmem:s4+$0x5580] =	vst v16  }
0x9e: {  	v22 =	vld [tilespmem:s31+$0x2B20];
	[tilespmem:s4+$0x5590] =	vst v2  }
0x9f: {  	v20 =	vld [tilespmem:s31+$0x2B30];
	[tilespmem:s4+$0x55A0] =	vst v9  }
0xa0: {  	v21 =	vld [tilespmem:s31+$0x2B40];
	[tilespmem:s4+$0x55B0] =	vst v1  }
0xa1: {  	v19 =	vld [tilespmem:s31+$0x2B50];
	[tilespmem:s4+$0x55C0] =	vst v14  }
0xa2: {  	v18 =	vld [tilespmem:s31+$0x2B60];
	[tilespmem:s4+$0x55D0] =	vst v12  }
0xa3: {  	v16 =	vld [tilespmem:s31+$0x2B70];
	[tilespmem:s4+$0x55E0] =	vst v26  }
0xa4: {  	v17 =	vld [tilespmem:s31+$0x2B80];
	[tilespmem:s4+$0x55F0] =	vst v10  }
0xa5: {  	v15 =	vld [tilespmem:s31+$0x2B90];
	[tilespmem:s4+$0x5600] =	vst v31  }
0xa6: {  	v14 =	vld [tilespmem:s31+$0x2BA0];
	[tilespmem:s4+$0x5610] =	vst v27  }
0xa7: {  	v12 =	vld [tilespmem:s31+$0x2BB0];
	[tilespmem:s4+$0x5620] =	vst v13  }
0xa8: {  	v13 =	vld [tilespmem:s31+$0x2BC0];
	[tilespmem:s4+$0x5630] =	vst v11  }
0xa9: {  	v10 =	vld [tilespmem:s31+$0x2BD0];
	[tilespmem:s4+$0x5640] =	vst v36  }
0xaa: {  	v11 =	vld [tilespmem:s31+$0x2BE0];
	[tilespmem:s4+$0x5650] =	vst v29  }
0xab: {  	v8 =	vld [tilespmem:s31+$0x2BF0];
	[tilespmem:s4+$0x5660] =	vst v28  }
0xac: {  	v9 =	vld [tilespmem:s31+$0x2C00];
	[tilespmem:s4+$0x5670] =	vst v7  }
0xad: {  	v7 =	vld [tilespmem:s31+$0x2C10];
	[tilespmem:s4+$0x5680] =	vst v32  }
0xae: {  	v6 =	vld [tilespmem:s31+$0x2C20];
	[tilespmem:s4+$0x5690] =	vst v37  }
0xaf: {  	v4 =	vld [tilespmem:s31+$0x2C30];
	[tilespmem:s4+$0x56A0] =	vst v33  }
.Ltmp4:
0xb0: {  	v5 =	vld [tilespmem:s31+$0x2C40];
	[tilespmem:s4+$0x56B0] =	vst v35;
	(pc) =	sbr.rel @p2 .LBB2_4-.Ltmp4, $4  }
0xb1: {  	v3 =	vld [tilespmem:s31+$0x2C50];
	[tilespmem:s4+$0x56C0] =	vst v34  }
0xb2: {  	v2 =	vld [tilespmem:s31+$0x2C60];
	[tilespmem:s4+$0x56D0] =	vst v30  }
0xb3: {  	s9 =	sadd.s32 $0x10, s9;
	v1 =	vld [tilespmem:s31+$0x2C70];
	[tilespmem:s4+$0x56E0] =	vst v0;
	s4 =	smov.u32 s31  }
0xb4: {  	s7 =	sadd.s32 $0x1000, s7;
	v0 =	vld [tilespmem:s9+$0x0]  }
0xb5: {  	_ =	sdelay $0x3  }
0xb6: {  	v30 =	vbroadcast v0, $0x0;
	_ =	sdelay $0x1  }
0xb7: {  	v24 =	vmul.f32 v30, v24  }
0xb8: {  	v25 =	vmul.f32 v25, v30  }
0xb9: {  	v35 =	vbroadcast v0, $0x1;
	v23 =	vmul.f32 v23, v30;
	[tilespmem:s4+$0x52F0] =	vst v24  }
0xba: {  	v22 =	vmul.f32 v22, v30;
	[tilespmem:s4+$0x5300] =	vst v25  }
0xbb: {  	v20 =	vmul.f32 v20, v35;
	[tilespmem:s4+$0x5310] =	vst v23  }
0xbc: {  	v21 =	vmul.f32 v21, v35;
	[tilespmem:s4+$0x5320] =	vst v22  }
0xbd: {  	v49 =	vbroadcast v0, $0x2;
	v19 =	vmul.f32 v19, v35;
	[tilespmem:s4+$0x5330] =	vst v20  }
0xbe: {  	v18 =	vmul.f32 v18, v35;
	[tilespmem:s4+$0x5340] =	vst v21  }
0xbf: {  	v16 =	vmul.f32 v16, v49;
	[tilespmem:s4+$0x5350] =	vst v19  }
0xc0: {  	v17 =	vmul.f32 v17, v49;
	[tilespmem:s4+$0x5360] =	vst v18  }
0xc1: {  	v50 =	vbroadcast v0, $0x3;
	v15 =	vmul.f32 v15, v49;
	[tilespmem:s4+$0x5370] =	vst v16  }
0xc2: {  	v14 =	vmul.f32 v14, v49;
	[tilespmem:s4+$0x5380] =	vst v17  }
0xc3: {  	v12 =	vmul.f32 v12, v50;
	[tilespmem:s4+$0x5390] =	vst v15  }
0xc4: {  	v13 =	vmul.f32 v13, v50;
	[tilespmem:s4+$0x53A0] =	vst v14  }
0xc5: {  	v51 =	vbroadcast v0, $0x4;
	v10 =	vmul.f32 v10, v50;
	[tilespmem:s4+$0x53B0] =	vst v12  }
0xc6: {  	v11 =	vmul.f32 v11, v50;
	[tilespmem:s4+$0x53C0] =	vst v13  }
0xc7: {  	v8 =	vmul.f32 v8, v51;
	[tilespmem:s4+$0x53D0] =	vst v10  }
0xc8: {  	v9 =	vmul.f32 v9, v51;
	[tilespmem:s4+$0x53E0] =	vst v11  }
0xc9: {  	v52 =	vbroadcast v0, $0x5;
	v7 =	vmul.f32 v7, v51;
	[tilespmem:s4+$0x53F0] =	vst v8  }
0xca: {  	v6 =	vmul.f32 v6, v51;
	[tilespmem:s4+$0x5400] =	vst v9  }
0xcb: {  	v26 =	vld [tilespmem:s4+$0x2C80];
	v4 =	vmul.f32 v4, v52;
	[tilespmem:s4+$0x5410] =	vst v7  }
0xcc: {  	v27 =	vld [tilespmem:s4+$0x2C90];
	v5 =	vmul.f32 v5, v52;
	[tilespmem:s4+$0x5420] =	vst v6  }
0xcd: {  	v28 =	vld [tilespmem:s4+$0x2CA0];
	v53 =	vbroadcast v0, $0x6;
	v3 =	vmul.f32 v3, v52;
	[tilespmem:s4+$0x5430] =	vst v4  }
0xce: {  	v29 =	vld [tilespmem:s4+$0x2CB0];
	v2 =	vmul.f32 v2, v52;
	[tilespmem:s4+$0x5440] =	vst v5  }
0xcf: {  	v31 =	vld [tilespmem:s4+$0x2CC0];
	v1 =	vmul.f32 v1, v53;
	[tilespmem:s4+$0x5450] =	vst v3  }
0xd0: {  	v32 =	vld [tilespmem:s4+$0x2CD0];
	v26 =	vmul.f32 v26, v53;
	[tilespmem:s4+$0x5460] =	vst v2  }
0xd1: {  	v33 =	vld [tilespmem:s4+$0x2CE0];
	v54 =	vbroadcast v0, $0x7;
	v27 =	vmul.f32 v27, v53;
	[tilespmem:s4+$0x5470] =	vst v1  }
0xd2: {  	v34 =	vld [tilespmem:s4+$0x2CF0];
	v28 =	vmul.f32 v28, v53;
	[tilespmem:s4+$0x5480] =	vst v26  }
0xd3: {  	v29 =	vmul.f32 v29, v54;
	v24 =	vld [tilespmem:s4+$0x2D00];
	[tilespmem:s4+$0x5490] =	vst v27  }
0xd4: {  	v56 =	vmul.f32 v31, v54;
	v25 =	vld [tilespmem:s4+$0x2D10];
	[tilespmem:s4+$0x54A0] =	vst v28  }
0xd5: {  	v59 =	vbroadcast v0, $0x8;
	v58 =	vmul.f32 v32, v54;
	v23 =	vld [tilespmem:s4+$0x2D20];
	[tilespmem:s4+$0x54B0] =	vst v29  }
0xd6: {  	v33 =	vmul.f32 v33, v54;
	v22 =	vld [tilespmem:s4+$0x2D30];
	[tilespmem:s4+$0x54C0] =	vst v56  }
0xd7: {  	v61 =	vmul.f32 v34, v59;
	v20 =	vld [tilespmem:s4+$0x2D40];
	[tilespmem:s4+$0x54D0] =	vst v58  }
0xd8: {  	v21 =	vld [tilespmem:s4+$0x2D50];
	[tilespmem:s4+$0x54E0] =	vst v33;
	v24 =	vmul.f32 v24, v59  }
0xd9: {  	v63 =	vbroadcast v0, $0x9;
	v19 =	vld [tilespmem:s4+$0x2D60];
	[tilespmem:s4+$0x54F0] =	vst v61;
	v25 =	vmul.f32 v25, v59  }
0xda: {  	v18 =	vld [tilespmem:s4+$0x2D70];
	v23 =	vmul.f32 v23, v59;
	[tilespmem:s4+$0x5500] =	vst v24  }
0xdb: {  	v16 =	vld [tilespmem:s4+$0x2D80];
	v22 =	vmul.f32 v22, v63;
	[tilespmem:s4+$0x5510] =	vst v25  }
0xdc: {  	v17 =	vld [tilespmem:s4+$0x2D90];
	v20 =	vmul.f32 v20, v63;
	[tilespmem:s4+$0x5520] =	vst v23  }
0xdd: {  	v15 =	vld [tilespmem:s4+$0x2DA0];
	v21 =	vmul.f32 v21, v63;
	v23 =	vbroadcast v0, $0xA;
	[tilespmem:s4+$0x5530] =	vst v22  }
0xde: {  	v14 =	vld [tilespmem:s4+$0x2DB0];
	v19 =	vmul.f32 v19, v63;
	[tilespmem:s4+$0x5540] =	vst v20  }
0xdf: {  	v12 =	vld [tilespmem:s4+$0x2DC0];
	[tilespmem:s4+$0x5550] =	vst v21;
	v18 =	vmul.f32 v18, v23  }
0xe0: {  	v13 =	vld [tilespmem:s4+$0x2DD0];
	[tilespmem:s4+$0x5560] =	vst v19;
	v16 =	vmul.f32 v16, v23  }
0xe1: {  	v10 =	vld [tilespmem:s4+$0x2DE0];
	v19 =	vbroadcast v0, $0xB;
	v17 =	vmul.f32 v17, v23;
	[tilespmem:s4+$0x5570] =	vst v18  }
0xe2: {  	v11 =	vld [tilespmem:s4+$0x2DF0];
	v15 =	vmul.f32 v15, v23;
	[tilespmem:s4+$0x5580] =	vst v16  }
0xe3: {  	v8 =	vld [tilespmem:s4+$0x2E00];
	v14 =	vmul.f32 v14, v19;
	[tilespmem:s4+$0x5590] =	vst v17  }
0xe4: {  	v9 =	vld [tilespmem:s4+$0x2E10];
	v12 =	vmul.f32 v12, v19;
	[tilespmem:s4+$0x55A0] =	vst v15  }
0xe5: {  	v7 =	vld [tilespmem:s4+$0x2E20];
	v13 =	vmul.f32 v13, v19;
	v15 =	vbroadcast v0, $0xC;
	[tilespmem:s4+$0x55B0] =	vst v14  }
0xe6: {  	v6 =	vld [tilespmem:s4+$0x2E30];
	v10 =	vmul.f32 v10, v19;
	[tilespmem:s4+$0x55C0] =	vst v12  }
0xe7: {  	v4 =	vld [tilespmem:s4+$0x2E40];
	[tilespmem:s4+$0x55D0] =	vst v13;
	v11 =	vmul.f32 v11, v15  }
0xe8: {  	v5 =	vld [tilespmem:s4+$0x2E50];
	[tilespmem:s4+$0x55E0] =	vst v10;
	v8 =	vmul.f32 v8, v15  }
0xe9: {  	v3 =	vld [tilespmem:s4+$0x2E60];
	v10 =	vbroadcast v0, $0xD;
	v9 =	vmul.f32 v9, v15;
	[tilespmem:s4+$0x55F0] =	vst v11  }
0xea: {  	v2 =	vld [tilespmem:s4+$0x2E70];
	v7 =	vmul.f32 v7, v15;
	[tilespmem:s4+$0x5600] =	vst v8  }
0xeb: {  	v1 =	vld [tilespmem:s4+$0x2E80];
	v6 =	vmul.f32 v6, v10;
	[tilespmem:s4+$0x5610] =	vst v9  }
0xec: {  	v26 =	vld [tilespmem:s4+$0x2E90];
	v4 =	vmul.f32 v4, v10;
	[tilespmem:s4+$0x5620] =	vst v7  }
0xed: {  	v27 =	vld [tilespmem:s4+$0x2EA0];
	v5 =	vmul.f32 v5, v10;
	v7 =	vbroadcast v0, $0xE;
	[tilespmem:s4+$0x5630] =	vst v6  }
0xee: {  	v55 =	vld [tilespmem:s4+$0x2EB0];
	v3 =	vmul.f32 v3, v10;
	[tilespmem:s4+$0x5640] =	vst v4  }
0xef: {  	v57 =	vld [tilespmem:s4+$0x2EC0];
	[tilespmem:s4+$0x5650] =	vst v5;
	v2 =	vmul.f32 v2, v7  }
0xf0: {  	v60 =	vld [tilespmem:s4+$0x2ED0];
	[tilespmem:s4+$0x5660] =	vst v3;
	v1 =	vmul.f32 v1, v7  }
0xf1: {  	v62 =	vld [tilespmem:s4+$0x2EE0];
	v0 =	vbroadcast v0, $0xF;
	v3 =	vmul.f32 v26, v7;
	[tilespmem:s4+$0x5670] =	vst v2  }
0xf2: {  	v2 =	vmul.f32 v27, v7;
	[tilespmem:s4+$0x5680] =	vst v1  }
0xf3: {  	v1 =	vmul.f32 v55, v0;
	[tilespmem:s4+$0x5690] =	vst v3  }
0xf4: {  	v3 =	vmul.f32 v57, v0;
	[tilespmem:s4+$0x56A0] =	vst v2  }
0xf5: {  	v2 =	vmul.f32 v60, v0;
	[tilespmem:s4+$0x56B0] =	vst v1  }
0xf6: {  	p2 =	seq.s32 s29, $0x18;
	v0 =	vmul.f32 v62, v0;
	[tilespmem:s4+$0x56C0] =	vst v3  }
0xf7: {  	s6 =	sshra.s32 @!p2 s0, $0x2;
	[tilespmem:s4+$0x56D0] =	vst v2  }
0xf8: {  	s7 =	simm.s32 @!p2 $0x2EE0;
	[tilespmem:s4+$0x56E0] =	vst v0;
	s4 =	sadd.s32 @!p2 $0xA0, s6;
	s6 =	simm.s32 @!p2 $0x50  }
0xf9: {  	[tilespmem:s7], [sflag:$0x1] =	stream.indirect.gather @!p2 [hbm4b:s11+s6], $0x40, s4, s6, $0xb8;
	[tilespmem:$0x11B20] =	vst v63  }
0xfa: {  	s4 =	sshra.s32 s0, $0x2  }
0xfb: {  	s9 =	sadd.s32 $0xFA0, s4  }
0xfc: {  	[spmem:s3] =	stream.indirect.scatter.add.f32 [tilespmem:s22], [sflag:$0x3], $0x40, s9, s18, $0xb8;
	[tilespmem:$0x11B20] =	vst v63  }
0xfd: {  	_ =	swait.ge [sflag:s23], $0x1400  }
0xfe: {  	[sflag:s23] =	ssyncset.done $0x0  }
0xff: {  	s6 =	simm.s32 @!p1 $0x4;
	[sflag:s23] =	ssyncadd.s32 $0xFFFFEC00  }
0x100: {  	_ =	swait.ge @!p1 [sflag:s6], $0x1400  }
0x101: {  	[sflag:s6] =	ssyncset.done @!p1 $0x0  }
0x102: {  	s7 =	simm.s32 $0x3F0;
	[sflag:s6] =	ssyncadd.s32 @!p1 $0xFFFFEC00  }
0x103: {  	v24 =	vld [tilespmem:s7+$0x3EF0]  }
0x104: {  	v25 =	vld [tilespmem:s7+$0x3F00]  }
0x105: {  	v23 =	vld [tilespmem:s7+$0x3F10]  }
0x106: {  	v22 =	vld [tilespmem:s7+$0x3F20]  }
0x107: {  	v20 =	vld [tilespmem:s7+$0x3F30]  }
0x108: {  	v21 =	vld [tilespmem:s7+$0x3F40]  }
0x109: {  	v19 =	vld [tilespmem:s7+$0x3F50]  }
0x10a: {  	v18 =	vld [tilespmem:s7+$0x3F60]  }
0x10b: {  	v16 =	vld [tilespmem:s7+$0x3F70]  }
0x10c: {  	v17 =	vld [tilespmem:s7+$0x3F80]  }
0x10d: {  	v15 =	vld [tilespmem:s7+$0x3F90]  }
0x10e: {  	v14 =	vld [tilespmem:s7+$0x3FA0]  }
0x10f: {  	v12 =	vld [tilespmem:s7+$0x3FB0]  }
0x110: {  	v13 =	vld [tilespmem:s7+$0x3FC0]  }
0x111: {  	v10 =	vld [tilespmem:s7+$0x3FD0]  }
0x112: {  	v11 =	vld [tilespmem:s7+$0x3FE0]  }
0x113: {  	v8 =	vld [tilespmem:s7+$0x3FF0]  }
0x114: {  	v9 =	vld [tilespmem:s7+$0x4000]  }
0x115: {  	v7 =	vld [tilespmem:s7+$0x4010]  }
0x116: {  	v6 =	vld [tilespmem:s7+$0x4020]  }
0x117: {  	v4 =	vld [tilespmem:s7+$0x4030]  }
0x118: {  	v5 =	vld [tilespmem:s7+$0x4040]  }
0x119: {  	v3 =	vld [tilespmem:s7+$0x4050]  }
0x11a: {  	v2 =	vld [tilespmem:s7+$0x4060]  }
0x11b: {  	v1 =	vld [tilespmem:s7+$0x4070]  }
0x11c: {  	s31 =	smov.u32 s13;
	s0 =	sadd.s32 $0x140, s0;
	s9 =	simm.s32 $0x1FC0;
	v0 =	vld [tilespmem:s13+$0x0]  }
.LBB2_6:
0x11d: {  	p1 =	sne.s32 s9, $0x4FC0;
	v26 =	vld [tilespmem:s7+$0x4080]  }
0x11e: {  	v27 =	vld [tilespmem:s7+$0x4090]  }
0x11f: {  	v28 =	vld [tilespmem:s7+$0x40A0]  }
0x120: {  	v29 =	vld [tilespmem:s7+$0x40B0]  }
0x121: {  	v30 =	vbroadcast v0, $0x0;
	v31 =	vbroadcast v0, $0x1;
	v32 =	vld [tilespmem:s7+$0x40C0]  }
0x122: {  	v33 =	vbroadcast v0, $0x2;
	v34 =	vbroadcast v0, $0x3;
	v35 =	vld [tilespmem:s7+$0x40D0]  }
0x123: {  	v24 =	vmul.f32 v30, v24;
	v25 =	vmul.f32 v25, v30;
	v36 =	vld [tilespmem:s7+$0x40E0]  }
0x124: {  	v23 =	vmul.f32 v23, v30;
	v22 =	vmul.f32 v22, v30;
	v30 =	vld [tilespmem:s7+$0x40F0]  }
0x125: {  	v20 =	vmul.f32 v20, v31;
	v21 =	vmul.f32 v21, v31;
	[tilespmem:s7+$0x66F0] =	vst v24;
	v24 =	vld [tilespmem:s7+$0x4100]  }
0x126: {  	v19 =	vmul.f32 v19, v31;
	v18 =	vmul.f32 v18, v31;
	[tilespmem:s7+$0x6700] =	vst v25;
	v25 =	vld [tilespmem:s7+$0x4110]  }
0x127: {  	v16 =	vmul.f32 v16, v33;
	v17 =	vmul.f32 v17, v33;
	[tilespmem:s7+$0x6710] =	vst v23;
	v23 =	vld [tilespmem:s7+$0x4120]  }
0x128: {  	v15 =	vmul.f32 v15, v33;
	v14 =	vmul.f32 v14, v33;
	[tilespmem:s7+$0x6720] =	vst v22;
	v22 =	vld [tilespmem:s7+$0x4130]  }
0x129: {  	v12 =	vmul.f32 v12, v34;
	v13 =	vmul.f32 v13, v34;
	[tilespmem:s7+$0x6730] =	vst v20;
	v20 =	vld [tilespmem:s7+$0x4140]  }
0x12a: {  	v10 =	vmul.f32 v10, v34;
	v11 =	vmul.f32 v11, v34;
	[tilespmem:s7+$0x6740] =	vst v21;
	v21 =	vld [tilespmem:s7+$0x4150]  }
0x12b: {  	v31 =	vbroadcast v0, $0x5;
	[tilespmem:s7+$0x6750] =	vst v19;
	v19 =	vbroadcast v0, $0x4;
	v33 =	vld [tilespmem:s7+$0x4160]  }
0x12c: {  	v34 =	vbroadcast v0, $0x7;
	[tilespmem:s7+$0x6760] =	vst v18;
	v18 =	vbroadcast v0, $0x6;
	v37 =	vld [tilespmem:s7+$0x4170]  }
0x12d: {  	[tilespmem:s7+$0x6770] =	vst v16;
	v8 =	vmul.f32 v8, v19;
	v9 =	vmul.f32 v9, v19;
	v16 =	vld [tilespmem:s7+$0x4180]  }
0x12e: {  	v7 =	vmul.f32 v7, v19;
	v6 =	vmul.f32 v6, v19;
	[tilespmem:s7+$0x6780] =	vst v17;
	v17 =	vld [tilespmem:s7+$0x4190]  }
0x12f: {  	v4 =	vmul.f32 v4, v31;
	v5 =	vmul.f32 v5, v31;
	[tilespmem:s7+$0x6790] =	vst v15;
	v15 =	vld [tilespmem:s7+$0x41A0]  }
0x130: {  	v3 =	vmul.f32 v3, v31;
	v2 =	vmul.f32 v2, v31;
	[tilespmem:s7+$0x67A0] =	vst v14;
	v14 =	vld [tilespmem:s7+$0x41B0]  }
0x131: {  	v1 =	vmul.f32 v1, v18;
	[tilespmem:s7+$0x67B0] =	vst v12;
	v12 =	vmul.f32 v26, v18;
	v19 =	vld [tilespmem:s7+$0x41C0]  }
0x132: {  	[tilespmem:s7+$0x67C0] =	vst v13;
	v13 =	vmul.f32 v27, v18;
	v18 =	vmul.f32 v28, v18;
	v26 =	vld [tilespmem:s7+$0x41D0]  }
0x133: {  	v27 =	vmul.f32 v32, v34;
	[tilespmem:s7+$0x67D0] =	vst v10;
	v10 =	vmul.f32 v29, v34;
	v28 =	vld [tilespmem:s7+$0x41E0]  }
0x134: {  	v29 =	vmul.f32 v36, v34;
	[tilespmem:s7+$0x67E0] =	vst v11;
	v11 =	vmul.f32 v35, v34;
	v31 =	vld [tilespmem:s7+$0x41F0]  }
0x135: {  	v32 =	vbroadcast v0, $0x9;
	[tilespmem:s7+$0x67F0] =	vst v8;
	v8 =	vbroadcast v0, $0x8;
	v34 =	vld [tilespmem:s7+$0x4200]  }
0x136: {  	v35 =	vbroadcast v0, $0xB;
	[tilespmem:s7+$0x6800] =	vst v9;
	v9 =	vbroadcast v0, $0xA;
	v36 =	vld [tilespmem:s7+$0x4210]  }
0x137: {  	[tilespmem:s7+$0x6810] =	vst v7;
	v7 =	vmul.f32 v30, v8;
	v24 =	vmul.f32 v24, v8;
	v30 =	vld [tilespmem:s7+$0x4220]  }
0x138: {  	[tilespmem:s7+$0x6820] =	vst v6;
	v6 =	vmul.f32 v25, v8;
	v8 =	vmul.f32 v23, v8;
	v23 =	vld [tilespmem:s7+$0x4230]  }
0x139: {  	v20 =	vmul.f32 v20, v32;
	[tilespmem:s7+$0x6830] =	vst v4;
	v4 =	vmul.f32 v22, v32;
	v22 =	vld [tilespmem:s7+$0x4240]  }
0x13a: {  	[tilespmem:s7+$0x6840] =	vst v5;
	v5 =	vmul.f32 v21, v32;
	v21 =	vmul.f32 v33, v32;
	v25 =	vld [tilespmem:s7+$0x4250]  }
0x13b: {  	v16 =	vmul.f32 v16, v9;
	[tilespmem:s7+$0x6850] =	vst v3;
	v3 =	vmul.f32 v37, v9;
	v32 =	vld [tilespmem:s7+$0x4260]  }
0x13c: {  	[tilespmem:s7+$0x6860] =	vst v2;
	v2 =	vmul.f32 v17, v9;
	v9 =	vmul.f32 v15, v9;
	v15 =	vld [tilespmem:s7+$0x4270]  }
0x13d: {  	[tilespmem:s7+$0x6870] =	vst v1;
	v1 =	vmul.f32 v14, v35;
	v14 =	vmul.f32 v19, v35;
	v17 =	vld [tilespmem:s7+$0x4280]  }
0x13e: {  	[tilespmem:s7+$0x6880] =	vst v12;
	v12 =	vmul.f32 v26, v35;
	v26 =	vmul.f32 v28, v35;
	v19 =	vld [tilespmem:s7+$0x4290]  }
0x13f: {  	v28 =	vbroadcast v0, $0xD;
	[tilespmem:s7+$0x6890] =	vst v13;
	v13 =	vbroadcast v0, $0xC;
	v33 =	vld [tilespmem:s7+$0x42A0]  }
0x140: {  	[tilespmem:s7+$0x68A0] =	vst v18;
	v18 =	vbroadcast v0, $0xE;
	v0 =	vbroadcast v0, $0xF;
	v35 =	vld [tilespmem:s7+$0x42B0]  }
0x141: {  	[tilespmem:s7+$0x68B0] =	vst v10;
	v10 =	vmul.f32 v31, v13;
	v31 =	vmul.f32 v34, v13;
	v34 =	vld [tilespmem:s7+$0x42C0]  }
0x142: {  	[tilespmem:s7+$0x68C0] =	vst v27;
	v27 =	vmul.f32 v36, v13;
	v13 =	vmul.f32 v30, v13;
	v30 =	vld [tilespmem:s7+$0x42D0]  }
0x143: {  	v36 =	vmul.f32 v22, v28;
	[tilespmem:s7+$0x68D0] =	vst v11;
	v11 =	vmul.f32 v23, v28;
	v22 =	vld [tilespmem:s7+$0x42E0]  }
0x144: {  	[tilespmem:s7+$0x68E0] =	vst v29;
	v29 =	vmul.f32 v25, v28;
	v28 =	vmul.f32 v32, v28  }
0x145: {  	v32 =	vmul.f32 v17, v18;
	[tilespmem:s7+$0x68F0] =	vst v7;
	v7 =	vmul.f32 v15, v18  }
0x146: {  	v37 =	vmul.f32 v19, v18;
	v33 =	vmul.f32 v33, v18;
	[tilespmem:s7+$0x6900] =	vst v24  }
0x147: {  	v35 =	vmul.f32 v35, v0;
	v34 =	vmul.f32 v34, v0;
	[tilespmem:s7+$0x6910] =	vst v6  }
0x148: {  	v30 =	vmul.f32 v30, v0;
	[tilespmem:s7+$0x6920] =	vst v8;
	v0 =	vmul.f32 v22, v0  }
0x149: {  	[tilespmem:s7+$0x6930] =	vst v4  }
0x14a: {  	[tilespmem:s7+$0x6940] =	vst v20  }
0x14b: {  	s6 =	sshra.s32 s9, $0x2;
	[tilespmem:s7+$0x6950] =	vst v5  }
0x14c: {  	v24 =	vld [tilespmem:s6+$0x3EF0];
	[tilespmem:s7+$0x6960] =	vst v21  }
0x14d: {  	v25 =	vld [tilespmem:s6+$0x3F00];
	[tilespmem:s7+$0x6970] =	vst v3  }
0x14e: {  	v23 =	vld [tilespmem:s6+$0x3F10];
	[tilespmem:s7+$0x6980] =	vst v16  }
0x14f: {  	v22 =	vld [tilespmem:s6+$0x3F20];
	[tilespmem:s7+$0x6990] =	vst v2  }
0x150: {  	v20 =	vld [tilespmem:s6+$0x3F30];
	[tilespmem:s7+$0x69A0] =	vst v9  }
0x151: {  	v21 =	vld [tilespmem:s6+$0x3F40];
	[tilespmem:s7+$0x69B0] =	vst v1  }
0x152: {  	v19 =	vld [tilespmem:s6+$0x3F50];
	[tilespmem:s7+$0x69C0] =	vst v14  }
0x153: {  	v18 =	vld [tilespmem:s6+$0x3F60];
	[tilespmem:s7+$0x69D0] =	vst v12  }
0x154: {  	v16 =	vld [tilespmem:s6+$0x3F70];
	[tilespmem:s7+$0x69E0] =	vst v26  }
0x155: {  	v17 =	vld [tilespmem:s6+$0x3F80];
	[tilespmem:s7+$0x69F0] =	vst v10  }
0x156: {  	v15 =	vld [tilespmem:s6+$0x3F90];
	[tilespmem:s7+$0x6A00] =	vst v31  }
0x157: {  	v14 =	vld [tilespmem:s6+$0x3FA0];
	[tilespmem:s7+$0x6A10] =	vst v27  }
0x158: {  	v12 =	vld [tilespmem:s6+$0x3FB0];
	[tilespmem:s7+$0x6A20] =	vst v13  }
0x159: {  	v13 =	vld [tilespmem:s6+$0x3FC0];
	[tilespmem:s7+$0x6A30] =	vst v11  }
0x15a: {  	v10 =	vld [tilespmem:s6+$0x3FD0];
	[tilespmem:s7+$0x6A40] =	vst v36  }
0x15b: {  	v11 =	vld [tilespmem:s6+$0x3FE0];
	[tilespmem:s7+$0x6A50] =	vst v29  }
0x15c: {  	v8 =	vld [tilespmem:s6+$0x3FF0];
	[tilespmem:s7+$0x6A60] =	vst v28  }
0x15d: {  	v9 =	vld [tilespmem:s6+$0x4000];
	[tilespmem:s7+$0x6A70] =	vst v7  }
0x15e: {  	v7 =	vld [tilespmem:s6+$0x4010];
	[tilespmem:s7+$0x6A80] =	vst v32  }
0x15f: {  	v6 =	vld [tilespmem:s6+$0x4020];
	[tilespmem:s7+$0x6A90] =	vst v37  }
0x160: {  	v4 =	vld [tilespmem:s6+$0x4030];
	[tilespmem:s7+$0x6AA0] =	vst v33  }
.Ltmp5:
0x161: {  	v5 =	vld [tilespmem:s6+$0x4040];
	[tilespmem:s7+$0x6AB0] =	vst v35;
	(pc) =	sbr.rel @p1 .LBB2_6-.Ltmp5, $4  }
0x162: {  	v3 =	vld [tilespmem:s6+$0x4050];
	[tilespmem:s7+$0x6AC0] =	vst v34  }
0x163: {  	v2 =	vld [tilespmem:s6+$0x4060];
	[tilespmem:s7+$0x6AD0] =	vst v30  }
0x164: {  	s31 =	sadd.s32 $0x10, s31;
	v1 =	vld [tilespmem:s6+$0x4070];
	[tilespmem:s7+$0x6AE0] =	vst v0;
	s7 =	smov.u32 s6  }
0x165: {  	s9 =	sadd.s32 $0x1000, s9;
	v0 =	vld [tilespmem:s31+$0x0]  }
0x166: {  	_ =	sdelay $0x3  }
0x167: {  	v30 =	vbroadcast v0, $0x0;
	_ =	sdelay $0x1  }
0x168: {  	v24 =	vmul.f32 v30, v24  }
0x169: {  	v25 =	vmul.f32 v25, v30  }
0x16a: {  	v35 =	vbroadcast v0, $0x1;
	v23 =	vmul.f32 v23, v30;
	[tilespmem:s7+$0x66F0] =	vst v24  }
0x16b: {  	v22 =	vmul.f32 v22, v30;
	[tilespmem:s7+$0x6700] =	vst v25  }
0x16c: {  	v20 =	vmul.f32 v20, v35;
	[tilespmem:s7+$0x6710] =	vst v23  }
0x16d: {  	v21 =	vmul.f32 v21, v35;
	[tilespmem:s7+$0x6720] =	vst v22  }
0x16e: {  	v53 =	vbroadcast v0, $0x2;
	v19 =	vmul.f32 v19, v35;
	[tilespmem:s7+$0x6730] =	vst v20  }
0x16f: {  	v18 =	vmul.f32 v18, v35;
	[tilespmem:s7+$0x6740] =	vst v21  }
0x170: {  	v16 =	vmul.f32 v16, v53;
	[tilespmem:s7+$0x6750] =	vst v19  }
0x171: {  	v17 =	vmul.f32 v17, v53;
	[tilespmem:s7+$0x6760] =	vst v18  }
0x172: {  	v54 =	vbroadcast v0, $0x3;
	v15 =	vmul.f32 v15, v53;
	[tilespmem:s7+$0x6770] =	vst v16  }
0x173: {  	v14 =	vmul.f32 v14, v53;
	[tilespmem:s7+$0x6780] =	vst v17  }
0x174: {  	v12 =	vmul.f32 v12, v54;
	[tilespmem:s7+$0x6790] =	vst v15  }
0x175: {  	v13 =	vmul.f32 v13, v54;
	[tilespmem:s7+$0x67A0] =	vst v14  }
0x176: {  	v55 =	vbroadcast v0, $0x4;
	v10 =	vmul.f32 v10, v54;
	[tilespmem:s7+$0x67B0] =	vst v12  }
0x177: {  	v11 =	vmul.f32 v11, v54;
	[tilespmem:s7+$0x67C0] =	vst v13  }
0x178: {  	v8 =	vmul.f32 v8, v55;
	[tilespmem:s7+$0x67D0] =	vst v10  }
0x179: {  	v9 =	vmul.f32 v9, v55;
	[tilespmem:s7+$0x67E0] =	vst v11  }
0x17a: {  	v60 =	vbroadcast v0, $0x5;
	v7 =	vmul.f32 v7, v55;
	[tilespmem:s7+$0x67F0] =	vst v8  }
0x17b: {  	v6 =	vmul.f32 v6, v55;
	[tilespmem:s7+$0x6800] =	vst v9  }
0x17c: {  	v26 =	vld [tilespmem:s7+$0x4080];
	v4 =	vmul.f32 v4, v60;
	[tilespmem:s7+$0x6810] =	vst v7  }
0x17d: {  	v27 =	vld [tilespmem:s7+$0x4090];
	v5 =	vmul.f32 v5, v60;
	[tilespmem:s7+$0x6820] =	vst v6  }
0x17e: {  	v28 =	vld [tilespmem:s7+$0x40A0];
	v37 =	vbroadcast v0, $0x6;
	v3 =	vmul.f32 v3, v60;
	[tilespmem:s7+$0x6830] =	vst v4  }
0x17f: {  	v29 =	vld [tilespmem:s7+$0x40B0];
	v2 =	vmul.f32 v2, v60;
	[tilespmem:s7+$0x6840] =	vst v5  }
0x180: {  	v31 =	vld [tilespmem:s7+$0x40C0];
	v1 =	vmul.f32 v1, v37;
	[tilespmem:s7+$0x6850] =	vst v3  }
0x181: {  	v32 =	vld [tilespmem:s7+$0x40D0];
	v26 =	vmul.f32 v26, v37;
	[tilespmem:s7+$0x6860] =	vst v2  }
0x182: {  	v33 =	vld [tilespmem:s7+$0x40E0];
	v42 =	vbroadcast v0, $0x7;
	v27 =	vmul.f32 v27, v37;
	[tilespmem:s7+$0x6870] =	vst v1  }
0x183: {  	v34 =	vld [tilespmem:s7+$0x40F0];
	v28 =	vmul.f32 v28, v37;
	[tilespmem:s7+$0x6880] =	vst v26  }
0x184: {  	v52 =	vld [tilespmem:s7+$0x4100];
	v29 =	vmul.f32 v29, v42;
	[tilespmem:s7+$0x6890] =	vst v27  }
0x185: {  	v56 =	vld [tilespmem:s7+$0x41E0];
	v45 =	vmul.f32 v31, v42;
	[tilespmem:s7+$0x68A0] =	vst v28  }
0x186: {  	v57 =	vld [tilespmem:s7+$0x41F0];
	v48 =	vbroadcast v0, $0x8;
	v47 =	vmul.f32 v32, v42;
	[tilespmem:s7+$0x68B0] =	vst v29  }
0x187: {  	v58 =	vld [tilespmem:s7+$0x4200];
	v33 =	vmul.f32 v33, v42;
	[tilespmem:s7+$0x68C0] =	vst v45  }
0x188: {  	v59 =	vld [tilespmem:s7+$0x4210];
	v50 =	vmul.f32 v34, v48;
	v54 =	vbroadcast v0, $0xB;
	[tilespmem:s7+$0x68D0] =	vst v47  }
0x189: {  	v61 =	vld [tilespmem:s7+$0x4220];
	v55 =	vbroadcast v0, $0xC;
	v24 =	vmul.f32 v52, v48;
	[tilespmem:s7+$0x68E0] =	vst v33  }
0x18a: {  	v62 =	vld [tilespmem:s7+$0x4230];
	[tilespmem:s7+$0x68F0] =	vst v50;
	v10 =	vmul.f32 v56, v54  }
0x18b: {  	v63 =	vld [tilespmem:s7+$0x4240];
	v11 =	vmul.f32 v57, v55;
	[tilespmem:s7+$0x6900] =	vst v24  }
0x18c: {  	v36 =	vld [tilespmem:s7+$0x4250];
	v8 =	vmul.f32 v58, v55;
	[tilespmem:s7+$0x69E0] =	vst v10  }
0x18d: {  	v38 =	vld [tilespmem:s7+$0x4260];
	v56 =	vbroadcast v0, $0xD;
	v9 =	vmul.f32 v59, v55;
	[tilespmem:s7+$0x69F0] =	vst v11  }
0x18e: {  	v39 =	vld [tilespmem:s7+$0x4270];
	v7 =	vmul.f32 v61, v55;
	[tilespmem:s7+$0x6A00] =	vst v8  }
0x18f: {  	v40 =	vld [tilespmem:s7+$0x4280];
	v6 =	vmul.f32 v62, v56;
	[tilespmem:s7+$0x6A10] =	vst v9  }
0x190: {  	v41 =	vld [tilespmem:s7+$0x4290];
	v4 =	vmul.f32 v63, v56;
	[tilespmem:s7+$0x6A20] =	vst v7  }
0x191: {  	v43 =	vld [tilespmem:s7+$0x42A0];
	v57 =	vbroadcast v0, $0xE;
	v5 =	vmul.f32 v36, v56;
	[tilespmem:s7+$0x6A30] =	vst v6  }
0x192: {  	v44 =	vld [tilespmem:s7+$0x42B0];
	v3 =	vmul.f32 v38, v56;
	[tilespmem:s7+$0x6A40] =	vst v4  }
0x193: {  	v46 =	vld [tilespmem:s7+$0x42C0];
	v2 =	vmul.f32 v39, v57;
	[tilespmem:s7+$0x6A50] =	vst v5  }
0x194: {  	v49 =	vld [tilespmem:s7+$0x42D0];
	v1 =	vmul.f32 v40, v57;
	[tilespmem:s7+$0x6A60] =	vst v3  }
0x195: {  	v51 =	vld [tilespmem:s7+$0x42E0];
	v58 =	vbroadcast v0, $0xF;
	v59 =	vmul.f32 v41, v57;
	[tilespmem:s7+$0x6A70] =	vst v2  }
0x196: {  	v25 =	vld [tilespmem:s7+$0x4110];
	v60 =	vmul.f32 v43, v57;
	[tilespmem:s7+$0x6A80] =	vst v1  }
0x197: {  	v23 =	vld [tilespmem:s7+$0x4120];
	v61 =	vmul.f32 v44, v58;
	[tilespmem:s7+$0x6A90] =	vst v59  }
0x198: {  	v22 =	vld [tilespmem:s7+$0x4130];
	v62 =	vmul.f32 v46, v58;
	[tilespmem:s7+$0x6AA0] =	vst v60  }
0x199: {  	v53 =	vbroadcast v0, $0xA;
	v20 =	vld [tilespmem:s7+$0x4140];
	v63 =	vmul.f32 v49, v58;
	[tilespmem:s7+$0x6AB0] =	vst v61  }
0x19a: {  	v21 =	vld [tilespmem:s7+$0x4150];
	v52 =	vbroadcast v0, $0x9;
	v0 =	vmul.f32 v51, v58;
	[tilespmem:s7+$0x6AC0] =	vst v62  }
0x19b: {  	v19 =	vld [tilespmem:s7+$0x4160];
	[tilespmem:s7+$0x6AD0] =	vst v63;
	v25 =	vmul.f32 v25, v48  }
0x19c: {  	v18 =	vld [tilespmem:s7+$0x4170];
	[tilespmem:s7+$0x6AE0] =	vst v0;
	v23 =	vmul.f32 v23, v48  }
0x19d: {  	v16 =	vld [tilespmem:s7+$0x4180];
	v22 =	vmul.f32 v22, v52;
	[tilespmem:s7+$0x6910] =	vst v25  }
0x19e: {  	v17 =	vld [tilespmem:s7+$0x4190];
	v20 =	vmul.f32 v20, v52;
	[tilespmem:s7+$0x6920] =	vst v23  }
0x19f: {  	v15 =	vld [tilespmem:s7+$0x41A0];
	v21 =	vmul.f32 v21, v52;
	[tilespmem:s7+$0x6930] =	vst v22  }
0x1a0: {  	v14 =	vld [tilespmem:s7+$0x41B0];
	v19 =	vmul.f32 v19, v52;
	[tilespmem:s7+$0x6940] =	vst v20  }
0x1a1: {  	v12 =	vld [tilespmem:s7+$0x41C0];
	v18 =	vmul.f32 v18, v53;
	[tilespmem:s7+$0x6950] =	vst v21  }
0x1a2: {  	v13 =	vld [tilespmem:s7+$0x41D0];
	v16 =	vmul.f32 v16, v53;
	[tilespmem:s7+$0x6960] =	vst v19  }
0x1a3: {  	v17 =	vmul.f32 v17, v53;
	[tilespmem:s7+$0x6970] =	vst v18  }
0x1a4: {  	v15 =	vmul.f32 v15, v53;
	[tilespmem:s7+$0x6980] =	vst v16  }
.Ltmp6:
0x1a5: {  	v14 =	vmul.f32 v14, v54;
	[tilespmem:s7+$0x6990] =	vst v17;
	(pc) =	sbr.rel @p2 .LBB2_9-.Ltmp6, $4  }
0x1a6: {  	v12 =	vmul.f32 v12, v54;
	[tilespmem:s7+$0x69A0] =	vst v15  }
0x1a7: {  	v13 =	vmul.f32 v13, v54;
	[tilespmem:s7+$0x69B0] =	vst v14  }
0x1a8: {  	s0 =	sshra.s32 s0, $0x2;
	[tilespmem:s7+$0x69C0] =	vst v12  }
0x1a9: {  	s0 =	sadd.s32 $0xFA0, s0;
	[tilespmem:s7+$0x69D0] =	vst v13  }
.Ltmp7:
0x1aa: {  	(pc) =	sbr.rel .LBB2_3-.Ltmp7, $4  }
0x1ab: {  	s4 =	sadd.s32 $0xF0, s4  }
0x1ac: {  	[tilespmem:s20], [sflag:$0x2] =	stream.indirect.gather [hbm4b:s11+s18], $0x40, s4, s18, $0xb8;
	[tilespmem:$0x11B20] =	vst v63  }
0x1ad: {  	s29 =	sadd.s32 $0x1, s29;
	s30 =	sadd.s32 $0xA0, s30;
	s13 =	sadd.s32 $0xA0, s13  }
0x1ae: {  	[spmem:s3] =	stream.indirect.scatter.add.f32 [tilespmem:s24], [sflag:$0x4], $0x40, s0, s18, $0xb8;
	[tilespmem:$0x11B20] =	vst v63  }
.LBB2_11:
0x1af: {  	_ =	sfence.sel $0x180000  }
0x1b0: {  	[bflag:$0x0] =	sbarrier.arrive $0xFFFF  }
0x1b1: {  	_ =	strace $0x90000047  }
0x1b2: {  	s0 =	stileid.u32;
	[bflag:$0x2] =	sbarrier.arrive $0xFFFF  }
0x1b3: {  	p0 =	sne.s32 s0, $0x0;
	s0 =	rddreg [dreg:$0x5]  }
0x1b4: {  	s0 =	sadd.s32 @!p0 $0x100000, s0  }
0x1b5: {  	[sflag:s0] =	ssyncadd.tile.s32 @!p0 $0x1;
	_ =	shalt  }
.Lfunc_end2:
_tile_overlayer_lowered:
.L_overlay_start_2:
0x1b6: {  	(tag) =	ssettag $0x2  }
0x1b7: {  	s0 =	rddreg [dreg:$0x0];
	s2 =	stileid.u32  }
0x1b8: {  	s1 =	rddreg [dreg:$0x1];
	p0 =	sne.s32 s2, $0x0  }
0x1b9: {  	s3 =	rddreg [dreg:$0x2];
	[bflag:$0x3] =	sbarrier.arrive $0xFFFF;
	s2 =	simm.s32 @!p0 $0x1C05  }
0x1ba: {  	[timem:s3], [sflag:s2] =	dma.local @!p0 [hbm:s0], s1  }
0x1bb: {  	s0 =	simm.s32 @!p0 $0x5  }
0x1bc: {  	_ =	swait.ge @!p0 [sflag:s0], s1  }
0x1bd: {  	s1 =	ssub.s32 @!p0 $0x0, s1;
	[sflag:s0] =	ssyncset.done @!p0 $0x0  }
0x1be: {  	[sflag:s0] =	ssyncadd.s32 @!p0 s1  }
0x1bf: {  	[bflag:$0x3] =	sbarrier.arrive $0xFFFF  }
0x1c0: {  	_ =	shalt  }

</sc_bundles>
